<compile_context>
chip_gen: v7x
topology: tpu7x:2x2x1
jax: 0.10.2.dev20260603
libtpu: 0.0.44.dev20260713+nightly
codegen_flags: <defaults>
</compile_context>

<pallas_src>
import functools

import jax
import jax.numpy as jnp
from jax import lax
from jax.experimental import pallas as pl
from jax.experimental.pallas import tpu as pltpu
from jax.experimental.pallas import tpu_sc as plsc

NC = 2
NS = 16
NW = NC * NS
CHUNK = 128
RING = 16
K = 8

_MESH = plsc.VectorSubcoreMesh(core_axis_name="c", subcore_axis_name="s")
_SC_PARAMS = pltpu.CompilerParams(use_tc_tiling_on_sc=False)


def _sc_degree(col2d, zeros1):
    nch = col2d.shape[0] // NW
    n_pad = zeros1.shape[0]

    @functools.partial(
        pl.kernel,
        out_type=jax.ShapeDtypeStruct((NC, n_pad), jnp.float32),
        mesh=_MESH,
        scratch_types=[
            pltpu.VMEM((nch, CHUNK), jnp.int32),
            pltpu.VMEM((CHUNK,), jnp.float32),
            pltpu.VMEM_SHARED((n_pad,), jnp.float32),
            pltpu.SemaphoreType.DMA,
        ],
        compiler_params=_SC_PARAMS,
    )
    def k(col_hbm, zeros_hbm, deg_hbm, cidx, ones_f, acc_sh, dsem):
        c = lax.axis_index("c")
        s = lax.axis_index("s")
        wid = s * NC + c

        @pl.loop(0, CHUNK, step=16)
        def _(i):
            ones_f[pl.ds(i, 16)] = jnp.full((16,), 1.0, jnp.float32)

        pltpu.sync_copy(col_hbm.at[pl.ds(wid * nch, nch)], cidx)

        @pl.when(s == 0)
        def _():
            pltpu.sync_copy(zeros_hbm, acc_sh)

        plsc.subcore_barrier()

        @pl.loop(0, nch)
        def _(j):
            pltpu.sync_copy(ones_f, acc_sh.at[cidx.at[j]], add=True)

        plsc.subcore_barrier()

        @pl.when(s == 0)
        def _():
            pltpu.sync_copy(acc_sh, deg_hbm.at[c])

    return k(col2d, zeros1)


def _sc_aggregate(g, row2d, col2d, zeros2):
    n, d = g.shape
    nch = row2d.shape[0] // NW
    n_pad = zeros2.shape[0]
    irps = (n_pad // NS) // 8 * 8
    irlast = n_pad - irps * (NS - 1)
    wrps = (n // NS) // 8 * 8
    wrlast = n - wrps * (NS - 1)

    @functools.partial(
        pl.kernel,
        out_type=jax.ShapeDtypeStruct((NC, n, d), jnp.float32),
        mesh=_MESH,
        scratch_types=[
            pltpu.VMEM((nch, CHUNK), jnp.int32),
            pltpu.VMEM((nch, CHUNK), jnp.int32),
            pltpu.VMEM((RING, CHUNK, d), jnp.float32),
            pltpu.VMEM_SHARED((n_pad, d), jnp.float32),
            pltpu.VMEM_SHARED((n, d), jnp.float32),
            pltpu.SemaphoreType.DMA((K,)),
            pltpu.SemaphoreType.DMA((K,)),
        ],
        compiler_params=_SC_PARAMS,
    )
    def k(g_hbm, row_hbm, col_hbm, zeros_hbm, out_hbm,
          ridx, cidx, rows, acc_sh, g_sh, gsem, ssem):
        c = lax.axis_index("c")
        s = lax.axis_index("s")
        wid = s * NC + c

        ph = [pltpu.async_copy(row_hbm.at[pl.ds(wid * nch, nch)], ridx,
                               gsem.at[0]),
              pltpu.async_copy(col_hbm.at[pl.ds(wid * nch, nch)], cidx,
                               gsem.at[1])]

        @pl.when(s < NS - 1)
        def _():
            h1 = pltpu.async_copy(zeros_hbm.at[pl.ds(s * irps, irps)],
                                  acc_sh.at[pl.ds(s * irps, irps)],
                                  gsem.at[2])
            h2 = pltpu.async_copy(g_hbm.at[pl.ds(s * wrps, wrps)],
                                  g_sh.at[pl.ds(s * wrps, wrps)],
                                  gsem.at[3])
            h1.wait()
            h2.wait()

        @pl.when(s == NS - 1)
        def _():
            h1 = pltpu.async_copy(zeros_hbm.at[pl.ds((NS - 1) * irps, irlast)],
                                  acc_sh.at[pl.ds((NS - 1) * irps, irlast)],
                                  gsem.at[2])
            h2 = pltpu.async_copy(g_hbm.at[pl.ds((NS - 1) * wrps, wrlast)],
                                  g_sh.at[pl.ds((NS - 1) * wrps, wrlast)],
                                  gsem.at[3])
            h1.wait()
            h2.wait()

        for h in ph:
            h.wait()
        plsc.subcore_barrier()

        @pl.loop(0, nch, step=K)
        def _(j):
            gh, sh = [], []
            for b in range(K):
                gh.append(pltpu.async_copy(
                    g_sh.at[ridx.at[j + b]], rows.at[b], gsem.at[b]))
            for b in range(K):
                gh[b].wait()
                sh.append(pltpu.async_copy(
                    rows.at[b], acc_sh.at[cidx.at[j + b]], ssem.at[b],
                    add=True))
            for b in range(K):
                sh[b].wait()

        plsc.subcore_barrier()

        @pl.when(s < NS - 1)
        def _():
            pltpu.sync_copy(acc_sh.at[pl.ds(s * wrps, wrps)],
                            out_hbm.at[c, pl.ds(s * wrps, wrps)])

        @pl.when(s == NS - 1)
        def _():
            pltpu.sync_copy(acc_sh.at[pl.ds((NS - 1) * wrps, wrlast)],
                            out_hbm.at[c, pl.ds((NS - 1) * wrps, wrlast)])

    return k(g, row2d, col2d, zeros2)


def _tc_lin1_scale(x, w1, b1r, degp_t):
    n = x.shape[0]
    d = w1.shape[1]

    def body(x_ref, w_ref, b_ref, dp_ref, dinv_ref, g_ref):
        hlin = jnp.dot(x_ref[...], w_ref[...],
                       preferred_element_type=jnp.float32) + b_ref[...]
        dp = dp_ref[...]
        deg = dp[:, 0:1] + dp[:, 1:2] + 1.0
        dinv = lax.rsqrt(deg)
        dinv_ref[...] = dinv
        g_ref[...] = dinv * hlin

    return pl.pallas_call(
        body,
        out_shape=[jax.ShapeDtypeStruct((n, 1), jnp.float32),
                   jax.ShapeDtypeStruct((n, d), jnp.float32)],
    )(x, w1, b1r, degp_t)


def _tc_layer2(accp, dinv, g1, w2p, b2r):
    n, d = g1.shape

    def body(a_ref, dinv_ref, g_ref, w_ref, b_ref, o_ref):
        arr = a_ref[...]
        dv = dinv_ref[...]
        h1 = jnp.maximum(dv * (arr[0] + arr[1] + g_ref[...]), 0.0)
        o_ref[...] = dv * (jnp.dot(h1, w_ref[...],
                                   preferred_element_type=jnp.float32)
                           + b_ref[...])

    return pl.pallas_call(
        body, out_shape=jax.ShapeDtypeStruct((n, d), jnp.float32),
    )(accp, dinv, g1, w2p, b2r)


def _tc_final(accp, dinv, g2, ncls):
    n, d = g2.shape

    def body(a_ref, dinv_ref, g_ref, o_ref):
        arr = a_ref[...]
        o = dinv_ref[...] * (arr[0] + arr[1] + g_ref[...])
        lane = lax.broadcasted_iota(jnp.int32, (1, d), 1)
        mask = lane < ncls
        m = jnp.max(jnp.where(mask, o, -jnp.inf), axis=1, keepdims=True)
        e = jnp.where(mask, jnp.exp(o - m), 0.0)
        lse = m + jnp.log(jnp.sum(e, axis=1, keepdims=True))
        o_ref[...] = (o - lse)[:, :ncls]

    return pl.pallas_call(
        body, out_shape=jax.ShapeDtypeStruct((n, ncls), jnp.float32),
    )(accp, dinv, g2)


def kernel(x, edge_index, W1, b1, W2, b2):
    n = x.shape[0]
    e = edge_index.shape[1]
    dh = W1.shape[1]
    ncls = W2.shape[1]

    grp = NW * CHUNK * RING
    epad = -(-e // grp) * grp
    row = edge_index[0]
    col = edge_index[1]
    rowp = jnp.concatenate(
        [row, jnp.zeros((epad - e,), row.dtype)]).reshape(-1, CHUNK)
    colp = jnp.concatenate(
        [col, jnp.full((epad - e,), n, col.dtype)]).reshape(-1, CHUNK)

    zeros1 = jnp.zeros((n + 8,), jnp.float32)
    zeros2 = jnp.zeros((n + 8, dh), jnp.float32)
    b1r = b1.reshape(1, dh)
    w2p = jnp.pad(W2, ((0, 0), (0, dh - ncls)))
    b2r = jnp.pad(b2, (0, dh - ncls)).reshape(1, dh)

    degp = _sc_degree(colp, zeros1)
    dinv, g1 = _tc_lin1_scale(x, W1, b1r, degp.T[:n])
    acc1 = _sc_aggregate(g1, rowp, colp, zeros2)
    g2 = _tc_layer2(acc1, dinv, g1, w2p, b2r)
    acc2 = _sc_aggregate(g2, rowp, colp, zeros2)
    return _tc_final(acc2, dinv, g2, ncls)

# --- scband reference (transcript-rebuilt; emitter-appended) ---
"""Pipeline reference for scband-mmd-gcnnet-57904749084743 (READ-ONLY COPY).

The authoritative reference and input builder live on the scoring server;
editing this copy changes nothing except your own understanding.
"""

import jax, jax.numpy as jnp
import numpy as np

N_NODES = 10000
N_EDGES = 320000
D_FEAT = 128
D_HID = 16
N_CLASSES = 10


def gcn_conv(x, edge_index, W, b):
    # Faithful to MMD_GCNConv.forward (mat_mmd is computed but unused -> dead code, omitted).
    N = x.shape[0]
    loops = jnp.stack([jnp.arange(N, dtype=edge_index.dtype),
                       jnp.arange(N, dtype=edge_index.dtype)], axis=0)
    ei = jnp.concatenate([edge_index, loops], axis=1)  # add_self_loops
    h = x @ W + b  # self.lin(x)
    row, col = ei[0], ei[1]
    # deg = degree(col, N)
    deg = jnp.zeros((N,), dtype=h.dtype).at[col].add(jnp.ones((ei.shape[1],), dtype=h.dtype))
    deg_inv_sqrt = jnp.where(deg > 0, deg ** -0.5, 0.0)
    norm = deg_inv_sqrt[row] * deg_inv_sqrt[col]
    # message: norm.view(-1,1) * x_j ; aggr='add' at dst (col)
    msg = norm[:, None] * jnp.take(h, row, axis=0)
    out = jnp.zeros((N, h.shape[1]), dtype=h.dtype).at[col].add(msg)
    return out


def setup_inputs(seed: int = 0) -> dict:
    key = jax.random.key(seed)
    k1, k2, k3, k4, k5, k6 = jax.random.split(key, 6)
    x = jax.random.normal(k1, (N_NODES, D_FEAT), dtype=jnp.float32)
    edge_index = jax.random.randint(k2, (2, N_EDGES), 0, N_NODES, dtype=jnp.int32)
    W1 = jax.random.normal(k3, (D_FEAT, D_HID), dtype=jnp.float32) * (1.0 / np.sqrt(D_FEAT))
    b1 = jax.random.normal(k4, (D_HID,), dtype=jnp.float32) * 0.01
    W2 = jax.random.normal(k5, (D_HID, N_CLASSES), dtype=jnp.float32) * (1.0 / np.sqrt(D_HID))
    b2 = jax.random.normal(k6, (N_CLASSES,), dtype=jnp.float32) * 0.01
    return {"x": x, "edge_index": edge_index, "W1": W1, "b1": b1, "W2": W2, "b2": b2}


def reference(x, edge_index, W1, b1, W2, b2):
    # layer 0: conv -> relu -> dropout(eval mode = identity)
    h = jax.nn.relu(gcn_conv(x, edge_index, W1, b1))
    # layer 1 (last): conv
    out = gcn_conv(h, edge_index, W2, b2)
    return jax.nn.log_softmax(out, axis=1)

if __name__ == "__main__":
    import jax
    _d = setup_inputs()
    print(jax.jit(kernel)(*tuple(_d.values())))

</pallas_src>

<mosaic_0001>
#map = affine_map<(d0, d1) -> (0, 0)>
#map1 = affine_map<(d0, d1) -> (0, 0, 0)>
module attributes {stable_mosaic.version = 14 : i64} {
  func.func @k(%arg0: i32, %arg1: i32, %arg2: memref<10000x16xf32, #tpu.memory_space<hbm>>, %arg3: memref<2560x128xi32, #tpu.memory_space<hbm>>, %arg4: memref<2560x128xi32, #tpu.memory_space<hbm>>, %arg5: memref<10008x16xf32, #tpu.memory_space<hbm>>, %arg6: memref<2x10000x16xf32, #tpu.memory_space<hbm>>, %arg7: memref<80x128xi32, #tpu.memory_space<vmem>>, %arg8: memref<80x128xi32, #tpu.memory_space<vmem>>, %arg9: memref<16x128x16xf32, #tpu.memory_space<vmem>>, %arg10: memref<10008x16xf32, #tpu.memory_space<vmem_shared>>, %arg11: memref<10000x16xf32, #tpu.memory_space<vmem_shared>>, %arg12: memref<8x!tpu.dma_semaphore, #tpu.memory_space<semaphore_mem>>, %arg13: memref<8x!tpu.dma_semaphore, #tpu.memory_space<semaphore_mem>>) attributes {dimension_semantics = [#tpu.dimension_semantics<core_parallel>, #tpu.dimension_semantics<subcore_parallel>], iteration_bounds = array<i64: 2, 16>, scalar_prefetch = 0 : i64, scratch_operands = 7 : i64, tpu.core_type = #tpu.core_type<sc_vector_subcore>, window_params = [{transform_indices = #map}, {transform_indices = #map}, {transform_indices = #map}, {transform_indices = #map}, {transform_indices = #map1}]} {
    %mul3A = arith.constant 2 : i32
    %mul3A_0 = arith.muli %arg1, %mul3A : i32
    %add3A = arith.addi %mul3A_0, %arg0 : i32
    %mul3A_1 = arith.constant 80 : i32
    %mul3A_2 = arith.muli %add3A, %mul3A_1 : i32
    %dma_start3A = arith.constant 0 : i32
    %dma_start3A_3 = arith.constant 0 : i32
    %dma_start3A_4 = tpu.memref_slice %arg3[%mul3A_2, %dma_start3A_3] : memref<2560x128xi32, #tpu.memory_space<hbm>> -> memref<80x128xi32, #tpu.memory_space<hbm>>
    %dma_start3A_5 = tpu.memref_slice %arg12[%dma_start3A] : memref<8x!tpu.dma_semaphore, #tpu.memory_space<semaphore_mem>> -> memref<1x!tpu.dma_semaphore, #tpu.memory_space<semaphore_mem>>
    %dma_start3A_6 = tpu.memref_squeeze %dma_start3A_5 : memref<1x!tpu.dma_semaphore, #tpu.memory_space<semaphore_mem>> -> memref<!tpu.dma_semaphore, #tpu.memory_space<semaphore_mem>>
    %dma_start3A_7 = arith.constant 0 : i32
    %dma_start3A_8 = tpu.memref_slice %arg3[%mul3A_2, %dma_start3A_7] : memref<2560x128xi32, #tpu.memory_space<hbm>> -> memref<80x128xi32, #tpu.memory_space<hbm>>
    tpu.enqueue_dma source(%dma_start3A_8 : memref<80x128xi32, #tpu.memory_space<hbm>>) target(%arg7 : memref<80x128xi32, #tpu.memory_space<vmem>>) target_semaphore(%dma_start3A_6 : memref<!tpu.dma_semaphore, #tpu.memory_space<semaphore_mem>>)
    %mul3A_9 = arith.constant 80 : i32
    %mul3A_10 = arith.muli %add3A, %mul3A_9 : i32
    %dma_start3A_11 = arith.constant 1 : i32
    %dma_start3A_12 = arith.constant 0 : i32
    %dma_start3A_13 = tpu.memref_slice %arg4[%mul3A_10, %dma_start3A_12] : memref<2560x128xi32, #tpu.memory_space<hbm>> -> memref<80x128xi32, #tpu.memory_space<hbm>>
    %dma_start3A_14 = tpu.memref_slice %arg12[%dma_start3A_11] : memref<8x!tpu.dma_semaphore, #tpu.memory_space<semaphore_mem>> -> memref<1x!tpu.dma_semaphore, #tpu.memory_space<semaphore_mem>>
    %dma_start3A_15 = tpu.memref_squeeze %dma_start3A_14 : memref<1x!tpu.dma_semaphore, #tpu.memory_space<semaphore_mem>> -> memref<!tpu.dma_semaphore, #tpu.memory_space<semaphore_mem>>
    %dma_start3A_16 = arith.constant 0 : i32
    %dma_start3A_17 = tpu.memref_slice %arg4[%mul3A_10, %dma_start3A_16] : memref<2560x128xi32, #tpu.memory_space<hbm>> -> memref<80x128xi32, #tpu.memory_space<hbm>>
    tpu.enqueue_dma source(%dma_start3A_17 : memref<80x128xi32, #tpu.memory_space<hbm>>) target(%arg8 : memref<80x128xi32, #tpu.memory_space<vmem>>) target_semaphore(%dma_start3A_15 : memref<!tpu.dma_semaphore, #tpu.memory_space<semaphore_mem>>)
    %lt3A = arith.constant 15 : i32
    %lt3A_18 = arith.cmpi slt, %arg1, %lt3A : i32
    %convert_element_type3A = arith.extui %lt3A_18 : i1 to i32
    %cond3A = arith.constant 0 : i32
    %cond3A_19 = arith.cmpi ne, %convert_element_type3A, %cond3A : i32
    scf.if %cond3A_19 {
      %mul3A_52 = arith.constant 624 : i32
      %mul3A_53 = arith.muli %arg1, %mul3A_52 : i32
      %mul3A_54 = arith.constant 624 : i32
      %mul3A_55 = arith.muli %arg1, %mul3A_54 : i32
      %dma_start3A_56 = arith.constant 2 : i32
      %dma_start3A_57 = tpu.memref_slice %arg12[%dma_start3A_56] : memref<8x!tpu.dma_semaphore, #tpu.memory_space<semaphore_mem>> -> memref<1x!tpu.dma_semaphore, #tpu.memory_space<semaphore_mem>>
      %dma_start3A_58 = tpu.memref_squeeze %dma_start3A_57 : memref<1x!tpu.dma_semaphore, #tpu.memory_space<semaphore_mem>> -> memref<!tpu.dma_semaphore, #tpu.memory_space<semaphore_mem>>
      %dma_start3A_59 = arith.constant 0 : i32
      %dma_start3A_60 = tpu.memref_slice %arg10[%mul3A_55, %dma_start3A_59] : memref<10008x16xf32, #tpu.memory_space<vmem_shared>> -> memref<624x16xf32, #tpu.memory_space<vmem_shared>>
      %dma_start3A_61 = arith.constant 0 : i32
      %dma_start3A_62 = tpu.memref_slice %arg5[%mul3A_53, %dma_start3A_61] : memref<10008x16xf32, #tpu.memory_space<hbm>> -> memref<624x16xf32, #tpu.memory_space<hbm>>
      tpu.enqueue_dma source(%dma_start3A_62 : memref<624x16xf32, #tpu.memory_space<hbm>>) target(%dma_start3A_60 : memref<624x16xf32, #tpu.memory_space<vmem_shared>>) target_semaphore(%dma_start3A_58 : memref<!tpu.dma_semaphore, #tpu.memory_space<semaphore_mem>>)
      %mul3A_63 = arith.constant 624 : i32
      %mul3A_64 = arith.muli %arg1, %mul3A_63 : i32
      %mul3A_65 = arith.constant 624 : i32
      %mul3A_66 = arith.muli %arg1, %mul3A_65 : i32
      %dma_start3A_67 = arith.constant 3 : i32
      %dma_start3A_68 = tpu.memref_slice %arg12[%dma_start3A_67] : memref<8x!tpu.dma_semaphore, #tpu.memory_space<semaphore_mem>> -> memref<1x!tpu.dma_semaphore, #tpu.memory_space<semaphore_mem>>
      %dma_start3A_69 = tpu.memref_squeeze %dma_start3A_68 : memref<1x!tpu.dma_semaphore, #tpu.memory_space<semaphore_mem>> -> memref<!tpu.dma_semaphore, #tpu.memory_space<semaphore_mem>>
      %dma_start3A_70 = arith.constant 0 : i32
      %dma_start3A_71 = tpu.memref_slice %arg11[%mul3A_66, %dma_start3A_70] : memref<10000x16xf32, #tpu.memory_space<vmem_shared>> -> memref<624x16xf32, #tpu.memory_space<vmem_shared>>
      %dma_start3A_72 = arith.constant 0 : i32
      %dma_start3A_73 = tpu.memref_slice %arg2[%mul3A_64, %dma_start3A_72] : memref<10000x16xf32, #tpu.memory_space<hbm>> -> memref<624x16xf32, #tpu.memory_space<hbm>>
      tpu.enqueue_dma source(%dma_start3A_73 : memref<624x16xf32, #tpu.memory_space<hbm>>) target(%dma_start3A_71 : memref<624x16xf32, #tpu.memory_space<vmem_shared>>) target_semaphore(%dma_start3A_69 : memref<!tpu.dma_semaphore, #tpu.memory_space<semaphore_mem>>)
      %dma_wait3A_74 = arith.constant 2 : i32
      %dma_wait3A_75 = tpu.memref_slice %arg12[%dma_wait3A_74] : memref<8x!tpu.dma_semaphore, #tpu.memory_space<semaphore_mem>> -> memref<1x!tpu.dma_semaphore, #tpu.memory_space<semaphore_mem>>
      %dma_wait3A_76 = tpu.memref_squeeze %dma_wait3A_75 : memref<1x!tpu.dma_semaphore, #tpu.memory_space<semaphore_mem>> -> memref<!tpu.dma_semaphore, #tpu.memory_space<semaphore_mem>>
      %dma_wait3A_77 = arith.constant 0 : i32
      %dma_wait3A_78 = tpu.memref_slice %arg10[%mul3A_55, %dma_wait3A_77] : memref<10008x16xf32, #tpu.memory_space<vmem_shared>> -> memref<624x16xf32, #tpu.memory_space<vmem_shared>>
      %dma_wait3A_79 = arith.constant 0 : i32
      %dma_wait3A_80 = tpu.memref_slice %arg5[%mul3A_53, %dma_wait3A_79] : memref<10008x16xf32, #tpu.memory_space<hbm>> -> memref<624x16xf32, #tpu.memory_space<hbm>>
      tpu.wait_dma2 semaphore(%dma_wait3A_76 : memref<!tpu.dma_semaphore, #tpu.memory_space<semaphore_mem>>) src(%dma_wait3A_80 : memref<624x16xf32, #tpu.memory_space<hbm>>) dst(%dma_wait3A_78 : memref<624x16xf32, #tpu.memory_space<vmem_shared>>)
      %dma_wait3A_81 = arith.constant 3 : i32
      %dma_wait3A_82 = tpu.memref_slice %arg12[%dma_wait3A_81] : memref<8x!tpu.dma_semaphore, #tpu.memory_space<semaphore_mem>> -> memref<1x!tpu.dma_semaphore, #tpu.memory_space<semaphore_mem>>
      %dma_wait3A_83 = tpu.memref_squeeze %dma_wait3A_82 : memref<1x!tpu.dma_semaphore, #tpu.memory_space<semaphore_mem>> -> memref<!tpu.dma_semaphore, #tpu.memory_space<semaphore_mem>>
      %dma_wait3A_84 = arith.constant 0 : i32
      %dma_wait3A_85 = tpu.memref_slice %arg11[%mul3A_66, %dma_wait3A_84] : memref<10000x16xf32, #tpu.memory_space<vmem_shared>> -> memref<624x16xf32, #tpu.memory_space<vmem_shared>>
      %dma_wait3A_86 = arith.constant 0 : i32
      %dma_wait3A_87 = tpu.memref_slice %arg2[%mul3A_64, %dma_wait3A_86] : memref<10000x16xf32, #tpu.memory_space<hbm>> -> memref<624x16xf32, #tpu.memory_space<hbm>>
      tpu.wait_dma2 semaphore(%dma_wait3A_83 : memref<!tpu.dma_semaphore, #tpu.memory_space<semaphore_mem>>) src(%dma_wait3A_87 : memref<624x16xf32, #tpu.memory_space<hbm>>) dst(%dma_wait3A_85 : memref<624x16xf32, #tpu.memory_space<vmem_shared>>)
    } else {
    }
    %eq3A = arith.constant 15 : i32
    %eq3A_20 = arith.cmpi eq, %arg1, %eq3A : i32
    %convert_element_type3A_21 = arith.extui %eq3A_20 : i1 to i32
    %cond3A_22 = arith.constant 0 : i32
    %cond3A_23 = arith.cmpi ne, %convert_element_type3A_21, %cond3A_22 : i32
    scf.if %cond3A_23 {
      %dma_start3A_52 = arith.constant 2 : i32
      %dma_start3A_53 = tpu.memref_slice %arg12[%dma_start3A_52] : memref<8x!tpu.dma_semaphore, #tpu.memory_space<semaphore_mem>> -> memref<1x!tpu.dma_semaphore, #tpu.memory_space<semaphore_mem>>
      %dma_start3A_54 = tpu.memref_squeeze %dma_start3A_53 : memref<1x!tpu.dma_semaphore, #tpu.memory_space<semaphore_mem>> -> memref<!tpu.dma_semaphore, #tpu.memory_space<semaphore_mem>>
      %dma_start3A_55 = arith.constant 9360 : i32
      %dma_start3A_56 = arith.constant 0 : i32
      %dma_start3A_57 = tpu.memref_slice %arg10[%dma_start3A_55, %dma_start3A_56] : memref<10008x16xf32, #tpu.memory_space<vmem_shared>> -> memref<648x16xf32, #tpu.memory_space<vmem_shared>>
      %dma_start3A_58 = arith.constant 9360 : i32
      %dma_start3A_59 = arith.constant 0 : i32
      %dma_start3A_60 = tpu.memref_slice %arg5[%dma_start3A_58, %dma_start3A_59] : memref<10008x16xf32, #tpu.memory_space<hbm>> -> memref<648x16xf32, #tpu.memory_space<hbm>>
      tpu.enqueue_dma source(%dma_start3A_60 : memref<648x16xf32, #tpu.memory_space<hbm>>) target(%dma_start3A_57 : memref<648x16xf32, #tpu.memory_space<vmem_shared>>) target_semaphore(%dma_start3A_54 : memref<!tpu.dma_semaphore, #tpu.memory_space<semaphore_mem>>)
      %dma_start3A_61 = arith.constant 3 : i32
      %dma_start3A_62 = tpu.memref_slice %arg12[%dma_start3A_61] : memref<8x!tpu.dma_semaphore, #tpu.memory_space<semaphore_mem>> -> memref<1x!tpu.dma_semaphore, #tpu.memory_space<semaphore_mem>>
      %dma_start3A_63 = tpu.memref_squeeze %dma_start3A_62 : memref<1x!tpu.dma_semaphore, #tpu.memory_space<semaphore_mem>> -> memref<!tpu.dma_semaphore, #tpu.memory_space<semaphore_mem>>
      %dma_start3A_64 = arith.constant 9360 : i32
      %dma_start3A_65 = arith.constant 0 : i32
      %dma_start3A_66 = tpu.memref_slice %arg11[%dma_start3A_64, %dma_start3A_65] : memref<10000x16xf32, #tpu.memory_space<vmem_shared>> -> memref<640x16xf32, #tpu.memory_space<vmem_shared>>
      %dma_start3A_67 = arith.constant 9360 : i32
      %dma_start3A_68 = arith.constant 0 : i32
      %dma_start3A_69 = tpu.memref_slice %arg2[%dma_start3A_67, %dma_start3A_68] : memref<10000x16xf32, #tpu.memory_space<hbm>> -> memref<640x16xf32, #tpu.memory_space<hbm>>
      tpu.enqueue_dma source(%dma_start3A_69 : memref<640x16xf32, #tpu.memory_space<hbm>>) target(%dma_start3A_66 : memref<640x16xf32, #tpu.memory_space<vmem_shared>>) target_semaphore(%dma_start3A_63 : memref<!tpu.dma_semaphore, #tpu.memory_space<semaphore_mem>>)
      %dma_wait3A_70 = arith.constant 2 : i32
      %dma_wait3A_71 = tpu.memref_slice %arg12[%dma_wait3A_70] : memref<8x!tpu.dma_semaphore, #tpu.memory_space<semaphore_mem>> -> memref<1x!tpu.dma_semaphore, #tpu.memory_space<semaphore_mem>>
      %dma_wait3A_72 = tpu.memref_squeeze %dma_wait3A_71 : memref<1x!tpu.dma_semaphore, #tpu.memory_space<semaphore_mem>> -> memref<!tpu.dma_semaphore, #tpu.memory_space<semaphore_mem>>
      %dma_wait3A_73 = arith.constant 9360 : i32
      %dma_wait3A_74 = arith.constant 0 : i32
      %dma_wait3A_75 = tpu.memref_slice %arg10[%dma_wait3A_73, %dma_wait3A_74] : memref<10008x16xf32, #tpu.memory_space<vmem_shared>> -> memref<648x16xf32, #tpu.memory_space<vmem_shared>>
      %dma_wait3A_76 = arith.constant 9360 : i32
      %dma_wait3A_77 = arith.constant 0 : i32
      %dma_wait3A_78 = tpu.memref_slice %arg5[%dma_wait3A_76, %dma_wait3A_77] : memref<10008x16xf32, #tpu.memory_space<hbm>> -> memref<648x16xf32, #tpu.memory_space<hbm>>
      tpu.wait_dma2 semaphore(%dma_wait3A_72 : memref<!tpu.dma_semaphore, #tpu.memory_space<semaphore_mem>>) src(%dma_wait3A_78 : memref<648x16xf32, #tpu.memory_space<hbm>>) dst(%dma_wait3A_75 : memref<648x16xf32, #tpu.memory_space<vmem_shared>>)
      %dma_wait3A_79 = arith.constant 3 : i32
      %dma_wait3A_80 = tpu.memref_slice %arg12[%dma_wait3A_79] : memref<8x!tpu.dma_semaphore, #tpu.memory_space<semaphore_mem>> -> memref<1x!tpu.dma_semaphore, #tpu.memory_space<semaphore_mem>>
      %dma_wait3A_81 = tpu.memref_squeeze %dma_wait3A_80 : memref<1x!tpu.dma_semaphore, #tpu.memory_space<semaphore_mem>> -> memref<!tpu.dma_semaphore, #tpu.memory_space<semaphore_mem>>
      %dma_wait3A_82 = arith.constant 9360 : i32
      %dma_wait3A_83 = arith.constant 0 : i32
      %dma_wait3A_84 = tpu.memref_slice %arg11[%dma_wait3A_82, %dma_wait3A_83] : memref<10000x16xf32, #tpu.memory_space<vmem_shared>> -> memref<640x16xf32, #tpu.memory_space<vmem_shared>>
      %dma_wait3A_85 = arith.constant 9360 : i32
      %dma_wait3A_86 = arith.constant 0 : i32
      %dma_wait3A_87 = tpu.memref_slice %arg2[%dma_wait3A_85, %dma_wait3A_86] : memref<10000x16xf32, #tpu.memory_space<hbm>> -> memref<640x16xf32, #tpu.memory_space<hbm>>
      tpu.wait_dma2 semaphore(%dma_wait3A_81 : memref<!tpu.dma_semaphore, #tpu.memory_space<semaphore_mem>>) src(%dma_wait3A_87 : memref<640x16xf32, #tpu.memory_space<hbm>>) dst(%dma_wait3A_84 : memref<640x16xf32, #tpu.memory_space<vmem_shared>>)
    } else {
    }
    %dma_wait3A = arith.constant 0 : i32
    %dma_wait3A_24 = arith.constant 0 : i32
    %dma_wait3A_25 = tpu.memref_slice %arg3[%mul3A_2, %dma_wait3A_24] : memref<2560x128xi32, #tpu.memory_space<hbm>> -> memref<80x128xi32, #tpu.memory_space<hbm>>
    %dma_wait3A_26 = tpu.memref_slice %arg12[%dma_wait3A] : memref<8x!tpu.dma_semaphore, #tpu.memory_space<semaphore_mem>> -> memref<1x!tpu.dma_semaphore, #tpu.memory_space<semaphore_mem>>
    %dma_wait3A_27 = tpu.memref_squeeze %dma_wait3A_26 : memref<1x!tpu.dma_semaphore, #tpu.memory_space<semaphore_mem>> -> memref<!tpu.dma_semaphore, #tpu.memory_space<semaphore_mem>>
    %dma_wait3A_28 = arith.constant 0 : i32
    %dma_wait3A_29 = tpu.memref_slice %arg3[%mul3A_2, %dma_wait3A_28] : memref<2560x128xi32, #tpu.memory_space<hbm>> -> memref<80x128xi32, #tpu.memory_space<hbm>>
    tpu.wait_dma2 semaphore(%dma_wait3A_27 : memref<!tpu.dma_semaphore, #tpu.memory_space<semaphore_mem>>) src(%dma_wait3A_29 : memref<80x128xi32, #tpu.memory_space<hbm>>) dst(%arg7 : memref<80x128xi32, #tpu.memory_space<vmem>>)
    %dma_wait3A_30 = arith.constant 1 : i32
    %dma_wait3A_31 = arith.constant 0 : i32
    %dma_wait3A_32 = tpu.memref_slice %arg4[%mul3A_10, %dma_wait3A_31] : memref<2560x128xi32, #tpu.memory_space<hbm>> -> memref<80x128xi32, #tpu.memory_space<hbm>>
    %dma_wait3A_33 = tpu.memref_slice %arg12[%dma_wait3A_30] : memref<8x!tpu.dma_semaphore, #tpu.memory_space<semaphore_mem>> -> memref<1x!tpu.dma_semaphore, #tpu.memory_space<semaphore_mem>>
    %dma_wait3A_34 = tpu.memref_squeeze %dma_wait3A_33 : memref<1x!tpu.dma_semaphore, #tpu.memory_space<semaphore_mem>> -> memref<!tpu.dma_semaphore, #tpu.memory_space<semaphore_mem>>
    %dma_wait3A_35 = arith.constant 0 : i32
    %dma_wait3A_36 = tpu.memref_slice %arg4[%mul3A_10, %dma_wait3A_35] : memref<2560x128xi32, #tpu.memory_space<hbm>> -> memref<80x128xi32, #tpu.memory_space<hbm>>
    tpu.wait_dma2 semaphore(%dma_wait3A_34 : memref<!tpu.dma_semaphore, #tpu.memory_space<semaphore_mem>>) src(%dma_wait3A_36 : memref<80x128xi32, #tpu.memory_space<hbm>>) dst(%arg8 : memref<80x128xi32, #tpu.memory_space<vmem>>)
    %barrier3A = arith.constant 0 : index
    tpu.barrier barrier_id(%barrier3A)
    %scan3A = arith.constant 0 : i32
    %scan3A_37 = arith.constant 10 : i32
    %scan3A_38 = arith.addi %scan3A, %scan3A_37 : i32
    %scan3A_39 = arith.constant 1 : i32
    scf.for %scan3A_52 = %scan3A to %scan3A_38 step %scan3A_39  : i32 {
      %mul3A_53 = arith.constant 8 : i32
      %mul3A_54 = arith.muli %scan3A_52, %mul3A_53 : i32
      %add3A_55 = arith.constant 0 : i32
      %add3A_56 = arith.addi %add3A_55, %mul3A_54 : i32
      %add3A_57 = arith.constant 0 : i32
      %add3A_58 = arith.addi %add3A_56, %add3A_57 : i32
      %dma_start3A_59 = arith.constant 0 : i32
      %dma_start3A_60 = arith.constant 0 : i32
      %dma_start3A_61 = arith.constant 0 : i32
      %dma_start3A_62 = arith.constant 0 : i32
      %dma_start3A_63 = tpu.memref_slice %arg9[%dma_start3A_59, %dma_start3A_61, %dma_start3A_62] : memref<16x128x16xf32, #tpu.memory_space<vmem>> -> memref<1x128x16xf32, #tpu.memory_space<vmem>>
      %dma_start3A_64 = tpu.memref_squeeze %dma_start3A_63 : memref<1x128x16xf32, #tpu.memory_space<vmem>> -> memref<128x16xf32, #tpu.memory_space<vmem>>
      %dma_start3A_65 = arith.constant 0 : i32
      %dma_start3A_66 = tpu.memref_slice %arg7[%add3A_58, %dma_start3A_65] : memref<80x128xi32, #tpu.memory_space<vmem>> -> memref<1x128xi32, #tpu.memory_space<vmem>>
      %dma_start3A_67 = tpu.memref_squeeze %dma_start3A_66 : memref<1x128xi32, #tpu.memory_space<vmem>> -> memref<128xi32, #tpu.memory_space<vmem>>
      %dma_start3A_68 = arith.constant 0 : i32
      %dma_start3A_69 = arith.constant 0 : i32
      %dma_start3A_70 = tpu.memref_slice %arg11[%dma_start3A_68, %dma_start3A_69] : memref<10000x16xf32, #tpu.memory_space<vmem_shared>> -> memref<10000x16xf32, #tpu.memory_space<vmem_shared>>
      %dma_start3A_71 = tpu.memref_slice %arg12[%dma_start3A_60] : memref<8x!tpu.dma_semaphore, #tpu.memory_space<semaphore_mem>> -> memref<1x!tpu.dma_semaphore, #tpu.memory_space<semaphore_mem>>
      %dma_start3A_72 = tpu.memref_squeeze %dma_start3A_71 : memref<1x!tpu.dma_semaphore, #tpu.memory_space<semaphore_mem>> -> memref<!tpu.dma_semaphore, #tpu.memory_space<semaphore_mem>>
      tpu.enqueue_indirect_dma source(%dma_start3A_70 : memref<10000x16xf32, #tpu.memory_space<vmem_shared>>) target(%dma_start3A_64 : memref<128x16xf32, #tpu.memory_space<vmem>>) offsets(%dma_start3A_67 : memref<128xi32, #tpu.memory_space<vmem>>) semaphore(%dma_start3A_72 : memref<!tpu.dma_semaphore, #tpu.memory_space<semaphore_mem>>)
      %add3A_73 = arith.constant 1 : i32
      %add3A_74 = arith.addi %add3A_56, %add3A_73 : i32
      %dma_start3A_75 = arith.constant 1 : i32
      %dma_start3A_76 = arith.constant 1 : i32
      %dma_start3A_77 = arith.constant 0 : i32
      %dma_start3A_78 = arith.constant 0 : i32
      %dma_start3A_79 = tpu.memref_slice %arg9[%dma_start3A_75, %dma_start3A_77, %dma_start3A_78] : memref<16x128x16xf32, #tpu.memory_space<vmem>> -> memref<1x128x16xf32, #tpu.memory_space<vmem>>
      %dma_start3A_80 = tpu.memref_squeeze %dma_start3A_79 : memref<1x128x16xf32, #tpu.memory_space<vmem>> -> memref<128x16xf32, #tpu.memory_space<vmem>>
      %dma_start3A_81 = arith.constant 0 : i32
      %dma_start3A_82 = tpu.memref_slice %arg7[%add3A_74, %dma_start3A_81] : memref<80x128xi32, #tpu.memory_space<vmem>> -> memref<1x128xi32, #tpu.memory_space<vmem>>
      %dma_start3A_83 = tpu.memref_squeeze %dma_start3A_82 : memref<1x128xi32, #tpu.memory_space<vmem>> -> memref<128xi32, #tpu.memory_space<vmem>>
      %dma_start3A_84 = arith.constant 0 : i32
      %dma_start3A_85 = arith.constant 0 : i32
      %dma_start3A_86 = tpu.memref_slice %arg11[%dma_start3A_84, %dma_start3A_85] : memref<10000x16xf32, #tpu.memory_space<vmem_shared>> -> memref<10000x16xf32, #tpu.memory_space<vmem_shared>>
      %dma_start3A_87 = tpu.memref_slice %arg12[%dma_start3A_76] : memref<8x!tpu.dma_semaphore, #tpu.memory_space<semaphore_mem>> -> memref<1x!tpu.dma_semaphore, #tpu.memory_space<semaphore_mem>>
      %dma_start3A_88 = tpu.memref_squeeze %dma_start3A_87 : memref<1x!tpu.dma_semaphore, #tpu.memory_space<semaphore_mem>> -> memref<!tpu.dma_semaphore, #tpu.memory_space<semaphore_mem>>
      tpu.enqueue_indirect_dma source(%dma_start3A_86 : memref<10000x16xf32, #tpu.memory_space<vmem_shared>>) target(%dma_start3A_80 : memref<128x16xf32, #tpu.memory_space<vmem>>) offsets(%dma_start3A_83 : memref<128xi32, #tpu.memory_space<vmem>>) semaphore(%dma_start3A_88 : memref<!tpu.dma_semaphore, #tpu.memory_space<semaphore_mem>>)
      %add3A_89 = arith.constant 2 : i32
      %add3A_90 = arith.addi %add3A_56, %add3A_89 : i32
      %dma_start3A_91 = arith.constant 2 : i32
      %dma_start3A_92 = arith.constant 2 : i32
      %dma_start3A_93 = arith.constant 0 : i32
      %dma_start3A_94 = arith.constant 0 : i32
      %dma_start3A_95 = tpu.memref_slice %arg9[%dma_start3A_91, %dma_start3A_93, %dma_start3A_94] : memref<16x128x16xf32, #tpu.memory_space<vmem>> -> memref<1x128x16xf32, #tpu.memory_space<vmem>>
      %dma_start3A_96 = tpu.memref_squeeze %dma_start3A_95 : memref<1x128x16xf32, #tpu.memory_space<vmem>> -> memref<128x16xf32, #tpu.memory_space<vmem>>
      %dma_start3A_97 = arith.constant 0 : i32
      %dma_start3A_98 = tpu.memref_slice %arg7[%add3A_90, %dma_start3A_97] : memref<80x128xi32, #tpu.memory_space<vmem>> -> memref<1x128xi32, #tpu.memory_space<vmem>>
      %dma_start3A_99 = tpu.memref_squeeze %dma_start3A_98 : memref<1x128xi32, #tpu.memory_space<vmem>> -> memref<128xi32, #tpu.memory_space<vmem>>
      %dma_start3A_100 = arith.constant 0 : i32
      %dma_start3A_101 = arith.constant 0 : i32
      %dma_start3A_102 = tpu.memref_slice %arg11[%dma_start3A_100, %dma_start3A_101] : memref<10000x16xf32, #tpu.memory_space<vmem_shared>> -> memref<10000x16xf32, #tpu.memory_space<vmem_shared>>
      %dma_start3A_103 = tpu.memref_slice %arg12[%dma_start3A_92] : memref<8x!tpu.dma_semaphore, #tpu.memory_space<semaphore_mem>> -> memref<1x!tpu.dma_semaphore, #tpu.memory_space<semaphore_mem>>
      %dma_start3A_104 = tpu.memref_squeeze %dma_start3A_103 : memref<1x!tpu.dma_semaphore, #tpu.memory_space<semaphore_mem>> -> memref<!tpu.dma_semaphore, #tpu.memory_space<semaphore_mem>>
      tpu.enqueue_indirect_dma source(%dma_start3A_102 : memref<10000x16xf32, #tpu.memory_space<vmem_shared>>) target(%dma_start3A_96 : memref<128x16xf32, #tpu.memory_space<vmem>>) offsets(%dma_start3A_99 : memref<128xi32, #tpu.memory_space<vmem>>) semaphore(%dma_start3A_104 : memref<!tpu.dma_semaphore, #tpu.memory_space<semaphore_mem>>)
      %add3A_105 = arith.constant 3 : i32
      %add3A_106 = arith.addi %add3A_56, %add3A_105 : i32
      %dma_start3A_107 = arith.constant 3 : i32
      %dma_start3A_108 = arith.constant 3 : i32
      %dma_start3A_109 = arith.constant 0 : i32
      %dma_start3A_110 = arith.constant 0 : i32
      %dma_start3A_111 = tpu.memref_slice %arg9[%dma_start3A_107, %dma_start3A_109, %dma_start3A_110] : memref<16x128x16xf32, #tpu.memory_space<vmem>> -> memref<1x128x16xf32, #tpu.memory_space<vmem>>
      %dma_start3A_112 = tpu.memref_squeeze %dma_start3A_111 : memref<1x128x16xf32, #tpu.memory_space<vmem>> -> memref<128x16xf32, #tpu.memory_space<vmem>>
      %dma_start3A_113 = arith.constant 0 : i32
      %dma_start3A_114 = tpu.memref_slice %arg7[%add3A_106, %dma_start3A_113] : memref<80x128xi32, #tpu.memory_space<vmem>> -> memref<1x128xi32, #tpu.memory_space<vmem>>
      %dma_start3A_115 = tpu.memref_squeeze %dma_start3A_114 : memref<1x128xi32, #tpu.memory_space<vmem>> -> memref<128xi32, #tpu.memory_space<vmem>>
      %dma_start3A_116 = arith.constant 0 : i32
      %dma_start3A_117 = arith.constant 0 : i32
      %dma_start3A_118 = tpu.memref_slice %arg11[%dma_start3A_116, %dma_start3A_117] : memref<10000x16xf32, #tpu.memory_space<vmem_shared>> -> memref<10000x16xf32, #tpu.memory_space<vmem_shared>>
      %dma_start3A_119 = tpu.memref_slice %arg12[%dma_start3A_108] : memref<8x!tpu.dma_semaphore, #tpu.memory_space<semaphore_mem>> -> memref<1x!tpu.dma_semaphore, #tpu.memory_space<semaphore_mem>>
      %dma_start3A_120 = tpu.memref_squeeze %dma_start3A_119 : memref<1x!tpu.dma_semaphore, #tpu.memory_space<semaphore_mem>> -> memref<!tpu.dma_semaphore, #tpu.memory_space<semaphore_mem>>
      tpu.enqueue_indirect_dma source(%dma_start3A_118 : memref<10000x16xf32, #tpu.memory_space<vmem_shared>>) target(%dma_start3A_112 : memref<128x16xf32, #tpu.memory_space<vmem>>) offsets(%dma_start3A_115 : memref<128xi32, #tpu.memory_space<vmem>>) semaphore(%dma_start3A_120 : memref<!tpu.dma_semaphore, #tpu.memory_space<semaphore_mem>>)
      %add3A_121 = arith.constant 4 : i32
      %add3A_122 = arith.addi %add3A_56, %add3A_121 : i32
      %dma_start3A_123 = arith.constant 4 : i32
      %dma_start3A_124 = arith.constant 4 : i32
      %dma_start3A_125 = arith.constant 0 : i32
      %dma_start3A_126 = arith.constant 0 : i32
      %dma_start3A_127 = tpu.memref_slice %arg9[%dma_start3A_123, %dma_start3A_125, %dma_start3A_126] : memref<16x128x16xf32, #tpu.memory_space<vmem>> -> memref<1x128x16xf32, #tpu.memory_space<vmem>>
      %dma_start3A_128 = tpu.memref_squeeze %dma_start3A_127 : memref<1x128x16xf32, #tpu.memory_space<vmem>> -> memref<128x16xf32, #tpu.memory_space<vmem>>
      %dma_start3A_129 = arith.constant 0 : i32
      %dma_start3A_130 = tpu.memref_slice %arg7[%add3A_122, %dma_start3A_129] : memref<80x128xi32, #tpu.memory_space<vmem>> -> memref<1x128xi32, #tpu.memory_space<vmem>>
      %dma_start3A_131 = tpu.memref_squeeze %dma_start3A_130 : memref<1x128xi32, #tpu.memory_space<vmem>> -> memref<128xi32, #tpu.memory_space<vmem>>
      %dma_start3A_132 = arith.constant 0 : i32
      %dma_start3A_133 = arith.constant 0 : i32
      %dma_start3A_134 = tpu.memref_slice %arg11[%dma_start3A_132, %dma_start3A_133] : memref<10000x16xf32, #tpu.memory_space<vmem_shared>> -> memref<10000x16xf32, #tpu.memory_space<vmem_shared>>
      %dma_start3A_135 = tpu.memref_slice %arg12[%dma_start3A_124] : memref<8x!tpu.dma_semaphore, #tpu.memory_space<semaphore_mem>> -> memref<1x!tpu.dma_semaphore, #tpu.memory_space<semaphore_mem>>
      %dma_start3A_136 = tpu.memref_squeeze %dma_start3A_135 : memref<1x!tpu.dma_semaphore, #tpu.memory_space<semaphore_mem>> -> memref<!tpu.dma_semaphore, #tpu.memory_space<semaphore_mem>>
      tpu.enqueue_indirect_dma source(%dma_start3A_134 : memref<10000x16xf32, #tpu.memory_space<vmem_shared>>) target(%dma_start3A_128 : memref<128x16xf32, #tpu.memory_space<vmem>>) offsets(%dma_start3A_131 : memref<128xi32, #tpu.memory_space<vmem>>) semaphore(%dma_start3A_136 : memref<!tpu.dma_semaphore, #tpu.memory_space<semaphore_mem>>)
      %add3A_137 = arith.constant 5 : i32
      %add3A_138 = arith.addi %add3A_56, %add3A_137 : i32
      %dma_start3A_139 = arith.constant 5 : i32
      %dma_start3A_140 = arith.constant 5 : i32
      %dma_start3A_141 = arith.constant 0 : i32
      %dma_start3A_142 = arith.constant 0 : i32
      %dma_start3A_143 = tpu.memref_slice %arg9[%dma_start3A_139, %dma_start3A_141, %dma_start3A_142] : memref<16x128x16xf32, #tpu.memory_space<vmem>> -> memref<1x128x16xf32, #tpu.memory_space<vmem>>
      %dma_start3A_144 = tpu.memref_squeeze %dma_start3A_143 : memref<1x128x16xf32, #tpu.memory_space<vmem>> -> memref<128x16xf32, #tpu.memory_space<vmem>>
      %dma_start3A_145 = arith.constant 0 : i32
      %dma_start3A_146 = tpu.memref_slice %arg7[%add3A_138, %dma_start3A_145] : memref<80x128xi32, #tpu.memory_space<vmem>> -> memref<1x128xi32, #tpu.memory_space<vmem>>
      %dma_start3A_147 = tpu.memref_squeeze %dma_start3A_146 : memref<1x128xi32, #tpu.memory_space<vmem>> -> memref<128xi32, #tpu.memory_space<vmem>>
      %dma_start3A_148 = arith.constant 0 : i32
      %dma_start3A_149 = arith.constant 0 : i32
      %dma_start3A_150 = tpu.memref_slice %arg11[%dma_start3A_148, %dma_start3A_149] : memref<10000x16xf32, #tpu.memory_space<vmem_shared>> -> memref<10000x16xf32, #tpu.memory_space<vmem_shared>>
      %dma_start3A_151 = tpu.memref_slice %arg12[%dma_start3A_140] : memref<8x!tpu.dma_semaphore, #tpu.memory_space<semaphore_mem>> -> memref<1x!tpu.dma_semaphore, #tpu.memory_space<semaphore_mem>>
      %dma_start3A_152 = tpu.memref_squeeze %dma_start3A_151 : memref<1x!tpu.dma_semaphore, #tpu.memory_space<semaphore_mem>> -> memref<!tpu.dma_semaphore, #tpu.memory_space<semaphore_mem>>
      tpu.enqueue_indirect_dma source(%dma_start3A_150 : memref<10000x16xf32, #tpu.memory_space<vmem_shared>>) target(%dma_start3A_144 : memref<128x16xf32, #tpu.memory_space<vmem>>) offsets(%dma_start3A_147 : memref<128xi32, #tpu.memory_space<vmem>>) semaphore(%dma_start3A_152 : memref<!tpu.dma_semaphore, #tpu.memory_space<semaphore_mem>>)
      %add3A_153 = arith.constant 6 : i32
      %add3A_154 = arith.addi %add3A_56, %add3A_153 : i32
      %dma_start3A_155 = arith.constant 6 : i32
      %dma_start3A_156 = arith.constant 6 : i32
      %dma_start3A_157 = arith.constant 0 : i32
      %dma_start3A_158 = arith.constant 0 : i32
      %dma_start3A_159 = tpu.memref_slice %arg9[%dma_start3A_155, %dma_start3A_157, %dma_start3A_158] : memref<16x128x16xf32, #tpu.memory_space<vmem>> -> memref<1x128x16xf32, #tpu.memory_space<vmem>>
      %dma_start3A_160 = tpu.memref_squeeze %dma_start3A_159 : memref<1x128x16xf32, #tpu.memory_space<vmem>> -> memref<128x16xf32, #tpu.memory_space<vmem>>
      %dma_start3A_161 = arith.constant 0 : i32
      %dma_start3A_162 = tpu.memref_slice %arg7[%add3A_154, %dma_start3A_161] : memref<80x128xi32, #tpu.memory_space<vmem>> -> memref<1x128xi32, #tpu.memory_space<vmem>>
      %dma_start3A_163 = tpu.memref_squeeze %dma_start3A_162 : memref<1x128xi32, #tpu.memory_space<vmem>> -> memref<128xi32, #tpu.memory_space<vmem>>
      %dma_start3A_164 = arith.constant 0 : i32
      %dma_start3A_165 = arith.constant 0 : i32
      %dma_start3A_166 = tpu.memref_slice %arg11[%dma_start3A_164, %dma_start3A_165] : memref<10000x16xf32, #tpu.memory_space<vmem_shared>> -> memref<10000x16xf32, #tpu.memory_space<vmem_shared>>
      %dma_start3A_167 = tpu.memref_slice %arg12[%dma_start3A_156] : memref<8x!tpu.dma_semaphore, #tpu.memory_space<semaphore_mem>> -> memref<1x!tpu.dma_semaphore, #tpu.memory_space<semaphore_mem>>
      %dma_start3A_168 = tpu.memref_squeeze %dma_start3A_167 : memref<1x!tpu.dma_semaphore, #tpu.memory_space<semaphore_mem>> -> memref<!tpu.dma_semaphore, #tpu.memory_space<semaphore_mem>>
      tpu.enqueue_indirect_dma source(%dma_start3A_166 : memref<10000x16xf32, #tpu.memory_space<vmem_shared>>) target(%dma_start3A_160 : memref<128x16xf32, #tpu.memory_space<vmem>>) offsets(%dma_start3A_163 : memref<128xi32, #tpu.memory_space<vmem>>) semaphore(%dma_start3A_168 : memref<!tpu.dma_semaphore, #tpu.memory_space<semaphore_mem>>)
      %add3A_169 = arith.constant 7 : i32
      %add3A_170 = arith.addi %add3A_56, %add3A_169 : i32
      %dma_start3A_171 = arith.constant 7 : i32
      %dma_start3A_172 = arith.constant 7 : i32
      %dma_start3A_173 = arith.constant 0 : i32
      %dma_start3A_174 = arith.constant 0 : i32
      %dma_start3A_175 = tpu.memref_slice %arg9[%dma_start3A_171, %dma_start3A_173, %dma_start3A_174] : memref<16x128x16xf32, #tpu.memory_space<vmem>> -> memref<1x128x16xf32, #tpu.memory_space<vmem>>
      %dma_start3A_176 = tpu.memref_squeeze %dma_start3A_175 : memref<1x128x16xf32, #tpu.memory_space<vmem>> -> memref<128x16xf32, #tpu.memory_space<vmem>>
      %dma_start3A_177 = arith.constant 0 : i32
      %dma_start3A_178 = tpu.memref_slice %arg7[%add3A_170, %dma_start3A_177] : memref<80x128xi32, #tpu.memory_space<vmem>> -> memref<1x128xi32, #tpu.memory_space<vmem>>
      %dma_start3A_179 = tpu.memref_squeeze %dma_start3A_178 : memref<1x128xi32, #tpu.memory_space<vmem>> -> memref<128xi32, #tpu.memory_space<vmem>>
      %dma_start3A_180 = arith.constant 0 : i32
      %dma_start3A_181 = arith.constant 0 : i32
      %dma_start3A_182 = tpu.memref_slice %arg11[%dma_start3A_180, %dma_start3A_181] : memref<10000x16xf32, #tpu.memory_space<vmem_shared>> -> memref<10000x16xf32, #tpu.memory_space<vmem_shared>>
      %dma_start3A_183 = tpu.memref_slice %arg12[%dma_start3A_172] : memref<8x!tpu.dma_semaphore, #tpu.memory_space<semaphore_mem>> -> memref<1x!tpu.dma_semaphore, #tpu.memory_space<semaphore_mem>>
      %dma_start3A_184 = tpu.memref_squeeze %dma_start3A_183 : memref<1x!tpu.dma_semaphore, #tpu.memory_space<semaphore_mem>> -> memref<!tpu.dma_semaphore, #tpu.memory_space<semaphore_mem>>
      tpu.enqueue_indirect_dma source(%dma_start3A_182 : memref<10000x16xf32, #tpu.memory_space<vmem_shared>>) target(%dma_start3A_176 : memref<128x16xf32, #tpu.memory_space<vmem>>) offsets(%dma_start3A_179 : memref<128xi32, #tpu.memory_space<vmem>>) semaphore(%dma_start3A_184 : memref<!tpu.dma_semaphore, #tpu.memory_space<semaphore_mem>>)
      %dma_wait3A_185 = arith.constant 0 : i32
      %dma_wait3A_186 = arith.constant 0 : i32
      %dma_wait3A_187 = arith.constant 0 : i32
      %dma_wait3A_188 = arith.constant 0 : i32
      %dma_wait3A_189 = tpu.memref_slice %arg9[%dma_wait3A_185, %dma_wait3A_187, %dma_wait3A_188] : memref<16x128x16xf32, #tpu.memory_space<vmem>> -> memref<1x128x16xf32, #tpu.memory_space<vmem>>
      %dma_wait3A_190 = tpu.memref_squeeze %dma_wait3A_189 : memref<1x128x16xf32, #tpu.memory_space<vmem>> -> memref<128x16xf32, #tpu.memory_space<vmem>>
      %dma_wait3A_191 = arith.constant 0 : i32
      %dma_wait3A_192 = tpu.memref_slice %arg7[%add3A_58, %dma_wait3A_191] : memref<80x128xi32, #tpu.memory_space<vmem>> -> memref<1x128xi32, #tpu.memory_space<vmem>>
      %dma_wait3A_193 = tpu.memref_squeeze %dma_wait3A_192 : memref<1x128xi32, #tpu.memory_space<vmem>> -> memref<128xi32, #tpu.memory_space<vmem>>
      %dma_wait3A_194 = arith.constant 0 : i32
      %dma_wait3A_195 = arith.constant 0 : i32
      %dma_wait3A_196 = tpu.memref_slice %arg11[%dma_wait3A_194, %dma_wait3A_195] : memref<10000x16xf32, #tpu.memory_space<vmem_shared>> -> memref<10000x16xf32, #tpu.memory_space<vmem_shared>>
      %dma_wait3A_197 = tpu.memref_slice %arg12[%dma_wait3A_186] : memref<8x!tpu.dma_semaphore, #tpu.memory_space<semaphore_mem>> -> memref<1x!tpu.dma_semaphore, #tpu.memory_space<semaphore_mem>>
      %dma_wait3A_198 = tpu.memref_squeeze %dma_wait3A_197 : memref<1x!tpu.dma_semaphore, #tpu.memory_space<semaphore_mem>> -> memref<!tpu.dma_semaphore, #tpu.memory_space<semaphore_mem>>
      tpu.wait_indirect_dma semaphore(%dma_wait3A_198 : memref<!tpu.dma_semaphore, #tpu.memory_space<semaphore_mem>>) src(%dma_wait3A_196 : memref<10000x16xf32, #tpu.memory_space<vmem_shared>>) dst(%dma_wait3A_190 : memref<128x16xf32, #tpu.memory_space<vmem>>)
      %add3A_199 = arith.constant 0 : i32
      %add3A_200 = arith.addi %add3A_56, %add3A_199 : i32
      %dma_start3A_201 = arith.constant 0 : i32
      %dma_start3A_202 = arith.constant 0 : i32
      %dma_start3A_203 = arith.constant 0 : i32
      %dma_start3A_204 = arith.constant 0 : i32
      %dma_start3A_205 = tpu.memref_slice %arg9[%dma_start3A_201, %dma_start3A_203, %dma_start3A_204] : memref<16x128x16xf32, #tpu.memory_space<vmem>> -> memref<1x128x16xf32, #tpu.memory_space<vmem>>
      %dma_start3A_206 = tpu.memref_squeeze %dma_start3A_205 : memref<1x128x16xf32, #tpu.memory_space<vmem>> -> memref<128x16xf32, #tpu.memory_space<vmem>>
      %dma_start3A_207 = arith.constant 0 : i32
      %dma_start3A_208 = tpu.memref_slice %arg8[%add3A_200, %dma_start3A_207] : memref<80x128xi32, #tpu.memory_space<vmem>> -> memref<1x128xi32, #tpu.memory_space<vmem>>
      %dma_start3A_209 = tpu.memref_squeeze %dma_start3A_208 : memref<1x128xi32, #tpu.memory_space<vmem>> -> memref<128xi32, #tpu.memory_space<vmem>>
      %dma_start3A_210 = arith.constant 0 : i32
      %dma_start3A_211 = arith.constant 0 : i32
      %dma_start3A_212 = tpu.memref_slice %arg10[%dma_start3A_210, %dma_start3A_211] : memref<10008x16xf32, #tpu.memory_space<vmem_shared>> -> memref<10008x16xf32, #tpu.memory_space<vmem_shared>>
      %dma_start3A_213 = tpu.memref_slice %arg13[%dma_start3A_202] : memref<8x!tpu.dma_semaphore, #tpu.memory_space<semaphore_mem>> -> memref<1x!tpu.dma_semaphore, #tpu.memory_space<semaphore_mem>>
      %dma_start3A_214 = tpu.memref_squeeze %dma_start3A_213 : memref<1x!tpu.dma_semaphore, #tpu.memory_space<semaphore_mem>> -> memref<!tpu.dma_semaphore, #tpu.memory_space<semaphore_mem>>
      tpu.enqueue_indirect_dma source(%dma_start3A_206 : memref<128x16xf32, #tpu.memory_space<vmem>>) target(%dma_start3A_212 : memref<10008x16xf32, #tpu.memory_space<vmem_shared>>) offsets(%dma_start3A_209 : memref<128xi32, #tpu.memory_space<vmem>>) semaphore(%dma_start3A_214 : memref<!tpu.dma_semaphore, #tpu.memory_space<semaphore_mem>>) {add = true}
      %dma_wait3A_215 = arith.constant 1 : i32
      %dma_wait3A_216 = arith.constant 1 : i32
      %dma_wait3A_217 = arith.constant 0 : i32
      %dma_wait3A_218 = arith.constant 0 : i32
      %dma_wait3A_219 = tpu.memref_slice %arg9[%dma_wait3A_215, %dma_wait3A_217, %dma_wait3A_218] : memref<16x128x16xf32, #tpu.memory_space<vmem>> -> memref<1x128x16xf32, #tpu.memory_space<vmem>>
      %dma_wait3A_220 = tpu.memref_squeeze %dma_wait3A_219 : memref<1x128x16xf32, #tpu.memory_space<vmem>> -> memref<128x16xf32, #tpu.memory_space<vmem>>
      %dma_wait3A_221 = arith.constant 0 : i32
      %dma_wait3A_222 = tpu.memref_slice %arg7[%add3A_74, %dma_wait3A_221] : memref<80x128xi32, #tpu.memory_space<vmem>> -> memref<1x128xi32, #tpu.memory_space<vmem>>
      %dma_wait3A_223 = tpu.memref_squeeze %dma_wait3A_222 : memref<1x128xi32, #tpu.memory_space<vmem>> -> memref<128xi32, #tpu.memory_space<vmem>>
      %dma_wait3A_224 = arith.constant 0 : i32
      %dma_wait3A_225 = arith.constant 0 : i32
      %dma_wait3A_226 = tpu.memref_slice %arg11[%dma_wait3A_224, %dma_wait3A_225] : memref<10000x16xf32, #tpu.memory_space<vmem_shared>> -> memref<10000x16xf32, #tpu.memory_space<vmem_shared>>
      %dma_wait3A_227 = tpu.memref_slice %arg12[%dma_wait3A_216] : memref<8x!tpu.dma_semaphore, #tpu.memory_space<semaphore_mem>> -> memref<1x!tpu.dma_semaphore, #tpu.memory_space<semaphore_mem>>
      %dma_wait3A_228 = tpu.memref_squeeze %dma_wait3A_227 : memref<1x!tpu.dma_semaphore, #tpu.memory_space<semaphore_mem>> -> memref<!tpu.dma_semaphore, #tpu.memory_space<semaphore_mem>>
      tpu.wait_indirect_dma semaphore(%dma_wait3A_228 : memref<!tpu.dma_semaphore, #tpu.memory_space<semaphore_mem>>) src(%dma_wait3A_226 : memref<10000x16xf32, #tpu.memory_space<vmem_shared>>) dst(%dma_wait3A_220 : memref<128x16xf32, #tpu.memory_space<vmem>>)
      %add3A_229 = arith.constant 1 : i32
      %add3A_230 = arith.addi %add3A_56, %add3A_229 : i32
      %dma_start3A_231 = arith.constant 1 : i32
      %dma_start3A_232 = arith.constant 1 : i32
      %dma_start3A_233 = arith.constant 0 : i32
      %dma_start3A_234 = arith.constant 0 : i32
      %dma_start3A_235 = tpu.memref_slice %arg9[%dma_start3A_231, %dma_start3A_233, %dma_start3A_234] : memref<16x128x16xf32, #tpu.memory_space<vmem>> -> memref<1x128x16xf32, #tpu.memory_space<vmem>>
      %dma_start3A_236 = tpu.memref_squeeze %dma_start3A_235 : memref<1x128x16xf32, #tpu.memory_space<vmem>> -> memref<128x16xf32, #tpu.memory_space<vmem>>
      %dma_start3A_237 = arith.constant 0 : i32
      %dma_start3A_238 = tpu.memref_slice %arg8[%add3A_230, %dma_start3A_237] : memref<80x128xi32, #tpu.memory_space<vmem>> -> memref<1x128xi32, #tpu.memory_space<vmem>>
      %dma_start3A_239 = tpu.memref_squeeze %dma_start3A_238 : memref<1x128xi32, #tpu.memory_space<vmem>> -> memref<128xi32, #tpu.memory_space<vmem>>
      %dma_start3A_240 = arith.constant 0 : i32
      %dma_start3A_241 = arith.constant 0 : i32
      %dma_start3A_242 = tpu.memref_slice %arg10[%dma_start3A_240, %dma_start3A_241] : memref<10008x16xf32, #tpu.memory_space<vmem_shared>> -> memref<10008x16xf32, #tpu.memory_space<vmem_shared>>
      %dma_start3A_243 = tpu.memref_slice %arg13[%dma_start3A_232] : memref<8x!tpu.dma_semaphore, #tpu.memory_space<semaphore_mem>> -> memref<1x!tpu.dma_semaphore, #tpu.memory_space<semaphore_mem>>
      %dma_start3A_244 = tpu.memref_squeeze %dma_start3A_243 : memref<1x!tpu.dma_semaphore, #tpu.memory_space<semaphore_mem>> -> memref<!tpu.dma_semaphore, #tpu.memory_space<semaphore_mem>>
      tpu.enqueue_indirect_dma source(%dma_start3A_236 : memref<128x16xf32, #tpu.memory_space<vmem>>) target(%dma_start3A_242 : memref<10008x16xf32, #tpu.memory_space<vmem_shared>>) offsets(%dma_start3A_239 : memref<128xi32, #tpu.memory_space<vmem>>) semaphore(%dma_start3A_244 : memref<!tpu.dma_semaphore, #tpu.memory_space<semaphore_mem>>) {add = true}
      %dma_wait3A_245 = arith.constant 2 : i32
      %dma_wait3A_246 = arith.constant 2 : i32
      %dma_wait3A_247 = arith.constant 0 : i32
      %dma_wait3A_248 = arith.constant 0 : i32
      %dma_wait3A_249 = tpu.memref_slice %arg9[%dma_wait3A_245, %dma_wait3A_247, %dma_wait3A_248] : memref<16x128x16xf32, #tpu.memory_space<vmem>> -> memref<1x128x16xf32, #tpu.memory_space<vmem>>
      %dma_wait3A_250 = tpu.memref_squeeze %dma_wait3A_249 : memref<1x128x16xf32, #tpu.memory_space<vmem>> -> memref<128x16xf32, #tpu.memory_space<vmem>>
      %dma_wait3A_251 = arith.constant 0 : i32
      %dma_wait3A_252 = tpu.memref_slice %arg7[%add3A_90, %dma_wait3A_251] : memref<80x128xi32, #tpu.memory_space<vmem>> -> memref<1x128xi32, #tpu.memory_space<vmem>>
      %dma_wait3A_253 = tpu.memref_squeeze %dma_wait3A_252 : memref<1x128xi32, #tpu.memory_space<vmem>> -> memref<128xi32, #tpu.memory_space<vmem>>
      %dma_wait3A_254 = arith.constant 0 : i32
      %dma_wait3A_255 = arith.constant 0 : i32
      %dma_wait3A_256 = tpu.memref_slice %arg11[%dma_wait3A_254, %dma_wait3A_255] : memref<10000x16xf32, #tpu.memory_space<vmem_shared>> -> memref<10000x16xf32, #tpu.memory_space<vmem_shared>>
      %dma_wait3A_257 = tpu.memref_slice %arg12[%dma_wait3A_246] : memref<8x!tpu.dma_semaphore, #tpu.memory_space<semaphore_mem>> -> memref<1x!tpu.dma_semaphore, #tpu.memory_space<semaphore_mem>>
      %dma_wait3A_258 = tpu.memref_squeeze %dma_wait3A_257 : memref<1x!tpu.dma_semaphore, #tpu.memory_space<semaphore_mem>> -> memref<!tpu.dma_semaphore, #tpu.memory_space<semaphore_mem>>
      tpu.wait_indirect_dma semaphore(%dma_wait3A_258 : memref<!tpu.dma_semaphore, #tpu.memory_space<semaphore_mem>>) src(%dma_wait3A_256 : memref<10000x16xf32, #tpu.memory_space<vmem_shared>>) dst(%dma_wait3A_250 : memref<128x16xf32, #tpu.memory_space<vmem>>)
      %add3A_259 = arith.constant 2 : i32
      %add3A_260 = arith.addi %add3A_56, %add3A_259 : i32
      %dma_start3A_261 = arith.constant 2 : i32
      %dma_start3A_262 = arith.constant 2 : i32
      %dma_start3A_263 = arith.constant 0 : i32
      %dma_start3A_264 = arith.constant 0 : i32
      %dma_start3A_265 = tpu.memref_slice %arg9[%dma_start3A_261, %dma_start3A_263, %dma_start3A_264] : memref<16x128x16xf32, #tpu.memory_space<vmem>> -> memref<1x128x16xf32, #tpu.memory_space<vmem>>
      %dma_start3A_266 = tpu.memref_squeeze %dma_start3A_265 : memref<1x128x16xf32, #tpu.memory_space<vmem>> -> memref<128x16xf32, #tpu.memory_space<vmem>>
      %dma_start3A_267 = arith.constant 0 : i32
      %dma_start3A_268 = tpu.memref_slice %arg8[%add3A_260, %dma_start3A_267] : memref<80x128xi32, #tpu.memory_space<vmem>> -> memref<1x128xi32, #tpu.memory_space<vmem>>
      %dma_start3A_269 = tpu.memref_squeeze %dma_start3A_268 : memref<1x128xi32, #tpu.memory_space<vmem>> -> memref<128xi32, #tpu.memory_space<vmem>>
      %dma_start3A_270 = arith.constant 0 : i32
      %dma_start3A_271 = arith.constant 0 : i32
      %dma_start3A_272 = tpu.memref_slice %arg10[%dma_start3A_270, %dma_start3A_271] : memref<10008x16xf32, #tpu.memory_space<vmem_shared>> -> memref<10008x16xf32, #tpu.memory_space<vmem_shared>>
      %dma_start3A_273 = tpu.memref_slice %arg13[%dma_start3A_262] : memref<8x!tpu.dma_semaphore, #tpu.memory_space<semaphore_mem>> -> memref<1x!tpu.dma_semaphore, #tpu.memory_space<semaphore_mem>>
      %dma_start3A_274 = tpu.memref_squeeze %dma_start3A_273 : memref<1x!tpu.dma_semaphore, #tpu.memory_space<semaphore_mem>> -> memref<!tpu.dma_semaphore, #tpu.memory_space<semaphore_mem>>
      tpu.enqueue_indirect_dma source(%dma_start3A_266 : memref<128x16xf32, #tpu.memory_space<vmem>>) target(%dma_start3A_272 : memref<10008x16xf32, #tpu.memory_space<vmem_shared>>) offsets(%dma_start3A_269 : memref<128xi32, #tpu.memory_space<vmem>>) semaphore(%dma_start3A_274 : memref<!tpu.dma_semaphore, #tpu.memory_space<semaphore_mem>>) {add = true}
      %dma_wait3A_275 = arith.constant 3 : i32
      %dma_wait3A_276 = arith.constant 3 : i32
      %dma_wait3A_277 = arith.constant 0 : i32
      %dma_wait3A_278 = arith.constant 0 : i32
      %dma_wait3A_279 = tpu.memref_slice %arg9[%dma_wait3A_275, %dma_wait3A_277, %dma_wait3A_278] : memref<16x128x16xf32, #tpu.memory_space<vmem>> -> memref<1x128x16xf32, #tpu.memory_space<vmem>>
      %dma_wait3A_280 = tpu.memref_squeeze %dma_wait3A_279 : memref<1x128x16xf32, #tpu.memory_space<vmem>> -> memref<128x16xf32, #tpu.memory_space<vmem>>
      %dma_wait3A_281 = arith.constant 0 : i32
      %dma_wait3A_282 = tpu.memref_slice %arg7[%add3A_106, %dma_wait3A_281] : memref<80x128xi32, #tpu.memory_space<vmem>> -> memref<1x128xi32, #tpu.memory_space<vmem>>
      %dma_wait3A_283 = tpu.memref_squeeze %dma_wait3A_282 : memref<1x128xi32, #tpu.memory_space<vmem>> -> memref<128xi32, #tpu.memory_space<vmem>>
      %dma_wait3A_284 = arith.constant 0 : i32
      %dma_wait3A_285 = arith.constant 0 : i32
      %dma_wait3A_286 = tpu.memref_slice %arg11[%dma_wait3A_284, %dma_wait3A_285] : memref<10000x16xf32, #tpu.memory_space<vmem_shared>> -> memref<10000x16xf32, #tpu.memory_space<vmem_shared>>
      %dma_wait3A_287 = tpu.memref_slice %arg12[%dma_wait3A_276] : memref<8x!tpu.dma_semaphore, #tpu.memory_space<semaphore_mem>> -> memref<1x!tpu.dma_semaphore, #tpu.memory_space<semaphore_mem>>
      %dma_wait3A_288 = tpu.memref_squeeze %dma_wait3A_287 : memref<1x!tpu.dma_semaphore, #tpu.memory_space<semaphore_mem>> -> memref<!tpu.dma_semaphore, #tpu.memory_space<semaphore_mem>>
      tpu.wait_indirect_dma semaphore(%dma_wait3A_288 : memref<!tpu.dma_semaphore, #tpu.memory_space<semaphore_mem>>) src(%dma_wait3A_286 : memref<10000x16xf32, #tpu.memory_space<vmem_shared>>) dst(%dma_wait3A_280 : memref<128x16xf32, #tpu.memory_space<vmem>>)
      %add3A_289 = arith.constant 3 : i32
      %add3A_290 = arith.addi %add3A_56, %add3A_289 : i32
      %dma_start3A_291 = arith.constant 3 : i32
      %dma_start3A_292 = arith.constant 3 : i32
      %dma_start3A_293 = arith.constant 0 : i32
      %dma_start3A_294 = arith.constant 0 : i32
      %dma_start3A_295 = tpu.memref_slice %arg9[%dma_start3A_291, %dma_start3A_293, %dma_start3A_294] : memref<16x128x16xf32, #tpu.memory_space<vmem>> -> memref<1x128x16xf32, #tpu.memory_space<vmem>>
      %dma_start3A_296 = tpu.memref_squeeze %dma_start3A_295 : memref<1x128x16xf32, #tpu.memory_space<vmem>> -> memref<128x16xf32, #tpu.memory_space<vmem>>
      %dma_start3A_297 = arith.constant 0 : i32
      %dma_start3A_298 = tpu.memref_slice %arg8[%add3A_290, %dma_start3A_297] : memref<80x128xi32, #tpu.memory_space<vmem>> -> memref<1x128xi32, #tpu.memory_space<vmem>>
      %dma_start3A_299 = tpu.memref_squeeze %dma_start3A_298 : memref<1x128xi32, #tpu.memory_space<vmem>> -> memref<128xi32, #tpu.memory_space<vmem>>
      %dma_start3A_300 = arith.constant 0 : i32
      %dma_start3A_301 = arith.constant 0 : i32
      %dma_start3A_302 = tpu.memref_slice %arg10[%dma_start3A_300, %dma_start3A_301] : memref<10008x16xf32, #tpu.memory_space<vmem_shared>> -> memref<10008x16xf32, #tpu.memory_space<vmem_shared>>
      %dma_start3A_303 = tpu.memref_slice %arg13[%dma_start3A_292] : memref<8x!tpu.dma_semaphore, #tpu.memory_space<semaphore_mem>> -> memref<1x!tpu.dma_semaphore, #tpu.memory_space<semaphore_mem>>
      %dma_start3A_304 = tpu.memref_squeeze %dma_start3A_303 : memref<1x!tpu.dma_semaphore, #tpu.memory_space<semaphore_mem>> -> memref<!tpu.dma_semaphore, #tpu.memory_space<semaphore_mem>>
      tpu.enqueue_indirect_dma source(%dma_start3A_296 : memref<128x16xf32, #tpu.memory_space<vmem>>) target(%dma_start3A_302 : memref<10008x16xf32, #tpu.memory_space<vmem_shared>>) offsets(%dma_start3A_299 : memref<128xi32, #tpu.memory_space<vmem>>) semaphore(%dma_start3A_304 : memref<!tpu.dma_semaphore, #tpu.memory_space<semaphore_mem>>) {add = true}
      %dma_wait3A_305 = arith.constant 4 : i32
      %dma_wait3A_306 = arith.constant 4 : i32
      %dma_wait3A_307 = arith.constant 0 : i32
      %dma_wait3A_308 = arith.constant 0 : i32
      %dma_wait3A_309 = tpu.memref_slice %arg9[%dma_wait3A_305, %dma_wait3A_307, %dma_wait3A_308] : memref<16x128x16xf32, #tpu.memory_space<vmem>> -> memref<1x128x16xf32, #tpu.memory_space<vmem>>
      %dma_wait3A_310 = tpu.memref_squeeze %dma_wait3A_309 : memref<1x128x16xf32, #tpu.memory_space<vmem>> -> memref<128x16xf32, #tpu.memory_space<vmem>>
      %dma_wait3A_311 = arith.constant 0 : i32
      %dma_wait3A_312 = tpu.memref_slice %arg7[%add3A_122, %dma_wait3A_311] : memref<80x128xi32, #tpu.memory_space<vmem>> -> memref<1x128xi32, #tpu.memory_space<vmem>>
      %dma_wait3A_313 = tpu.memref_squeeze %dma_wait3A_312 : memref<1x128xi32, #tpu.memory_space<vmem>> -> memref<128xi32, #tpu.memory_space<vmem>>
      %dma_wait3A_314 = arith.constant 0 : i32
      %dma_wait3A_315 = arith.constant 0 : i32
      %dma_wait3A_316 = tpu.memref_slice %arg11[%dma_wait3A_314, %dma_wait3A_315] : memref<10000x16xf32, #tpu.memory_space<vmem_shared>> -> memref<10000x16xf32, #tpu.memory_space<vmem_shared>>
      %dma_wait3A_317 = tpu.memref_slice %arg12[%dma_wait3A_306] : memref<8x!tpu.dma_semaphore, #tpu.memory_space<semaphore_mem>> -> memref<1x!tpu.dma_semaphore, #tpu.memory_space<semaphore_mem>>
      %dma_wait3A_318 = tpu.memref_squeeze %dma_wait3A_317 : memref<1x!tpu.dma_semaphore, #tpu.memory_space<semaphore_mem>> -> memref<!tpu.dma_semaphore, #tpu.memory_space<semaphore_mem>>
      tpu.wait_indirect_dma semaphore(%dma_wait3A_318 : memref<!tpu.dma_semaphore, #tpu.memory_space<semaphore_mem>>) src(%dma_wait3A_316 : memref<10000x16xf32, #tpu.memory_space<vmem_shared>>) dst(%dma_wait3A_310 : memref<128x16xf32, #tpu.memory_space<vmem>>)
      %add3A_319 = arith.constant 4 : i32
      %add3A_320 = arith.addi %add3A_56, %add3A_319 : i32
      %dma_start3A_321 = arith.constant 4 : i32
      %dma_start3A_322 = arith.constant 4 : i32
      %dma_start3A_323 = arith.constant 0 : i32
      %dma_start3A_324 = arith.constant 0 : i32
      %dma_start3A_325 = tpu.memref_slice %arg9[%dma_start3A_321, %dma_start3A_323, %dma_start3A_324] : memref<16x128x16xf32, #tpu.memory_space<vmem>> -> memref<1x128x16xf32, #tpu.memory_space<vmem>>
      %dma_start3A_326 = tpu.memref_squeeze %dma_start3A_325 : memref<1x128x16xf32, #tpu.memory_space<vmem>> -> memref<128x16xf32, #tpu.memory_space<vmem>>
      %dma_start3A_327 = arith.constant 0 : i32
      %dma_start3A_328 = tpu.memref_slice %arg8[%add3A_320, %dma_start3A_327] : memref<80x128xi32, #tpu.memory_space<vmem>> -> memref<1x128xi32, #tpu.memory_space<vmem>>
      %dma_start3A_329 = tpu.memref_squeeze %dma_start3A_328 : memref<1x128xi32, #tpu.memory_space<vmem>> -> memref<128xi32, #tpu.memory_space<vmem>>
      %dma_start3A_330 = arith.constant 0 : i32
      %dma_start3A_331 = arith.constant 0 : i32
      %dma_start3A_332 = tpu.memref_slice %arg10[%dma_start3A_330, %dma_start3A_331] : memref<10008x16xf32, #tpu.memory_space<vmem_shared>> -> memref<10008x16xf32, #tpu.memory_space<vmem_shared>>
      %dma_start3A_333 = tpu.memref_slice %arg13[%dma_start3A_322] : memref<8x!tpu.dma_semaphore, #tpu.memory_space<semaphore_mem>> -> memref<1x!tpu.dma_semaphore, #tpu.memory_space<semaphore_mem>>
      %dma_start3A_334 = tpu.memref_squeeze %dma_start3A_333 : memref<1x!tpu.dma_semaphore, #tpu.memory_space<semaphore_mem>> -> memref<!tpu.dma_semaphore, #tpu.memory_space<semaphore_mem>>
      tpu.enqueue_indirect_dma source(%dma_start3A_326 : memref<128x16xf32, #tpu.memory_space<vmem>>) target(%dma_start3A_332 : memref<10008x16xf32, #tpu.memory_space<vmem_shared>>) offsets(%dma_start3A_329 : memref<128xi32, #tpu.memory_space<vmem>>) semaphore(%dma_start3A_334 : memref<!tpu.dma_semaphore, #tpu.memory_space<semaphore_mem>>) {add = true}
      %dma_wait3A_335 = arith.constant 5 : i32
      %dma_wait3A_336 = arith.constant 5 : i32
      %dma_wait3A_337 = arith.constant 0 : i32
      %dma_wait3A_338 = arith.constant 0 : i32
      %dma_wait3A_339 = tpu.memref_slice %arg9[%dma_wait3A_335, %dma_wait3A_337, %dma_wait3A_338] : memref<16x128x16xf32, #tpu.memory_space<vmem>> -> memref<1x128x16xf32, #tpu.memory_space<vmem>>
      %dma_wait3A_340 = tpu.memref_squeeze %dma_wait3A_339 : memref<1x128x16xf32, #tpu.memory_space<vmem>> -> memref<128x16xf32, #tpu.memory_space<vmem>>
      %dma_wait3A_341 = arith.constant 0 : i32
      %dma_wait3A_342 = tpu.memref_slice %arg7[%add3A_138, %dma_wait3A_341] : memref<80x128xi32, #tpu.memory_space<vmem>> -> memref<1x128xi32, #tpu.memory_space<vmem>>
      %dma_wait3A_343 = tpu.memref_squeeze %dma_wait3A_342 : memref<1x128xi32, #tpu.memory_space<vmem>> -> memref<128xi32, #tpu.memory_space<vmem>>
      %dma_wait3A_344 = arith.constant 0 : i32
      %dma_wait3A_345 = arith.constant 0 : i32
      %dma_wait3A_346 = tpu.memref_slice %arg11[%dma_wait3A_344, %dma_wait3A_345] : memref<10000x16xf32, #tpu.memory_space<vmem_shared>> -> memref<10000x16xf32, #tpu.memory_space<vmem_shared>>
      %dma_wait3A_347 = tpu.memref_slice %arg12[%dma_wait3A_336] : memref<8x!tpu.dma_semaphore, #tpu.memory_space<semaphore_mem>> -> memref<1x!tpu.dma_semaphore, #tpu.memory_space<semaphore_mem>>
      %dma_wait3A_348 = tpu.memref_squeeze %dma_wait3A_347 : memref<1x!tpu.dma_semaphore, #tpu.memory_space<semaphore_mem>> -> memref<!tpu.dma_semaphore, #tpu.memory_space<semaphore_mem>>
      tpu.wait_indirect_dma semaphore(%dma_wait3A_348 : memref<!tpu.dma_semaphore, #tpu.memory_space<semaphore_mem>>) src(%dma_wait3A_346 : memref<10000x16xf32, #tpu.memory_space<vmem_shared>>) dst(%dma_wait3A_340 : memref<128x16xf32, #tpu.memory_space<vmem>>)
      %add3A_349 = arith.constant 5 : i32
      %add3A_350 = arith.addi %add3A_56, %add3A_349 : i32
      %dma_start3A_351 = arith.constant 5 : i32
      %dma_start3A_352 = arith.constant 5 : i32
      %dma_start3A_353 = arith.constant 0 : i32
      %dma_start3A_354 = arith.constant 0 : i32
      %dma_start3A_355 = tpu.memref_slice %arg9[%dma_start3A_351, %dma_start3A_353, %dma_start3A_354] : memref<16x128x16xf32, #tpu.memory_space<vmem>> -> memref<1x128x16xf32, #tpu.memory_space<vmem>>
      %dma_start3A_356 = tpu.memref_squeeze %dma_start3A_355 : memref<1x128x16xf32, #tpu.memory_space<vmem>> -> memref<128x16xf32, #tpu.memory_space<vmem>>
      %dma_start3A_357 = arith.constant 0 : i32
      %dma_start3A_358 = tpu.memref_slice %arg8[%add3A_350, %dma_start3A_357] : memref<80x128xi32, #tpu.memory_space<vmem>> -> memref<1x128xi32, #tpu.memory_space<vmem>>
      %dma_start3A_359 = tpu.memref_squeeze %dma_start3A_358 : memref<1x128xi32, #tpu.memory_space<vmem>> -> memref<128xi32, #tpu.memory_space<vmem>>
      %dma_start3A_360 = arith.constant 0 : i32
      %dma_start3A_361 = arith.constant 0 : i32
      %dma_start3A_362 = tpu.memref_slice %arg10[%dma_start3A_360, %dma_start3A_361] : memref<10008x16xf32, #tpu.memory_space<vmem_shared>> -> memref<10008x16xf32, #tpu.memory_space<vmem_shared>>
      %dma_start3A_363 = tpu.memref_slice %arg13[%dma_start3A_352] : memref<8x!tpu.dma_semaphore, #tpu.memory_space<semaphore_mem>> -> memref<1x!tpu.dma_semaphore, #tpu.memory_space<semaphore_mem>>
      %dma_start3A_364 = tpu.memref_squeeze %dma_start3A_363 : memref<1x!tpu.dma_semaphore, #tpu.memory_space<semaphore_mem>> -> memref<!tpu.dma_semaphore, #tpu.memory_space<semaphore_mem>>
      tpu.enqueue_indirect_dma source(%dma_start3A_356 : memref<128x16xf32, #tpu.memory_space<vmem>>) target(%dma_start3A_362 : memref<10008x16xf32, #tpu.memory_space<vmem_shared>>) offsets(%dma_start3A_359 : memref<128xi32, #tpu.memory_space<vmem>>) semaphore(%dma_start3A_364 : memref<!tpu.dma_semaphore, #tpu.memory_space<semaphore_mem>>) {add = true}
      %dma_wait3A_365 = arith.constant 6 : i32
      %dma_wait3A_366 = arith.constant 6 : i32
      %dma_wait3A_367 = arith.constant 0 : i32
      %dma_wait3A_368 = arith.constant 0 : i32
      %dma_wait3A_369 = tpu.memref_slice %arg9[%dma_wait3A_365, %dma_wait3A_367, %dma_wait3A_368] : memref<16x128x16xf32, #tpu.memory_space<vmem>> -> memref<1x128x16xf32, #tpu.memory_space<vmem>>
      %dma_wait3A_370 = tpu.memref_squeeze %dma_wait3A_369 : memref<1x128x16xf32, #tpu.memory_space<vmem>> -> memref<128x16xf32, #tpu.memory_space<vmem>>
      %dma_wait3A_371 = arith.constant 0 : i32
      %dma_wait3A_372 = tpu.memref_slice %arg7[%add3A_154, %dma_wait3A_371] : memref<80x128xi32, #tpu.memory_space<vmem>> -> memref<1x128xi32, #tpu.memory_space<vmem>>
      %dma_wait3A_373 = tpu.memref_squeeze %dma_wait3A_372 : memref<1x128xi32, #tpu.memory_space<vmem>> -> memref<128xi32, #tpu.memory_space<vmem>>
      %dma_wait3A_374 = arith.constant 0 : i32
      %dma_wait3A_375 = arith.constant 0 : i32
      %dma_wait3A_376 = tpu.memref_slice %arg11[%dma_wait3A_374, %dma_wait3A_375] : memref<10000x16xf32, #tpu.memory_space<vmem_shared>> -> memref<10000x16xf32, #tpu.memory_space<vmem_shared>>
      %dma_wait3A_377 = tpu.memref_slice %arg12[%dma_wait3A_366] : memref<8x!tpu.dma_semaphore, #tpu.memory_space<semaphore_mem>> -> memref<1x!tpu.dma_semaphore, #tpu.memory_space<semaphore_mem>>
      %dma_wait3A_378 = tpu.memref_squeeze %dma_wait3A_377 : memref<1x!tpu.dma_semaphore, #tpu.memory_space<semaphore_mem>> -> memref<!tpu.dma_semaphore, #tpu.memory_space<semaphore_mem>>
      tpu.wait_indirect_dma semaphore(%dma_wait3A_378 : memref<!tpu.dma_semaphore, #tpu.memory_space<semaphore_mem>>) src(%dma_wait3A_376 : memref<10000x16xf32, #tpu.memory_space<vmem_shared>>) dst(%dma_wait3A_370 : memref<128x16xf32, #tpu.memory_space<vmem>>)
      %add3A_379 = arith.constant 6 : i32
      %add3A_380 = arith.addi %add3A_56, %add3A_379 : i32
      %dma_start3A_381 = arith.constant 6 : i32
      %dma_start3A_382 = arith.constant 6 : i32
      %dma_start3A_383 = arith.constant 0 : i32
      %dma_start3A_384 = arith.constant 0 : i32
      %dma_start3A_385 = tpu.memref_slice %arg9[%dma_start3A_381, %dma_start3A_383, %dma_start3A_384] : memref<16x128x16xf32, #tpu.memory_space<vmem>> -> memref<1x128x16xf32, #tpu.memory_space<vmem>>
      %dma_start3A_386 = tpu.memref_squeeze %dma_start3A_385 : memref<1x128x16xf32, #tpu.memory_space<vmem>> -> memref<128x16xf32, #tpu.memory_space<vmem>>
      %dma_start3A_387 = arith.constant 0 : i32
      %dma_start3A_388 = tpu.memref_slice %arg8[%add3A_380, %dma_start3A_387] : memref<80x128xi32, #tpu.memory_space<vmem>> -> memref<1x128xi32, #tpu.memory_space<vmem>>
      %dma_start3A_389 = tpu.memref_squeeze %dma_start3A_388 : memref<1x128xi32, #tpu.memory_space<vmem>> -> memref<128xi32, #tpu.memory_space<vmem>>
      %dma_start3A_390 = arith.constant 0 : i32
      %dma_start3A_391 = arith.constant 0 : i32
      %dma_start3A_392 = tpu.memref_slice %arg10[%dma_start3A_390, %dma_start3A_391] : memref<10008x16xf32, #tpu.memory_space<vmem_shared>> -> memref<10008x16xf32, #tpu.memory_space<vmem_shared>>
      %dma_start3A_393 = tpu.memref_slice %arg13[%dma_start3A_382] : memref<8x!tpu.dma_semaphore, #tpu.memory_space<semaphore_mem>> -> memref<1x!tpu.dma_semaphore, #tpu.memory_space<semaphore_mem>>
      %dma_start3A_394 = tpu.memref_squeeze %dma_start3A_393 : memref<1x!tpu.dma_semaphore, #tpu.memory_space<semaphore_mem>> -> memref<!tpu.dma_semaphore, #tpu.memory_space<semaphore_mem>>
      tpu.enqueue_indirect_dma source(%dma_start3A_386 : memref<128x16xf32, #tpu.memory_space<vmem>>) target(%dma_start3A_392 : memref<10008x16xf32, #tpu.memory_space<vmem_shared>>) offsets(%dma_start3A_389 : memref<128xi32, #tpu.memory_space<vmem>>) semaphore(%dma_start3A_394 : memref<!tpu.dma_semaphore, #tpu.memory_space<semaphore_mem>>) {add = true}
      %dma_wait3A_395 = arith.constant 7 : i32
      %dma_wait3A_396 = arith.constant 7 : i32
      %dma_wait3A_397 = arith.constant 0 : i32
      %dma_wait3A_398 = arith.constant 0 : i32
      %dma_wait3A_399 = tpu.memref_slice %arg9[%dma_wait3A_395, %dma_wait3A_397, %dma_wait3A_398] : memref<16x128x16xf32, #tpu.memory_space<vmem>> -> memref<1x128x16xf32, #tpu.memory_space<vmem>>
      %dma_wait3A_400 = tpu.memref_squeeze %dma_wait3A_399 : memref<1x128x16xf32, #tpu.memory_space<vmem>> -> memref<128x16xf32, #tpu.memory_space<vmem>>
      %dma_wait3A_401 = arith.constant 0 : i32
      %dma_wait3A_402 = tpu.memref_slice %arg7[%add3A_170, %dma_wait3A_401] : memref<80x128xi32, #tpu.memory_space<vmem>> -> memref<1x128xi32, #tpu.memory_space<vmem>>
      %dma_wait3A_403 = tpu.memref_squeeze %dma_wait3A_402 : memref<1x128xi32, #tpu.memory_space<vmem>> -> memref<128xi32, #tpu.memory_space<vmem>>
      %dma_wait3A_404 = arith.constant 0 : i32
      %dma_wait3A_405 = arith.constant 0 : i32
      %dma_wait3A_406 = tpu.memref_slice %arg11[%dma_wait3A_404, %dma_wait3A_405] : memref<10000x16xf32, #tpu.memory_space<vmem_shared>> -> memref<10000x16xf32, #tpu.memory_space<vmem_shared>>
      %dma_wait3A_407 = tpu.memref_slice %arg12[%dma_wait3A_396] : memref<8x!tpu.dma_semaphore, #tpu.memory_space<semaphore_mem>> -> memref<1x!tpu.dma_semaphore, #tpu.memory_space<semaphore_mem>>
      %dma_wait3A_408 = tpu.memref_squeeze %dma_wait3A_407 : memref<1x!tpu.dma_semaphore, #tpu.memory_space<semaphore_mem>> -> memref<!tpu.dma_semaphore, #tpu.memory_space<semaphore_mem>>
      tpu.wait_indirect_dma semaphore(%dma_wait3A_408 : memref<!tpu.dma_semaphore, #tpu.memory_space<semaphore_mem>>) src(%dma_wait3A_406 : memref<10000x16xf32, #tpu.memory_space<vmem_shared>>) dst(%dma_wait3A_400 : memref<128x16xf32, #tpu.memory_space<vmem>>)
      %add3A_409 = arith.constant 7 : i32
      %add3A_410 = arith.addi %add3A_56, %add3A_409 : i32
      %dma_start3A_411 = arith.constant 7 : i32
      %dma_start3A_412 = arith.constant 7 : i32
      %dma_start3A_413 = arith.constant 0 : i32
      %dma_start3A_414 = arith.constant 0 : i32
      %dma_start3A_415 = tpu.memref_slice %arg9[%dma_start3A_411, %dma_start3A_413, %dma_start3A_414] : memref<16x128x16xf32, #tpu.memory_space<vmem>> -> memref<1x128x16xf32, #tpu.memory_space<vmem>>
      %dma_start3A_416 = tpu.memref_squeeze %dma_start3A_415 : memref<1x128x16xf32, #tpu.memory_space<vmem>> -> memref<128x16xf32, #tpu.memory_space<vmem>>
      %dma_start3A_417 = arith.constant 0 : i32
      %dma_start3A_418 = tpu.memref_slice %arg8[%add3A_410, %dma_start3A_417] : memref<80x128xi32, #tpu.memory_space<vmem>> -> memref<1x128xi32, #tpu.memory_space<vmem>>
      %dma_start3A_419 = tpu.memref_squeeze %dma_start3A_418 : memref<1x128xi32, #tpu.memory_space<vmem>> -> memref<128xi32, #tpu.memory_space<vmem>>
      %dma_start3A_420 = arith.constant 0 : i32
      %dma_start3A_421 = arith.constant 0 : i32
      %dma_start3A_422 = tpu.memref_slice %arg10[%dma_start3A_420, %dma_start3A_421] : memref<10008x16xf32, #tpu.memory_space<vmem_shared>> -> memref<10008x16xf32, #tpu.memory_space<vmem_shared>>
      %dma_start3A_423 = tpu.memref_slice %arg13[%dma_start3A_412] : memref<8x!tpu.dma_semaphore, #tpu.memory_space<semaphore_mem>> -> memref<1x!tpu.dma_semaphore, #tpu.memory_space<semaphore_mem>>
      %dma_start3A_424 = tpu.memref_squeeze %dma_start3A_423 : memref<1x!tpu.dma_semaphore, #tpu.memory_space<semaphore_mem>> -> memref<!tpu.dma_semaphore, #tpu.memory_space<semaphore_mem>>
      tpu.enqueue_indirect_dma source(%dma_start3A_416 : memref<128x16xf32, #tpu.memory_space<vmem>>) target(%dma_start3A_422 : memref<10008x16xf32, #tpu.memory_space<vmem_shared>>) offsets(%dma_start3A_419 : memref<128xi32, #tpu.memory_space<vmem>>) semaphore(%dma_start3A_424 : memref<!tpu.dma_semaphore, #tpu.memory_space<semaphore_mem>>) {add = true}
      %dma_wait3A_425 = arith.constant 0 : i32
      %dma_wait3A_426 = arith.constant 0 : i32
      %dma_wait3A_427 = arith.constant 0 : i32
      %dma_wait3A_428 = arith.constant 0 : i32
      %dma_wait3A_429 = tpu.memref_slice %arg9[%dma_wait3A_425, %dma_wait3A_427, %dma_wait3A_428] : memref<16x128x16xf32, #tpu.memory_space<vmem>> -> memref<1x128x16xf32, #tpu.memory_space<vmem>>
      %dma_wait3A_430 = tpu.memref_squeeze %dma_wait3A_429 : memref<1x128x16xf32, #tpu.memory_space<vmem>> -> memref<128x16xf32, #tpu.memory_space<vmem>>
      %dma_wait3A_431 = arith.constant 0 : i32
      %dma_wait3A_432 = tpu.memref_slice %arg8[%add3A_200, %dma_wait3A_431] : memref<80x128xi32, #tpu.memory_space<vmem>> -> memref<1x128xi32, #tpu.memory_space<vmem>>
      %dma_wait3A_433 = tpu.memref_squeeze %dma_wait3A_432 : memref<1x128xi32, #tpu.memory_space<vmem>> -> memref<128xi32, #tpu.memory_space<vmem>>
      %dma_wait3A_434 = arith.constant 0 : i32
      %dma_wait3A_435 = arith.constant 0 : i32
      %dma_wait3A_436 = tpu.memref_slice %arg10[%dma_wait3A_434, %dma_wait3A_435] : memref<10008x16xf32, #tpu.memory_space<vmem_shared>> -> memref<10008x16xf32, #tpu.memory_space<vmem_shared>>
      %dma_wait3A_437 = tpu.memref_slice %arg13[%dma_wait3A_426] : memref<8x!tpu.dma_semaphore, #tpu.memory_space<semaphore_mem>> -> memref<1x!tpu.dma_semaphore, #tpu.memory_space<semaphore_mem>>
      %dma_wait3A_438 = tpu.memref_squeeze %dma_wait3A_437 : memref<1x!tpu.dma_semaphore, #tpu.memory_space<semaphore_mem>> -> memref<!tpu.dma_semaphore, #tpu.memory_space<semaphore_mem>>
      tpu.wait_indirect_dma semaphore(%dma_wait3A_438 : memref<!tpu.dma_semaphore, #tpu.memory_space<semaphore_mem>>) src(%dma_wait3A_430 : memref<128x16xf32, #tpu.memory_space<vmem>>) dst(%dma_wait3A_436 : memref<10008x16xf32, #tpu.memory_space<vmem_shared>>)
      %dma_wait3A_439 = arith.constant 1 : i32
      %dma_wait3A_440 = arith.constant 1 : i32
      %dma_wait3A_441 = arith.constant 0 : i32
      %dma_wait3A_442 = arith.constant 0 : i32
      %dma_wait3A_443 = tpu.memref_slice %arg9[%dma_wait3A_439, %dma_wait3A_441, %dma_wait3A_442] : memref<16x128x16xf32, #tpu.memory_space<vmem>> -> memref<1x128x16xf32, #tpu.memory_space<vmem>>
      %dma_wait3A_444 = tpu.memref_squeeze %dma_wait3A_443 : memref<1x128x16xf32, #tpu.memory_space<vmem>> -> memref<128x16xf32, #tpu.memory_space<vmem>>
      %dma_wait3A_445 = arith.constant 0 : i32
      %dma_wait3A_446 = tpu.memref_slice %arg8[%add3A_230, %dma_wait3A_445] : memref<80x128xi32, #tpu.memory_space<vmem>> -> memref<1x128xi32, #tpu.memory_space<vmem>>
      %dma_wait3A_447 = tpu.memref_squeeze %dma_wait3A_446 : memref<1x128xi32, #tpu.memory_space<vmem>> -> memref<128xi32, #tpu.memory_space<vmem>>
      %dma_wait3A_448 = arith.constant 0 : i32
      %dma_wait3A_449 = arith.constant 0 : i32
      %dma_wait3A_450 = tpu.memref_slice %arg10[%dma_wait3A_448, %dma_wait3A_449] : memref<10008x16xf32, #tpu.memory_space<vmem_shared>> -> memref<10008x16xf32, #tpu.memory_space<vmem_shared>>
      %dma_wait3A_451 = tpu.memref_slice %arg13[%dma_wait3A_440] : memref<8x!tpu.dma_semaphore, #tpu.memory_space<semaphore_mem>> -> memref<1x!tpu.dma_semaphore, #tpu.memory_space<semaphore_mem>>
      %dma_wait3A_452 = tpu.memref_squeeze %dma_wait3A_451 : memref<1x!tpu.dma_semaphore, #tpu.memory_space<semaphore_mem>> -> memref<!tpu.dma_semaphore, #tpu.memory_space<semaphore_mem>>
      tpu.wait_indirect_dma semaphore(%dma_wait3A_452 : memref<!tpu.dma_semaphore, #tpu.memory_space<semaphore_mem>>) src(%dma_wait3A_444 : memref<128x16xf32, #tpu.memory_space<vmem>>) dst(%dma_wait3A_450 : memref<10008x16xf32, #tpu.memory_space<vmem_shared>>)
      %dma_wait3A_453 = arith.constant 2 : i32
      %dma_wait3A_454 = arith.constant 2 : i32
      %dma_wait3A_455 = arith.constant 0 : i32
      %dma_wait3A_456 = arith.constant 0 : i32
      %dma_wait3A_457 = tpu.memref_slice %arg9[%dma_wait3A_453, %dma_wait3A_455, %dma_wait3A_456] : memref<16x128x16xf32, #tpu.memory_space<vmem>> -> memref<1x128x16xf32, #tpu.memory_space<vmem>>
      %dma_wait3A_458 = tpu.memref_squeeze %dma_wait3A_457 : memref<1x128x16xf32, #tpu.memory_space<vmem>> -> memref<128x16xf32, #tpu.memory_space<vmem>>
      %dma_wait3A_459 = arith.constant 0 : i32
      %dma_wait3A_460 = tpu.memref_slice %arg8[%add3A_260, %dma_wait3A_459] : memref<80x128xi32, #tpu.memory_space<vmem>> -> memref<1x128xi32, #tpu.memory_space<vmem>>
      %dma_wait3A_461 = tpu.memref_squeeze %dma_wait3A_460 : memref<1x128xi32, #tpu.memory_space<vmem>> -> memref<128xi32, #tpu.memory_space<vmem>>
      %dma_wait3A_462 = arith.constant 0 : i32
      %dma_wait3A_463 = arith.constant 0 : i32
      %dma_wait3A_464 = tpu.memref_slice %arg10[%dma_wait3A_462, %dma_wait3A_463] : memref<10008x16xf32, #tpu.memory_space<vmem_shared>> -> memref<10008x16xf32, #tpu.memory_space<vmem_shared>>
      %dma_wait3A_465 = tpu.memref_slice %arg13[%dma_wait3A_454] : memref<8x!tpu.dma_semaphore, #tpu.memory_space<semaphore_mem>> -> memref<1x!tpu.dma_semaphore, #tpu.memory_space<semaphore_mem>>
      %dma_wait3A_466 = tpu.memref_squeeze %dma_wait3A_465 : memref<1x!tpu.dma_semaphore, #tpu.memory_space<semaphore_mem>> -> memref<!tpu.dma_semaphore, #tpu.memory_space<semaphore_mem>>
      tpu.wait_indirect_dma semaphore(%dma_wait3A_466 : memref<!tpu.dma_semaphore, #tpu.memory_space<semaphore_mem>>) src(%dma_wait3A_458 : memref<128x16xf32, #tpu.memory_space<vmem>>) dst(%dma_wait3A_464 : memref<10008x16xf32, #tpu.memory_space<vmem_shared>>)
      %dma_wait3A_467 = arith.constant 3 : i32
      %dma_wait3A_468 = arith.constant 3 : i32
      %dma_wait3A_469 = arith.constant 0 : i32
      %dma_wait3A_470 = arith.constant 0 : i32
      %dma_wait3A_471 = tpu.memref_slice %arg9[%dma_wait3A_467, %dma_wait3A_469, %dma_wait3A_470] : memref<16x128x16xf32, #tpu.memory_space<vmem>> -> memref<1x128x16xf32, #tpu.memory_space<vmem>>
      %dma_wait3A_472 = tpu.memref_squeeze %dma_wait3A_471 : memref<1x128x16xf32, #tpu.memory_space<vmem>> -> memref<128x16xf32, #tpu.memory_space<vmem>>
      %dma_wait3A_473 = arith.constant 0 : i32
      %dma_wait3A_474 = tpu.memref_slice %arg8[%add3A_290, %dma_wait3A_473] : memref<80x128xi32, #tpu.memory_space<vmem>> -> memref<1x128xi32, #tpu.memory_space<vmem>>
      %dma_wait3A_475 = tpu.memref_squeeze %dma_wait3A_474 : memref<1x128xi32, #tpu.memory_space<vmem>> -> memref<128xi32, #tpu.memory_space<vmem>>
      %dma_wait3A_476 = arith.constant 0 : i32
      %dma_wait3A_477 = arith.constant 0 : i32
      %dma_wait3A_478 = tpu.memref_slice %arg10[%dma_wait3A_476, %dma_wait3A_477] : memref<10008x16xf32, #tpu.memory_space<vmem_shared>> -> memref<10008x16xf32, #tpu.memory_space<vmem_shared>>
      %dma_wait3A_479 = tpu.memref_slice %arg13[%dma_wait3A_468] : memref<8x!tpu.dma_semaphore, #tpu.memory_space<semaphore_mem>> -> memref<1x!tpu.dma_semaphore, #tpu.memory_space<semaphore_mem>>
      %dma_wait3A_480 = tpu.memref_squeeze %dma_wait3A_479 : memref<1x!tpu.dma_semaphore, #tpu.memory_space<semaphore_mem>> -> memref<!tpu.dma_semaphore, #tpu.memory_space<semaphore_mem>>
      tpu.wait_indirect_dma semaphore(%dma_wait3A_480 : memref<!tpu.dma_semaphore, #tpu.memory_space<semaphore_mem>>) src(%dma_wait3A_472 : memref<128x16xf32, #tpu.memory_space<vmem>>) dst(%dma_wait3A_478 : memref<10008x16xf32, #tpu.memory_space<vmem_shared>>)
      %dma_wait3A_481 = arith.constant 4 : i32
      %dma_wait3A_482 = arith.constant 4 : i32
      %dma_wait3A_483 = arith.constant 0 : i32
      %dma_wait3A_484 = arith.constant 0 : i32
      %dma_wait3A_485 = tpu.memref_slice %arg9[%dma_wait3A_481, %dma_wait3A_483, %dma_wait3A_484] : memref<16x128x16xf32, #tpu.memory_space<vmem>> -> memref<1x128x16xf32, #tpu.memory_space<vmem>>
      %dma_wait3A_486 = tpu.memref_squeeze %dma_wait3A_485 : memref<1x128x16xf32, #tpu.memory_space<vmem>> -> memref<128x16xf32, #tpu.memory_space<vmem>>
      %dma_wait3A_487 = arith.constant 0 : i32
      %dma_wait3A_488 = tpu.memref_slice %arg8[%add3A_320, %dma_wait3A_487] : memref<80x128xi32, #tpu.memory_space<vmem>> -> memref<1x128xi32, #tpu.memory_space<vmem>>
      %dma_wait3A_489 = tpu.memref_squeeze %dma_wait3A_488 : memref<1x128xi32, #tpu.memory_space<vmem>> -> memref<128xi32, #tpu.memory_space<vmem>>
      %dma_wait3A_490 = arith.constant 0 : i32
      %dma_wait3A_491 = arith.constant 0 : i32
      %dma_wait3A_492 = tpu.memref_slice %arg10[%dma_wait3A_490, %dma_wait3A_491] : memref<10008x16xf32, #tpu.memory_space<vmem_shared>> -> memref<10008x16xf32, #tpu.memory_space<vmem_shared>>
      %dma_wait3A_493 = tpu.memref_slice %arg13[%dma_wait3A_482] : memref<8x!tpu.dma_semaphore, #tpu.memory_space<semaphore_mem>> -> memref<1x!tpu.dma_semaphore, #tpu.memory_space<semaphore_mem>>
      %dma_wait3A_494 = tpu.memref_squeeze %dma_wait3A_493 : memref<1x!tpu.dma_semaphore, #tpu.memory_space<semaphore_mem>> -> memref<!tpu.dma_semaphore, #tpu.memory_space<semaphore_mem>>
      tpu.wait_indirect_dma semaphore(%dma_wait3A_494 : memref<!tpu.dma_semaphore, #tpu.memory_space<semaphore_mem>>) src(%dma_wait3A_486 : memref<128x16xf32, #tpu.memory_space<vmem>>) dst(%dma_wait3A_492 : memref<10008x16xf32, #tpu.memory_space<vmem_shared>>)
      %dma_wait3A_495 = arith.constant 5 : i32
      %dma_wait3A_496 = arith.constant 5 : i32
      %dma_wait3A_497 = arith.constant 0 : i32
      %dma_wait3A_498 = arith.constant 0 : i32
      %dma_wait3A_499 = tpu.memref_slice %arg9[%dma_wait3A_495, %dma_wait3A_497, %dma_wait3A_498] : memref<16x128x16xf32, #tpu.memory_space<vmem>> -> memref<1x128x16xf32, #tpu.memory_space<vmem>>
      %dma_wait3A_500 = tpu.memref_squeeze %dma_wait3A_499 : memref<1x128x16xf32, #tpu.memory_space<vmem>> -> memref<128x16xf32, #tpu.memory_space<vmem>>
      %dma_wait3A_501 = arith.constant 0 : i32
      %dma_wait3A_502 = tpu.memref_slice %arg8[%add3A_350, %dma_wait3A_501] : memref<80x128xi32, #tpu.memory_space<vmem>> -> memref<1x128xi32, #tpu.memory_space<vmem>>
      %dma_wait3A_503 = tpu.memref_squeeze %dma_wait3A_502 : memref<1x128xi32, #tpu.memory_space<vmem>> -> memref<128xi32, #tpu.memory_space<vmem>>
      %dma_wait3A_504 = arith.constant 0 : i32
      %dma_wait3A_505 = arith.constant 0 : i32
      %dma_wait3A_506 = tpu.memref_slice %arg10[%dma_wait3A_504, %dma_wait3A_505] : memref<10008x16xf32, #tpu.memory_space<vmem_shared>> -> memref<10008x16xf32, #tpu.memory_space<vmem_shared>>
      %dma_wait3A_507 = tpu.memref_slice %arg13[%dma_wait3A_496] : memref<8x!tpu.dma_semaphore, #tpu.memory_space<semaphore_mem>> -> memref<1x!tpu.dma_semaphore, #tpu.memory_space<semaphore_mem>>
      %dma_wait3A_508 = tpu.memref_squeeze %dma_wait3A_507 : memref<1x!tpu.dma_semaphore, #tpu.memory_space<semaphore_mem>> -> memref<!tpu.dma_semaphore, #tpu.memory_space<semaphore_mem>>
      tpu.wait_indirect_dma semaphore(%dma_wait3A_508 : memref<!tpu.dma_semaphore, #tpu.memory_space<semaphore_mem>>) src(%dma_wait3A_500 : memref<128x16xf32, #tpu.memory_space<vmem>>) dst(%dma_wait3A_506 : memref<10008x16xf32, #tpu.memory_space<vmem_shared>>)
      %dma_wait3A_509 = arith.constant 6 : i32
      %dma_wait3A_510 = arith.constant 6 : i32
      %dma_wait3A_511 = arith.constant 0 : i32
      %dma_wait3A_512 = arith.constant 0 : i32
      %dma_wait3A_513 = tpu.memref_slice %arg9[%dma_wait3A_509, %dma_wait3A_511, %dma_wait3A_512] : memref<16x128x16xf32, #tpu.memory_space<vmem>> -> memref<1x128x16xf32, #tpu.memory_space<vmem>>
      %dma_wait3A_514 = tpu.memref_squeeze %dma_wait3A_513 : memref<1x128x16xf32, #tpu.memory_space<vmem>> -> memref<128x16xf32, #tpu.memory_space<vmem>>
      %dma_wait3A_515 = arith.constant 0 : i32
      %dma_wait3A_516 = tpu.memref_slice %arg8[%add3A_380, %dma_wait3A_515] : memref<80x128xi32, #tpu.memory_space<vmem>> -> memref<1x128xi32, #tpu.memory_space<vmem>>
      %dma_wait3A_517 = tpu.memref_squeeze %dma_wait3A_516 : memref<1x128xi32, #tpu.memory_space<vmem>> -> memref<128xi32, #tpu.memory_space<vmem>>
      %dma_wait3A_518 = arith.constant 0 : i32
      %dma_wait3A_519 = arith.constant 0 : i32
      %dma_wait3A_520 = tpu.memref_slice %arg10[%dma_wait3A_518, %dma_wait3A_519] : memref<10008x16xf32, #tpu.memory_space<vmem_shared>> -> memref<10008x16xf32, #tpu.memory_space<vmem_shared>>
      %dma_wait3A_521 = tpu.memref_slice %arg13[%dma_wait3A_510] : memref<8x!tpu.dma_semaphore, #tpu.memory_space<semaphore_mem>> -> memref<1x!tpu.dma_semaphore, #tpu.memory_space<semaphore_mem>>
      %dma_wait3A_522 = tpu.memref_squeeze %dma_wait3A_521 : memref<1x!tpu.dma_semaphore, #tpu.memory_space<semaphore_mem>> -> memref<!tpu.dma_semaphore, #tpu.memory_space<semaphore_mem>>
      tpu.wait_indirect_dma semaphore(%dma_wait3A_522 : memref<!tpu.dma_semaphore, #tpu.memory_space<semaphore_mem>>) src(%dma_wait3A_514 : memref<128x16xf32, #tpu.memory_space<vmem>>) dst(%dma_wait3A_520 : memref<10008x16xf32, #tpu.memory_space<vmem_shared>>)
      %dma_wait3A_523 = arith.constant 7 : i32
      %dma_wait3A_524 = arith.constant 7 : i32
      %dma_wait3A_525 = arith.constant 0 : i32
      %dma_wait3A_526 = arith.constant 0 : i32
      %dma_wait3A_527 = tpu.memref_slice %arg9[%dma_wait3A_523, %dma_wait3A_525, %dma_wait3A_526] : memref<16x128x16xf32, #tpu.memory_space<vmem>> -> memref<1x128x16xf32, #tpu.memory_space<vmem>>
      %dma_wait3A_528 = tpu.memref_squeeze %dma_wait3A_527 : memref<1x128x16xf32, #tpu.memory_space<vmem>> -> memref<128x16xf32, #tpu.memory_space<vmem>>
      %dma_wait3A_529 = arith.constant 0 : i32
      %dma_wait3A_530 = tpu.memref_slice %arg8[%add3A_410, %dma_wait3A_529] : memref<80x128xi32, #tpu.memory_space<vmem>> -> memref<1x128xi32, #tpu.memory_space<vmem>>
      %dma_wait3A_531 = tpu.memref_squeeze %dma_wait3A_530 : memref<1x128xi32, #tpu.memory_space<vmem>> -> memref<128xi32, #tpu.memory_space<vmem>>
      %dma_wait3A_532 = arith.constant 0 : i32
      %dma_wait3A_533 = arith.constant 0 : i32
      %dma_wait3A_534 = tpu.memref_slice %arg10[%dma_wait3A_532, %dma_wait3A_533] : memref<10008x16xf32, #tpu.memory_space<vmem_shared>> -> memref<10008x16xf32, #tpu.memory_space<vmem_shared>>
      %dma_wait3A_535 = tpu.memref_slice %arg13[%dma_wait3A_524] : memref<8x!tpu.dma_semaphore, #tpu.memory_space<semaphore_mem>> -> memref<1x!tpu.dma_semaphore, #tpu.memory_space<semaphore_mem>>
      %dma_wait3A_536 = tpu.memref_squeeze %dma_wait3A_535 : memref<1x!tpu.dma_semaphore, #tpu.memory_space<semaphore_mem>> -> memref<!tpu.dma_semaphore, #tpu.memory_space<semaphore_mem>>
      tpu.wait_indirect_dma semaphore(%dma_wait3A_536 : memref<!tpu.dma_semaphore, #tpu.memory_space<semaphore_mem>>) src(%dma_wait3A_528 : memref<128x16xf32, #tpu.memory_space<vmem>>) dst(%dma_wait3A_534 : memref<10008x16xf32, #tpu.memory_space<vmem_shared>>)
    }
    %scan3A_40 = arith.constant 10 : i32
    %barrier3A_41 = arith.constant 0 : index
    tpu.barrier barrier_id(%barrier3A_41)
    %lt3A_42 = arith.constant 15 : i32
    %lt3A_43 = arith.cmpi slt, %arg1, %lt3A_42 : i32
    %convert_element_type3A_44 = arith.extui %lt3A_43 : i1 to i32
    %cond3A_45 = arith.constant 0 : i32
    %cond3A_46 = arith.cmpi ne, %convert_element_type3A_44, %cond3A_45 : i32
    scf.if %cond3A_46 {
      %mul3A_52 = arith.constant 624 : i32
      %mul3A_53 = arith.muli %arg1, %mul3A_52 : i32
      %mul3A_54 = arith.constant 624 : i32
      %mul3A_55 = arith.muli %arg1, %mul3A_54 : i32
      "tpu.region"() ({
        %run_scoped3A = tpu.sem_alloc : memref<!tpu.dma_semaphore, #tpu.memory_space<semaphore_mem>>
        %dma_start3A_56 = arith.constant 0 : i32
        %dma_start3A_57 = tpu.memref_slice %arg6[%arg0, %mul3A_55, %dma_start3A_56] : memref<2x10000x16xf32, #tpu.memory_space<hbm>> -> memref<1x624x16xf32, #tpu.memory_space<hbm>>
        %dma_start3A_58 = tpu.memref_squeeze %dma_start3A_57 : memref<1x624x16xf32, #tpu.memory_space<hbm>> -> memref<624x16xf32, #tpu.memory_space<hbm>>
        %dma_start3A_59 = arith.constant 0 : i32
        %dma_start3A_60 = tpu.memref_slice %arg10[%mul3A_53, %dma_start3A_59] : memref<10008x16xf32, #tpu.memory_space<vmem_shared>> -> memref<624x16xf32, #tpu.memory_space<vmem_shared>>
        tpu.enqueue_dma source(%dma_start3A_60 : memref<624x16xf32, #tpu.memory_space<vmem_shared>>) target(%dma_start3A_58 : memref<624x16xf32, #tpu.memory_space<hbm>>) target_semaphore(%run_scoped3A : memref<!tpu.dma_semaphore, #tpu.memory_space<semaphore_mem>>)
        %dma_wait3A_61 = arith.constant 0 : i32
        %dma_wait3A_62 = tpu.memref_slice %arg6[%arg0, %mul3A_55, %dma_wait3A_61] : memref<2x10000x16xf32, #tpu.memory_space<hbm>> -> memref<1x624x16xf32, #tpu.memory_space<hbm>>
        %dma_wait3A_63 = tpu.memref_squeeze %dma_wait3A_62 : memref<1x624x16xf32, #tpu.memory_space<hbm>> -> memref<624x16xf32, #tpu.memory_space<hbm>>
        %dma_wait3A_64 = arith.constant 0 : i32
        %dma_wait3A_65 = tpu.memref_slice %arg10[%mul3A_53, %dma_wait3A_64] : memref<10008x16xf32, #tpu.memory_space<vmem_shared>> -> memref<624x16xf32, #tpu.memory_space<vmem_shared>>
        tpu.wait_dma2 semaphore(%run_scoped3A : memref<!tpu.dma_semaphore, #tpu.memory_space<semaphore_mem>>) src(%dma_wait3A_65 : memref<624x16xf32, #tpu.memory_space<vmem_shared>>) dst(%dma_wait3A_63 : memref<624x16xf32, #tpu.memory_space<hbm>>)
        tpu.yield
      }) : () -> ()
    } else {
    }
    %eq3A_47 = arith.constant 15 : i32
    %eq3A_48 = arith.cmpi eq, %arg1, %eq3A_47 : i32
    %convert_element_type3A_49 = arith.extui %eq3A_48 : i1 to i32
    %cond3A_50 = arith.constant 0 : i32
    %cond3A_51 = arith.cmpi ne, %convert_element_type3A_49, %cond3A_50 : i32
    scf.if %cond3A_51 {
      "tpu.region"() ({
        %run_scoped3A = tpu.sem_alloc : memref<!tpu.dma_semaphore, #tpu.memory_space<semaphore_mem>>
        %dma_start3A_52 = arith.constant 9360 : i32
        %dma_start3A_53 = arith.constant 0 : i32
        %dma_start3A_54 = tpu.memref_slice %arg6[%arg0, %dma_start3A_52, %dma_start3A_53] : memref<2x10000x16xf32, #tpu.memory_space<hbm>> -> memref<1x640x16xf32, #tpu.memory_space<hbm>>
        %dma_start3A_55 = tpu.memref_squeeze %dma_start3A_54 : memref<1x640x16xf32, #tpu.memory_space<hbm>> -> memref<640x16xf32, #tpu.memory_space<hbm>>
        %dma_start3A_56 = arith.constant 9360 : i32
        %dma_start3A_57 = arith.constant 0 : i32
        %dma_start3A_58 = tpu.memref_slice %arg10[%dma_start3A_56, %dma_start3A_57] : memref<10008x16xf32, #tpu.memory_space<vmem_shared>> -> memref<640x16xf32, #tpu.memory_space<vmem_shared>>
        tpu.enqueue_dma source(%dma_start3A_58 : memref<640x16xf32, #tpu.memory_space<vmem_shared>>) target(%dma_start3A_55 : memref<640x16xf32, #tpu.memory_space<hbm>>) target_semaphore(%run_scoped3A : memref<!tpu.dma_semaphore, #tpu.memory_space<semaphore_mem>>)
        %dma_wait3A_59 = arith.constant 9360 : i32
        %dma_wait3A_60 = arith.constant 0 : i32
        %dma_wait3A_61 = tpu.memref_slice %arg6[%arg0, %dma_wait3A_59, %dma_wait3A_60] : memref<2x10000x16xf32, #tpu.memory_space<hbm>> -> memref<1x640x16xf32, #tpu.memory_space<hbm>>
        %dma_wait3A_62 = tpu.memref_squeeze %dma_wait3A_61 : memref<1x640x16xf32, #tpu.memory_space<hbm>> -> memref<640x16xf32, #tpu.memory_space<hbm>>
        %dma_wait3A_63 = arith.constant 9360 : i32
        %dma_wait3A_64 = arith.constant 0 : i32
        %dma_wait3A_65 = tpu.memref_slice %arg10[%dma_wait3A_63, %dma_wait3A_64] : memref<10008x16xf32, #tpu.memory_space<vmem_shared>> -> memref<640x16xf32, #tpu.memory_space<vmem_shared>>
        tpu.wait_dma2 semaphore(%run_scoped3A : memref<!tpu.dma_semaphore, #tpu.memory_space<semaphore_mem>>) src(%dma_wait3A_65 : memref<640x16xf32, #tpu.memory_space<vmem_shared>>) dst(%dma_wait3A_62 : memref<640x16xf32, #tpu.memory_space<hbm>>)
        tpu.yield
      }) : () -> ()
    } else {
    }
    return
  }
}

#map = affine_map<(d0, d1) -> (0, 0)>
#map1 = affine_map<(d0, d1) -> (0, 0, 0)>
module attributes {stable_mosaic.version = 14 : i64} {
  func.func @k(%arg0: i32, %arg1: i32, %arg2: memref<10000x16xf32, #tpu.memory_space<hbm>>, %arg3: memref<2560x128xi32, #tpu.memory_space<hbm>>, %arg4: memref<2560x128xi32, #tpu.memory_space<hbm>>, %arg5: memref<10008x16xf32, #tpu.memory_space<hbm>>, %arg6: memref<2x10000x16xf32, #tpu.memory_space<hbm>>, %arg7: memref<80x128xi32, #tpu.memory_space<vmem>>, %arg8: memref<80x128xi32, #tpu.memory_space<vmem>>, %arg9: memref<16x128x16xf32, #tpu.memory_space<vmem>>, %arg10: memref<10008x16xf32, #tpu.memory_space<vmem_shared>>, %arg11: memref<10000x16xf32, #tpu.memory_space<vmem_shared>>, %arg12: memref<8x!tpu.dma_semaphore, #tpu.memory_space<semaphore_mem>>, %arg13: memref<8x!tpu.dma_semaphore, #tpu.memory_space<semaphore_mem>>) attributes {dimension_semantics = [#tpu.dimension_semantics<core_parallel>, #tpu.dimension_semantics<subcore_parallel>], iteration_bounds = array<i64: 2, 16>, scalar_prefetch = 0 : i64, scratch_operands = 7 : i64, tpu.core_type = #tpu.core_type<sc_vector_subcore>, window_params = [{transform_indices = #map}, {transform_indices = #map}, {transform_indices = #map}, {transform_indices = #map}, {transform_indices = #map1}]} {
    %mul3A = arith.constant 2 : i32
    %mul3A_0 = arith.muli %arg1, %mul3A : i32
    %add3A = arith.addi %mul3A_0, %arg0 : i32
    %mul3A_1 = arith.constant 80 : i32
    %mul3A_2 = arith.muli %add3A, %mul3A_1 : i32
    %dma_start3A = arith.constant 0 : i32
    %dma_start3A_3 = arith.constant 0 : i32
    %dma_start3A_4 = tpu.memref_slice %arg3[%mul3A_2, %dma_start3A_3] : memref<2560x128xi32, #tpu.memory_space<hbm>> -> memref<80x128xi32, #tpu.memory_space<hbm>>
    %dma_start3A_5 = tpu.memref_slice %arg12[%dma_start3A] : memref<8x!tpu.dma_semaphore, #tpu.memory_space<semaphore_mem>> -> memref<1x!tpu.dma_semaphore, #tpu.memory_space<semaphore_mem>>
    %dma_start3A_6 = tpu.memref_squeeze %dma_start3A_5 : memref<1x!tpu.dma_semaphore, #tpu.memory_space<semaphore_mem>> -> memref<!tpu.dma_semaphore, #tpu.memory_space<semaphore_mem>>
    %dma_start3A_7 = arith.constant 0 : i32
    %dma_start3A_8 = tpu.memref_slice %arg3[%mul3A_2, %dma_start3A_7] : memref<2560x128xi32, #tpu.memory_space<hbm>> -> memref<80x128xi32, #tpu.memory_space<hbm>>
    tpu.enqueue_dma source(%dma_start3A_8 : memref<80x128xi32, #tpu.memory_space<hbm>>) target(%arg7 : memref<80x128xi32, #tpu.memory_space<vmem>>) target_semaphore(%dma_start3A_6 : memref<!tpu.dma_semaphore, #tpu.memory_space<semaphore_mem>>)
    %mul3A_9 = arith.constant 80 : i32
    %mul3A_10 = arith.muli %add3A, %mul3A_9 : i32
    %dma_start3A_11 = arith.constant 1 : i32
    %dma_start3A_12 = arith.constant 0 : i32
    %dma_start3A_13 = tpu.memref_slice %arg4[%mul3A_10, %dma_start3A_12] : memref<2560x128xi32, #tpu.memory_space<hbm>> -> memref<80x128xi32, #tpu.memory_space<hbm>>
    %dma_start3A_14 = tpu.memref_slice %arg12[%dma_start3A_11] : memref<8x!tpu.dma_semaphore, #tpu.memory_space<semaphore_mem>> -> memref<1x!tpu.dma_semaphore, #tpu.memory_space<semaphore_mem>>
    %dma_start3A_15 = tpu.memref_squeeze %dma_start3A_14 : memref<1x!tpu.dma_semaphore, #tpu.memory_space<semaphore_mem>> -> memref<!tpu.dma_semaphore, #tpu.memory_space<semaphore_mem>>
    %dma_start3A_16 = arith.constant 0 : i32
    %dma_start3A_17 = tpu.memref_slice %arg4[%mul3A_10, %dma_start3A_16] : memref<2560x128xi32, #tpu.memory_space<hbm>> -> memref<80x128xi32, #tpu.memory_space<hbm>>
    tpu.enqueue_dma source(%dma_start3A_17 : memref<80x128xi32, #tpu.memory_space<hbm>>) target(%arg8 : memref<80x128xi32, #tpu.memory_space<vmem>>) target_semaphore(%dma_start3A_15 : memref<!tpu.dma_semaphore, #tpu.memory_space<semaphore_mem>>)
    %lt3A = arith.constant 15 : i32
    %lt3A_18 = arith.cmpi slt, %arg1, %lt3A : i32
    %convert_element_type3A = arith.extui %lt3A_18 : i1 to i32
    %cond3A = arith.constant 0 : i32
    %cond3A_19 = arith.cmpi ne, %convert_element_type3A, %cond3A : i32
    scf.if %cond3A_19 {
      %mul3A_52 = arith.constant 624 : i32
      %mul3A_53 = arith.muli %arg1, %mul3A_52 : i32
      %mul3A_54 = arith.constant 624 : i32
      %mul3A_55 = arith.muli %arg1, %mul3A_54 : i32
      %dma_start3A_56 = arith.constant 2 : i32
      %dma_start3A_57 = tpu.memref_slice %arg12[%dma_start3A_56] : memref<8x!tpu.dma_semaphore, #tpu.memory_space<semaphore_mem>> -> memref<1x!tpu.dma_semaphore, #tpu.memory_space<semaphore_mem>>
      %dma_start3A_58 = tpu.memref_squeeze %dma_start3A_57 : memref<1x!tpu.dma_semaphore, #tpu.memory_space<semaphore_mem>> -> memref<!tpu.dma_semaphore, #tpu.memory_space<semaphore_mem>>
      %dma_start3A_59 = arith.constant 0 : i32
      %dma_start3A_60 = tpu.memref_slice %arg10[%mul3A_55, %dma_start3A_59] : memref<10008x16xf32, #tpu.memory_space<vmem_shared>> -> memref<624x16xf32, #tpu.memory_space<vmem_shared>>
      %dma_start3A_61 = arith.constant 0 : i32
      %dma_start3A_62 = tpu.memref_slice %arg5[%mul3A_53, %dma_start3A_61] : memref<10008x16xf32, #tpu.memory_space<hbm>> -> memref<624x16xf32, #tpu.memory_space<hbm>>
      tpu.enqueue_dma source(%dma_start3A_62 : memref<624x16xf32, #tpu.memory_space<hbm>>) target(%dma_start3A_60 : memref<624x16xf32, #tpu.memory_space<vmem_shared>>) target_semaphore(%dma_start3A_58 : memref<!tpu.dma_semaphore, #tpu.memory_space<semaphore_mem>>)
      %mul3A_63 = arith.constant 624 : i32
      %mul3A_64 = arith.muli %arg1, %mul3A_63 : i32
      %mul3A_65 = arith.constant 624 : i32
      %mul3A_66 = arith.muli %arg1, %mul3A_65 : i32
      %dma_start3A_67 = arith.constant 3 : i32
      %dma_start3A_68 = tpu.memref_slice %arg12[%dma_start3A_67] : memref<8x!tpu.dma_semaphore, #tpu.memory_space<semaphore_mem>> -> memref<1x!tpu.dma_semaphore, #tpu.memory_space<semaphore_mem>>
      %dma_start3A_69 = tpu.memref_squeeze %dma_start3A_68 : memref<1x!tpu.dma_semaphore, #tpu.memory_space<semaphore_mem>> -> memref<!tpu.dma_semaphore, #tpu.memory_space<semaphore_mem>>
      %dma_start3A_70 = arith.constant 0 : i32
      %dma_start3A_71 = tpu.memref_slice %arg11[%mul3A_66, %dma_start3A_70] : memref<10000x16xf32, #tpu.memory_space<vmem_shared>> -> memref<624x16xf32, #tpu.memory_space<vmem_shared>>
      %dma_start3A_72 = arith.constant 0 : i32
      %dma_start3A_73 = tpu.memref_slice %arg2[%mul3A_64, %dma_start3A_72] : memref<10000x16xf32, #tpu.memory_space<hbm>> -> memref<624x16xf32, #tpu.memory_space<hbm>>
      tpu.enqueue_dma source(%dma_start3A_73 : memref<624x16xf32, #tpu.memory_space<hbm>>) target(%dma_start3A_71 : memref<624x16xf32, #tpu.memory_space<vmem_shared>>) target_semaphore(%dma_start3A_69 : memref<!tpu.dma_semaphore, #tpu.memory_space<semaphore_mem>>)
      %dma_wait3A_74 = arith.constant 2 : i32
      %dma_wait3A_75 = tpu.memref_slice %arg12[%dma_wait3A_74] : memref<8x!tpu.dma_semaphore, #tpu.memory_space<semaphore_mem>> -> memref<1x!tpu.dma_semaphore, #tpu.memory_space<semaphore_mem>>
      %dma_wait3A_76 = tpu.memref_squeeze %dma_wait3A_75 : memref<1x!tpu.dma_semaphore, #tpu.memory_space<semaphore_mem>> -> memref<!tpu.dma_semaphore, #tpu.memory_space<semaphore_mem>>
      %dma_wait3A_77 = arith.constant 0 : i32
      %dma_wait3A_78 = tpu.memref_slice %arg10[%mul3A_55, %dma_wait3A_77] : memref<10008x16xf32, #tpu.memory_space<vmem_shared>> -> memref<624x16xf32, #tpu.memory_space<vmem_shared>>
      %dma_wait3A_79 = arith.constant 0 : i32
      %dma_wait3A_80 = tpu.memref_slice %arg5[%mul3A_53, %dma_wait3A_79] : memref<10008x16xf32, #tpu.memory_space<hbm>> -> memref<624x16xf32, #tpu.memory_space<hbm>>
      tpu.wait_dma2 semaphore(%dma_wait3A_76 : memref<!tpu.dma_semaphore, #tpu.memory_space<semaphore_mem>>) src(%dma_wait3A_80 : memref<624x16xf32, #tpu.memory_space<hbm>>) dst(%dma_wait3A_78 : memref<624x16xf32, #tpu.memory_space<vmem_shared>>)
      %dma_wait3A_81 = arith.constant 3 : i32
      %dma_wait3A_82 = tpu.memref_slice %arg12[%dma_wait3A_81] : memref<8x!tpu.dma_semaphore, #tpu.memory_space<semaphore_mem>> -> memref<1x!tpu.dma_semaphore, #tpu.memory_space<semaphore_mem>>
      %dma_wait3A_83 = tpu.memref_squeeze %dma_wait3A_82 : memref<1x!tpu.dma_semaphore, #tpu.memory_space<semaphore_mem>> -> memref<!tpu.dma_semaphore, #tpu.memory_space<semaphore_mem>>
      %dma_wait3A_84 = arith.constant 0 : i32
      %dma_wait3A_85 = tpu.memref_slice %arg11[%mul3A_66, %dma_wait3A_84] : memref<10000x16xf32, #tpu.memory_space<vmem_shared>> -> memref<624x16xf32, #tpu.memory_space<vmem_shared>>
      %dma_wait3A_86 = arith.constant 0 : i32
      %dma_wait3A_87 = tpu.memref_slice %arg2[%mul3A_64, %dma_wait3A_86] : memref<10000x16xf32, #tpu.memory_space<hbm>> -> memref<624x16xf32, #tpu.memory_space<hbm>>
      tpu.wait_dma2 semaphore(%dma_wait3A_83 : memref<!tpu.dma_semaphore, #tpu.memory_space<semaphore_mem>>) src(%dma_wait3A_87 : memref<624x16xf32, #tpu.memory_space<hbm>>) dst(%dma_wait3A_85 : memref<624x16xf32, #tpu.memory_space<vmem_shared>>)
    } else {
    }
    %eq3A = arith.constant 15 : i32
    %eq3A_20 = arith.cmpi eq, %arg1, %eq3A : i32
    %convert_element_type3A_21 = arith.extui %eq3A_20 : i1 to i32
    %cond3A_22 = arith.constant 0 : i32
    %cond3A_23 = arith.cmpi ne, %convert_element_type3A_21, %cond3A_22 : i32
    scf.if %cond3A_23 {
      %dma_start3A_52 = arith.constant 2 : i32
      %dma_start3A_53 = tpu.memref_slice %arg12[%dma_start3A_52] : memref<8x!tpu.dma_semaphore, #tpu.memory_space<semaphore_mem>> -> memref<1x!tpu.dma_semaphore, #tpu.memory_space<semaphore_mem>>
      %dma_start3A_54 = tpu.memref_squeeze %dma_start3A_53 : memref<1x!tpu.dma_semaphore, #tpu.memory_space<semaphore_mem>> -> memref<!tpu.dma_semaphore, #tpu.memory_space<semaphore_mem>>
      %dma_start3A_55 = arith.constant 9360 : i32
      %dma_start3A_56 = arith.constant 0 : i32
      %dma_start3A_57 = tpu.memref_slice %arg10[%dma_start3A_55, %dma_start3A_56] : memref<10008x16xf32, #tpu.memory_space<vmem_shared>> -> memref<648x16xf32, #tpu.memory_space<vmem_shared>>
      %dma_start3A_58 = arith.constant 9360 : i32
      %dma_start3A_59 = arith.constant 0 : i32
      %dma_start3A_60 = tpu.memref_slice %arg5[%dma_start3A_58, %dma_start3A_59] : memref<10008x16xf32, #tpu.memory_space<hbm>> -> memref<648x16xf32, #tpu.memory_space<hbm>>
      tpu.enqueue_dma source(%dma_start3A_60 : memref<648x16xf32, #tpu.memory_space<hbm>>) target(%dma_start3A_57 : memref<648x16xf32, #tpu.memory_space<vmem_shared>>) target_semaphore(%dma_start3A_54 : memref<!tpu.dma_semaphore, #tpu.memory_space<semaphore_mem>>)
      %dma_start3A_61 = arith.constant 3 : i32
      %dma_start3A_62 = tpu.memref_slice %arg12[%dma_start3A_61] : memref<8x!tpu.dma_semaphore, #tpu.memory_space<semaphore_mem>> -> memref<1x!tpu.dma_semaphore, #tpu.memory_space<semaphore_mem>>
      %dma_start3A_63 = tpu.memref_squeeze %dma_start3A_62 : memref<1x!tpu.dma_semaphore, #tpu.memory_space<semaphore_mem>> -> memref<!tpu.dma_semaphore, #tpu.memory_space<semaphore_mem>>
      %dma_start3A_64 = arith.constant 9360 : i32
      %dma_start3A_65 = arith.constant 0 : i32
      %dma_start3A_66 = tpu.memref_slice %arg11[%dma_start3A_64, %dma_start3A_65] : memref<10000x16xf32, #tpu.memory_space<vmem_shared>> -> memref<640x16xf32, #tpu.memory_space<vmem_shared>>
      %dma_start3A_67 = arith.constant 9360 : i32
      %dma_start3A_68 = arith.constant 0 : i32
      %dma_start3A_69 = tpu.memref_slice %arg2[%dma_start3A_67, %dma_start3A_68] : memref<10000x16xf32, #tpu.memory_space<hbm>> -> memref<640x16xf32, #tpu.memory_space<hbm>>
      tpu.enqueue_dma source(%dma_start3A_69 : memref<640x16xf32, #tpu.memory_space<hbm>>) target(%dma_start3A_66 : memref<640x16xf32, #tpu.memory_space<vmem_shared>>) target_semaphore(%dma_start3A_63 : memref<!tpu.dma_semaphore, #tpu.memory_space<semaphore_mem>>)
      %dma_wait3A_70 = arith.constant 2 : i32
      %dma_wait3A_71 = tpu.memref_slice %arg12[%dma_wait3A_70] : memref<8x!tpu.dma_semaphore, #tpu.memory_space<semaphore_mem>> -> memref<1x!tpu.dma_semaphore, #tpu.memory_space<semaphore_mem>>
      %dma_wait3A_72 = tpu.memref_squeeze %dma_wait3A_71 : memref<1x!tpu.dma_semaphore, #tpu.memory_space<semaphore_mem>> -> memref<!tpu.dma_semaphore, #tpu.memory_space<semaphore_mem>>
      %dma_wait3A_73 = arith.constant 9360 : i32
      %dma_wait3A_74 = arith.constant 0 : i32
      %dma_wait3A_75 = tpu.memref_slice %arg10[%dma_wait3A_73, %dma_wait3A_74] : memref<10008x16xf32, #tpu.memory_space<vmem_shared>> -> memref<648x16xf32, #tpu.memory_space<vmem_shared>>
      %dma_wait3A_76 = arith.constant 9360 : i32
      %dma_wait3A_77 = arith.constant 0 : i32
      %dma_wait3A_78 = tpu.memref_slice %arg5[%dma_wait3A_76, %dma_wait3A_77] : memref<10008x16xf32, #tpu.memory_space<hbm>> -> memref<648x16xf32, #tpu.memory_space<hbm>>
      tpu.wait_dma2 semaphore(%dma_wait3A_72 : memref<!tpu.dma_semaphore, #tpu.memory_space<semaphore_mem>>) src(%dma_wait3A_78 : memref<648x16xf32, #tpu.memory_space<hbm>>) dst(%dma_wait3A_75 : memref<648x16xf32, #tpu.memory_space<vmem_shared>>)
      %dma_wait3A_79 = arith.constant 3 : i32
      %dma_wait3A_80 = tpu.memref_slice %arg12[%dma_wait3A_79] : memref<8x!tpu.dma_semaphore, #tpu.memory_space<semaphore_mem>> -> memref<1x!tpu.dma_semaphore, #tpu.memory_space<semaphore_mem>>
      %dma_wait3A_81 = tpu.memref_squeeze %dma_wait3A_80 : memref<1x!tpu.dma_semaphore, #tpu.memory_space<semaphore_mem>> -> memref<!tpu.dma_semaphore, #tpu.memory_space<semaphore_mem>>
      %dma_wait3A_82 = arith.constant 9360 : i32
      %dma_wait3A_83 = arith.constant 0 : i32
      %dma_wait3A_84 = tpu.memref_slice %arg11[%dma_wait3A_82, %dma_wait3A_83] : memref<10000x16xf32, #tpu.memory_space<vmem_shared>> -> memref<640x16xf32, #tpu.memory_space<vmem_shared>>
      %dma_wait3A_85 = arith.constant 9360 : i32
      %dma_wait3A_86 = arith.constant 0 : i32
      %dma_wait3A_87 = tpu.memref_slice %arg2[%dma_wait3A_85, %dma_wait3A_86] : memref<10000x16xf32, #tpu.memory_space<hbm>> -> memref<640x16xf32, #tpu.memory_space<hbm>>
      tpu.wait_dma2 semaphore(%dma_wait3A_81 : memref<!tpu.dma_semaphore, #tpu.memory_space<semaphore_mem>>) src(%dma_wait3A_87 : memref<640x16xf32, #tpu.memory_space<hbm>>) dst(%dma_wait3A_84 : memref<640x16xf32, #tpu.memory_space<vmem_shared>>)
    } else {
    }
    %dma_wait3A = arith.constant 0 : i32
    %dma_wait3A_24 = arith.constant 0 : i32
    %dma_wait3A_25 = tpu.memref_slice %arg3[%mul3A_2, %dma_wait3A_24] : memref<2560x128xi32, #tpu.memory_space<hbm>> -> memref<80x128xi32, #tpu.memory_space<hbm>>
    %dma_wait3A_26 = tpu.memref_slice %arg12[%dma_wait3A] : memref<8x!tpu.dma_semaphore, #tpu.memory_space<semaphore_mem>> -> memref<1x!tpu.dma_semaphore, #tpu.memory_space<semaphore_mem>>
    %dma_wait3A_27 = tpu.memref_squeeze %dma_wait3A_26 : memref<1x!tpu.dma_semaphore, #tpu.memory_space<semaphore_mem>> -> memref<!tpu.dma_semaphore, #tpu.memory_space<semaphore_mem>>
    %dma_wait3A_28 = arith.constant 0 : i32
    %dma_wait3A_29 = tpu.memref_slice %arg3[%mul3A_2, %dma_wait3A_28] : memref<2560x128xi32, #tpu.memory_space<hbm>> -> memref<80x128xi32, #tpu.memory_space<hbm>>
    tpu.wait_dma2 semaphore(%dma_wait3A_27 : memref<!tpu.dma_semaphore, #tpu.memory_space<semaphore_mem>>) src(%dma_wait3A_29 : memref<80x128xi32, #tpu.memory_space<hbm>>) dst(%arg7 : memref<80x128xi32, #tpu.memory_space<vmem>>)
    %dma_wait3A_30 = arith.constant 1 : i32
    %dma_wait3A_31 = arith.constant 0 : i32
    %dma_wait3A_32 = tpu.memref_slice %arg4[%mul3A_10, %dma_wait3A_31] : memref<2560x128xi32, #tpu.memory_space<hbm>> -> memref<80x128xi32, #tpu.memory_space<hbm>>
    %dma_wait3A_33 = tpu.memref_slice %arg12[%dma_wait3A_30] : memref<8x!tpu.dma_semaphore, #tpu.memory_space<semaphore_mem>> -> memref<1x!tpu.dma_semaphore, #tpu.memory_space<semaphore_mem>>
    %dma_wait3A_34 = tpu.memref_squeeze %dma_wait3A_33 : memref<1x!tpu.dma_semaphore, #tpu.memory_space<semaphore_mem>> -> memref<!tpu.dma_semaphore, #tpu.memory_space<semaphore_mem>>
    %dma_wait3A_35 = arith.constant 0 : i32
    %dma_wait3A_36 = tpu.memref_slice %arg4[%mul3A_10, %dma_wait3A_35] : memref<2560x128xi32, #tpu.memory_space<hbm>> -> memref<80x128xi32, #tpu.memory_space<hbm>>
    tpu.wait_dma2 semaphore(%dma_wait3A_34 : memref<!tpu.dma_semaphore, #tpu.memory_space<semaphore_mem>>) src(%dma_wait3A_36 : memref<80x128xi32, #tpu.memory_space<hbm>>) dst(%arg8 : memref<80x128xi32, #tpu.memory_space<vmem>>)
    %barrier3A = arith.constant 0 : index
    tpu.barrier barrier_id(%barrier3A)
    %scan3A = arith.constant 0 : i32
    %scan3A_37 = arith.constant 10 : i32
    %scan3A_38 = arith.addi %scan3A, %scan3A_37 : i32
    %scan3A_39 = arith.constant 1 : i32
    scf.for %scan3A_52 = %scan3A to %scan3A_38 step %scan3A_39  : i32 {
      %mul3A_53 = arith.constant 8 : i32
      %mul3A_54 = arith.muli %scan3A_52, %mul3A_53 : i32
      %add3A_55 = arith.constant 0 : i32
      %add3A_56 = arith.addi %add3A_55, %mul3A_54 : i32
      %add3A_57 = arith.constant 0 : i32
      %add3A_58 = arith.addi %add3A_56, %add3A_57 : i32
      %dma_start3A_59 = arith.constant 0 : i32
      %dma_start3A_60 = arith.constant 0 : i32
      %dma_start3A_61 = arith.constant 0 : i32
      %dma_start3A_62 = arith.constant 0 : i32
      %dma_start3A_63 = tpu.memref_slice %arg9[%dma_start3A_59, %dma_start3A_61, %dma_start3A_62] : memref<16x128x16xf32, #tpu.memory_space<vmem>> -> memref<1x128x16xf32, #tpu.memory_space<vmem>>
      %dma_start3A_64 = tpu.memref_squeeze %dma_start3A_63 : memref<1x128x16xf32, #tpu.memory_space<vmem>> -> memref<128x16xf32, #tpu.memory_space<vmem>>
      %dma_start3A_65 = arith.constant 0 : i32
      %dma_start3A_66 = tpu.memref_slice %arg7[%add3A_58, %dma_start3A_65] : memref<80x128xi32, #tpu.memory_space<vmem>> -> memref<1x128xi32, #tpu.memory_space<vmem>>
      %dma_start3A_67 = tpu.memref_squeeze %dma_start3A_66 : memref<1x128xi32, #tpu.memory_space<vmem>> -> memref<128xi32, #tpu.memory_space<vmem>>
      %dma_start3A_68 = arith.constant 0 : i32
      %dma_start3A_69 = arith.constant 0 : i32
      %dma_start3A_70 = tpu.memref_slice %arg11[%dma_start3A_68, %dma_start3A_69] : memref<10000x16xf32, #tpu.memory_space<vmem_shared>> -> memref<10000x16xf32, #tpu.memory_space<vmem_shared>>
      %dma_start3A_71 = tpu.memref_slice %arg12[%dma_start3A_60] : memref<8x!tpu.dma_semaphore, #tpu.memory_space<semaphore_mem>> -> memref<1x!tpu.dma_semaphore, #tpu.memory_space<semaphore_mem>>
      %dma_start3A_72 = tpu.memref_squeeze %dma_start3A_71 : memref<1x!tpu.dma_semaphore, #tpu.memory_space<semaphore_mem>> -> memref<!tpu.dma_semaphore, #tpu.memory_space<semaphore_mem>>
      tpu.enqueue_indirect_dma source(%dma_start3A_70 : memref<10000x16xf32, #tpu.memory_space<vmem_shared>>) target(%dma_start3A_64 : memref<128x16xf32, #tpu.memory_space<vmem>>) offsets(%dma_start3A_67 : memref<128xi32, #tpu.memory_space<vmem>>) semaphore(%dma_start3A_72 : memref<!tpu.dma_semaphore, #tpu.memory_space<semaphore_mem>>)
      %add3A_73 = arith.constant 1 : i32
      %add3A_74 = arith.addi %add3A_56, %add3A_73 : i32
      %dma_start3A_75 = arith.constant 1 : i32
      %dma_start3A_76 = arith.constant 1 : i32
      %dma_start3A_77 = arith.constant 0 : i32
      %dma_start3A_78 = arith.constant 0 : i32
      %dma_start3A_79 = tpu.memref_slice %arg9[%dma_start3A_75, %dma_start3A_77, %dma_start3A_78] : memref<16x128x16xf32, #tpu.memory_space<vmem>> -> memref<1x128x16xf32, #tpu.memory_space<vmem>>
      %dma_start3A_80 = tpu.memref_squeeze %dma_start3A_79 : memref<1x128x16xf32, #tpu.memory_space<vmem>> -> memref<128x16xf32, #tpu.memory_space<vmem>>
      %dma_start3A_81 = arith.constant 0 : i32
      %dma_start3A_82 = tpu.memref_slice %arg7[%add3A_74, %dma_start3A_81] : memref<80x128xi32, #tpu.memory_space<vmem>> -> memref<1x128xi32, #tpu.memory_space<vmem>>
      %dma_start3A_83 = tpu.memref_squeeze %dma_start3A_82 : memref<1x128xi32, #tpu.memory_space<vmem>> -> memref<128xi32, #tpu.memory_space<vmem>>
      %dma_start3A_84 = arith.constant 0 : i32
      %dma_start3A_85 = arith.constant 0 : i32
      %dma_start3A_86 = tpu.memref_slice %arg11[%dma_start3A_84, %dma_start3A_85] : memref<10000x16xf32, #tpu.memory_space<vmem_shared>> -> memref<10000x16xf32, #tpu.memory_space<vmem_shared>>
      %dma_start3A_87 = tpu.memref_slice %arg12[%dma_start3A_76] : memref<8x!tpu.dma_semaphore, #tpu.memory_space<semaphore_mem>> -> memref<1x!tpu.dma_semaphore, #tpu.memory_space<semaphore_mem>>
      %dma_start3A_88 = tpu.memref_squeeze %dma_start3A_87 : memref<1x!tpu.dma_semaphore, #tpu.memory_space<semaphore_mem>> -> memref<!tpu.dma_semaphore, #tpu.memory_space<semaphore_mem>>
      tpu.enqueue_indirect_dma source(%dma_start3A_86 : memref<10000x16xf32, #tpu.memory_space<vmem_shared>>) target(%dma_start3A_80 : memref<128x16xf32, #tpu.memory_space<vmem>>) offsets(%dma_start3A_83 : memref<128xi32, #tpu.memory_space<vmem>>) semaphore(%dma_start3A_88 : memref<!tpu.dma_semaphore, #tpu.memory_space<semaphore_mem>>)
      %add3A_89 = arith.constant 2 : i32
      %add3A_90 = arith.addi %add3A_56, %add3A_89 : i32
      %dma_start3A_91 = arith.constant 2 : i32
      %dma_start3A_92 = arith.constant 2 : i32
      %dma_start3A_93 = arith.constant 0 : i32
      %dma_start3A_94 = arith.constant 0 : i32
      %dma_start3A_95 = tpu.memref_slice %arg9[%dma_start3A_91, %dma_start3A_93, %dma_start3A_94] : memref<16x128x16xf32, #tpu.memory_space<vmem>> -> memref<1x128x16xf32, #tpu.memory_space<vmem>>
      %dma_start3A_96 = tpu.memref_squeeze %dma_start3A_95 : memref<1x128x16xf32, #tpu.memory_space<vmem>> -> memref<128x16xf32, #tpu.memory_space<vmem>>
      %dma_start3A_97 = arith.constant 0 : i32
      %dma_start3A_98 = tpu.memref_slice %arg7[%add3A_90, %dma_start3A_97] : memref<80x128xi32, #tpu.memory_space<vmem>> -> memref<1x128xi32, #tpu.memory_space<vmem>>
      %dma_start3A_99 = tpu.memref_squeeze %dma_start3A_98 : memref<1x128xi32, #tpu.memory_space<vmem>> -> memref<128xi32, #tpu.memory_space<vmem>>
      %dma_start3A_100 = arith.constant 0 : i32
      %dma_start3A_101 = arith.constant 0 : i32
      %dma_start3A_102 = tpu.memref_slice %arg11[%dma_start3A_100, %dma_start3A_101] : memref<10000x16xf32, #tpu.memory_space<vmem_shared>> -> memref<10000x16xf32, #tpu.memory_space<vmem_shared>>
      %dma_start3A_103 = tpu.memref_slice %arg12[%dma_start3A_92] : memref<8x!tpu.dma_semaphore, #tpu.memory_space<semaphore_mem>> -> memref<1x!tpu.dma_semaphore, #tpu.memory_space<semaphore_mem>>
      %dma_start3A_104 = tpu.memref_squeeze %dma_start3A_103 : memref<1x!tpu.dma_semaphore, #tpu.memory_space<semaphore_mem>> -> memref<!tpu.dma_semaphore, #tpu.memory_space<semaphore_mem>>
      tpu.enqueue_indirect_dma source(%dma_start3A_102 : memref<10000x16xf32, #tpu.memory_space<vmem_shared>>) target(%dma_start3A_96 : memref<128x16xf32, #tpu.memory_space<vmem>>) offsets(%dma_start3A_99 : memref<128xi32, #tpu.memory_space<vmem>>) semaphore(%dma_start3A_104 : memref<!tpu.dma_semaphore, #tpu.memory_space<semaphore_mem>>)
      %add3A_105 = arith.constant 3 : i32
      %add3A_106 = arith.addi %add3A_56, %add3A_105 : i32
      %dma_start3A_107 = arith.constant 3 : i32
      %dma_start3A_108 = arith.constant 3 : i32
      %dma_start3A_109 = arith.constant 0 : i32
      %dma_start3A_110 = arith.constant 0 : i32
      %dma_start3A_111 = tpu.memref_slice %arg9[%dma_start3A_107, %dma_start3A_109, %dma_start3A_110] : memref<16x128x16xf32, #tpu.memory_space<vmem>> -> memref<1x128x16xf32, #tpu.memory_space<vmem>>
      %dma_start3A_112 = tpu.memref_squeeze %dma_start3A_111 : memref<1x128x16xf32, #tpu.memory_space<vmem>> -> memref<128x16xf32, #tpu.memory_space<vmem>>
      %dma_start3A_113 = arith.constant 0 : i32
      %dma_start3A_114 = tpu.memref_slice %arg7[%add3A_106, %dma_start3A_113] : memref<80x128xi32, #tpu.memory_space<vmem>> -> memref<1x128xi32, #tpu.memory_space<vmem>>
      %dma_start3A_115 = tpu.memref_squeeze %dma_start3A_114 : memref<1x128xi32, #tpu.memory_space<vmem>> -> memref<128xi32, #tpu.memory_space<vmem>>
      %dma_start3A_116 = arith.constant 0 : i32
      %dma_start3A_117 = arith.constant 0 : i32
      %dma_start3A_118 = tpu.memref_slice %arg11[%dma_start3A_116, %dma_start3A_117] : memref<10000x16xf32, #tpu.memory_space<vmem_shared>> -> memref<10000x16xf32, #tpu.memory_space<vmem_shared>>
      %dma_start3A_119 = tpu.memref_slice %arg12[%dma_start3A_108] : memref<8x!tpu.dma_semaphore, #tpu.memory_space<semaphore_mem>> -> memref<1x!tpu.dma_semaphore, #tpu.memory_space<semaphore_mem>>
      %dma_start3A_120 = tpu.memref_squeeze %dma_start3A_119 : memref<1x!tpu.dma_semaphore, #tpu.memory_space<semaphore_mem>> -> memref<!tpu.dma_semaphore, #tpu.memory_space<semaphore_mem>>
      tpu.enqueue_indirect_dma source(%dma_start3A_118 : memref<10000x16xf32, #tpu.memory_space<vmem_shared>>) target(%dma_start3A_112 : memref<128x16xf32, #tpu.memory_space<vmem>>) offsets(%dma_start3A_115 : memref<128xi32, #tpu.memory_space<vmem>>) semaphore(%dma_start3A_120 : memref<!tpu.dma_semaphore, #tpu.memory_space<semaphore_mem>>)
      %add3A_121 = arith.constant 4 : i32
      %add3A_122 = arith.addi %add3A_56, %add3A_121 : i32
      %dma_start3A_123 = arith.constant 4 : i32
      %dma_start3A_124 = arith.constant 4 : i32
      %dma_start3A_125 = arith.constant 0 : i32
      %dma_start3A_126 = arith.constant 0 : i32
      %dma_start3A_127 = tpu.memref_slice %arg9[%dma_start3A_123, %dma_start3A_125, %dma_start3A_126] : memref<16x128x16xf32, #tpu.memory_space<vmem>> -> memref<1x128x16xf32, #tpu.memory_space<vmem>>
      %dma_start3A_128 = tpu.memref_squeeze %dma_start3A_127 : memref<1x128x16xf32, #tpu.memory_space<vmem>> -> memref<128x16xf32, #tpu.memory_space<vmem>>
      %dma_start3A_129 = arith.constant 0 : i32
      %dma_start3A_130 = tpu.memref_slice %arg7[%add3A_122, %dma_start3A_129] : memref<80x128xi32, #tpu.memory_space<vmem>> -> memref<1x128xi32, #tpu.memory_space<vmem>>
      %dma_start3A_131 = tpu.memref_squeeze %dma_start3A_130 : memref<1x128xi32, #tpu.memory_space<vmem>> -> memref<128xi32, #tpu.memory_space<vmem>>
      %dma_start3A_132 = arith.constant 0 : i32
      %dma_start3A_133 = arith.constant 0 : i32
      %dma_start3A_134 = tpu.memref_slice %arg11[%dma_start3A_132, %dma_start3A_133] : memref<10000x16xf32, #tpu.memory_space<vmem_shared>> -> memref<10000x16xf32, #tpu.memory_space<vmem_shared>>
      %dma_start3A_135 = tpu.memref_slice %arg12[%dma_start3A_124] : memref<8x!tpu.dma_semaphore, #tpu.memory_space<semaphore_mem>> -> memref<1x!tpu.dma_semaphore, #tpu.memory_space<semaphore_mem>>
      %dma_start3A_136 = tpu.memref_squeeze %dma_start3A_135 : memref<1x!tpu.dma_semaphore, #tpu.memory_space<semaphore_mem>> -> memref<!tpu.dma_semaphore, #tpu.memory_space<semaphore_mem>>
      tpu.enqueue_indirect_dma source(%dma_start3A_134 : memref<10000x16xf32, #tpu.memory_space<vmem_shared>>) target(%dma_start3A_128 : memref<128x16xf32, #tpu.memory_space<vmem>>) offsets(%dma_start3A_131 : memref<128xi32, #tpu.memory_space<vmem>>) semaphore(%dma_start3A_136 : memref<!tpu.dma_semaphore, #tpu.memory_space<semaphore_mem>>)
      %add3A_137 = arith.constant 5 : i32
      %add3A_138 = arith.addi %add3A_56, %add3A_137 : i32
      %dma_start3A_139 = arith.constant 5 : i32
      %dma_start3A_140 = arith.constant 5 : i32
      %dma_start3A_141 = arith.constant 0 : i32
      %dma_start3A_142 = arith.constant 0 : i32
      %dma_start3A_143 = tpu.memref_slice %arg9[%dma_start3A_139, %dma_start3A_141, %dma_start3A_142] : memref<16x128x16xf32, #tpu.memory_space<vmem>> -> memref<1x128x16xf32, #tpu.memory_space<vmem>>
      %dma_start3A_144 = tpu.memref_squeeze %dma_start3A_143 : memref<1x128x16xf32, #tpu.memory_space<vmem>> -> memref<128x16xf32, #tpu.memory_space<vmem>>
      %dma_start3A_145 = arith.constant 0 : i32
      %dma_start3A_146 = tpu.memref_slice %arg7[%add3A_138, %dma_start3A_145] : memref<80x128xi32, #tpu.memory_space<vmem>> -> memref<1x128xi32, #tpu.memory_space<vmem>>
      %dma_start3A_147 = tpu.memref_squeeze %dma_start3A_146 : memref<1x128xi32, #tpu.memory_space<vmem>> -> memref<128xi32, #tpu.memory_space<vmem>>
      %dma_start3A_148 = arith.constant 0 : i32
      %dma_start3A_149 = arith.constant 0 : i32
      %dma_start3A_150 = tpu.memref_slice %arg11[%dma_start3A_148, %dma_start3A_149] : memref<10000x16xf32, #tpu.memory_space<vmem_shared>> -> memref<10000x16xf32, #tpu.memory_space<vmem_shared>>
      %dma_start3A_151 = tpu.memref_slice %arg12[%dma_start3A_140] : memref<8x!tpu.dma_semaphore, #tpu.memory_space<semaphore_mem>> -> memref<1x!tpu.dma_semaphore, #tpu.memory_space<semaphore_mem>>
      %dma_start3A_152 = tpu.memref_squeeze %dma_start3A_151 : memref<1x!tpu.dma_semaphore, #tpu.memory_space<semaphore_mem>> -> memref<!tpu.dma_semaphore, #tpu.memory_space<semaphore_mem>>
      tpu.enqueue_indirect_dma source(%dma_start3A_150 : memref<10000x16xf32, #tpu.memory_space<vmem_shared>>) target(%dma_start3A_144 : memref<128x16xf32, #tpu.memory_space<vmem>>) offsets(%dma_start3A_147 : memref<128xi32, #tpu.memory_space<vmem>>) semaphore(%dma_start3A_152 : memref<!tpu.dma_semaphore, #tpu.memory_space<semaphore_mem>>)
      %add3A_153 = arith.constant 6 : i32
      %add3A_154 = arith.addi %add3A_56, %add3A_153 : i32
      %dma_start3A_155 = arith.constant 6 : i32
      %dma_start3A_156 = arith.constant 6 : i32
      %dma_start3A_157 = arith.constant 0 : i32
      %dma_start3A_158 = arith.constant 0 : i32
      %dma_start3A_159 = tpu.memref_slice %arg9[%dma_start3A_155, %dma_start3A_157, %dma_start3A_158] : memref<16x128x16xf32, #tpu.memory_space<vmem>> -> memref<1x128x16xf32, #tpu.memory_space<vmem>>
      %dma_start3A_160 = tpu.memref_squeeze %dma_start3A_159 : memref<1x128x16xf32, #tpu.memory_space<vmem>> -> memref<128x16xf32, #tpu.memory_space<vmem>>
      %dma_start3A_161 = arith.constant 0 : i32
      %dma_start3A_162 = tpu.memref_slice %arg7[%add3A_154, %dma_start3A_161] : memref<80x128xi32, #tpu.memory_space<vmem>> -> memref<1x128xi32, #tpu.memory_space<vmem>>
      %dma_start3A_163 = tpu.memref_squeeze %dma_start3A_162 : memref<1x128xi32, #tpu.memory_space<vmem>> -> memref<128xi32, #tpu.memory_space<vmem>>
      %dma_start3A_164 = arith.constant 0 : i32
      %dma_start3A_165 = arith.constant 0 : i32
      %dma_start3A_166 = tpu.memref_slice %arg11[%dma_start3A_164, %dma_start3A_165] : memref<10000x16xf32, #tpu.memory_space<vmem_shared>> -> memref<10000x16xf32, #tpu.memory_space<vmem_shared>>
      %dma_start3A_167 = tpu.memref_slice %arg12[%dma_start3A_156] : memref<8x!tpu.dma_semaphore, #tpu.memory_space<semaphore_mem>> -> memref<1x!tpu.dma_semaphore, #tpu.memory_space<semaphore_mem>>
      %dma_start3A_168 = tpu.memref_squeeze %dma_start3A_167 : memref<1x!tpu.dma_semaphore, #tpu.memory_space<semaphore_mem>> -> memref<!tpu.dma_semaphore, #tpu.memory_space<semaphore_mem>>
      tpu.enqueue_indirect_dma source(%dma_start3A_166 : memref<10000x16xf32, #tpu.memory_space<vmem_shared>>) target(%dma_start3A_160 : memref<128x16xf32, #tpu.memory_space<vmem>>) offsets(%dma_start3A_163 : memref<128xi32, #tpu.memory_space<vmem>>) semaphore(%dma_start3A_168 : memref<!tpu.dma_semaphore, #tpu.memory_space<semaphore_mem>>)
      %add3A_169 = arith.constant 7 : i32
      %add3A_170 = arith.addi %add3A_56, %add3A_169 : i32
      %dma_start3A_171 = arith.constant 7 : i32
      %dma_start3A_172 = arith.constant 7 : i32
      %dma_start3A_173 = arith.constant 0 : i32
      %dma_start3A_174 = arith.constant 0 : i32
      %dma_start3A_175 = tpu.memref_slice %arg9[%dma_start3A_171, %dma_start3A_173, %dma_start3A_174] : memref<16x128x16xf32, #tpu.memory_space<vmem>> -> memref<1x128x16xf32, #tpu.memory_space<vmem>>
      %dma_start3A_176 = tpu.memref_squeeze %dma_start3A_175 : memref<1x128x16xf32, #tpu.memory_space<vmem>> -> memref<128x16xf32, #tpu.memory_space<vmem>>
      %dma_start3A_177 = arith.constant 0 : i32
      %dma_start3A_178 = tpu.memref_slice %arg7[%add3A_170, %dma_start3A_177] : memref<80x128xi32, #tpu.memory_space<vmem>> -> memref<1x128xi32, #tpu.memory_space<vmem>>
      %dma_start3A_179 = tpu.memref_squeeze %dma_start3A_178 : memref<1x128xi32, #tpu.memory_space<vmem>> -> memref<128xi32, #tpu.memory_space<vmem>>
      %dma_start3A_180 = arith.constant 0 : i32
      %dma_start3A_181 = arith.constant 0 : i32
      %dma_start3A_182 = tpu.memref_slice %arg11[%dma_start3A_180, %dma_start3A_181] : memref<10000x16xf32, #tpu.memory_space<vmem_shared>> -> memref<10000x16xf32, #tpu.memory_space<vmem_shared>>
      %dma_start3A_183 = tpu.memref_slice %arg12[%dma_start3A_172] : memref<8x!tpu.dma_semaphore, #tpu.memory_space<semaphore_mem>> -> memref<1x!tpu.dma_semaphore, #tpu.memory_space<semaphore_mem>>
      %dma_start3A_184 = tpu.memref_squeeze %dma_start3A_183 : memref<1x!tpu.dma_semaphore, #tpu.memory_space<semaphore_mem>> -> memref<!tpu.dma_semaphore, #tpu.memory_space<semaphore_mem>>
      tpu.enqueue_indirect_dma source(%dma_start3A_182 : memref<10000x16xf32, #tpu.memory_space<vmem_shared>>) target(%dma_start3A_176 : memref<128x16xf32, #tpu.memory_space<vmem>>) offsets(%dma_start3A_179 : memref<128xi32, #tpu.memory_space<vmem>>) semaphore(%dma_start3A_184 : memref<!tpu.dma_semaphore, #tpu.memory_space<semaphore_mem>>)
      %dma_wait3A_185 = arith.constant 0 : i32
      %dma_wait3A_186 = arith.constant 0 : i32
      %dma_wait3A_187 = arith.constant 0 : i32
      %dma_wait3A_188 = arith.constant 0 : i32
      %dma_wait3A_189 = tpu.memref_slice %arg9[%dma_wait3A_185, %dma_wait3A_187, %dma_wait3A_188] : memref<16x128x16xf32, #tpu.memory_space<vmem>> -> memref<1x128x16xf32, #tpu.memory_space<vmem>>
      %dma_wait3A_190 = tpu.memref_squeeze %dma_wait3A_189 : memref<1x128x16xf32, #tpu.memory_space<vmem>> -> memref<128x16xf32, #tpu.memory_space<vmem>>
      %dma_wait3A_191 = arith.constant 0 : i32
      %dma_wait3A_192 = tpu.memref_slice %arg7[%add3A_58, %dma_wait3A_191] : memref<80x128xi32, #tpu.memory_space<vmem>> -> memref<1x128xi32, #tpu.memory_space<vmem>>
      %dma_wait3A_193 = tpu.memref_squeeze %dma_wait3A_192 : memref<1x128xi32, #tpu.memory_space<vmem>> -> memref<128xi32, #tpu.memory_space<vmem>>
      %dma_wait3A_194 = arith.constant 0 : i32
      %dma_wait3A_195 = arith.constant 0 : i32
      %dma_wait3A_196 = tpu.memref_slice %arg11[%dma_wait3A_194, %dma_wait3A_195] : memref<10000x16xf32, #tpu.memory_space<vmem_shared>> -> memref<10000x16xf32, #tpu.memory_space<vmem_shared>>
      %dma_wait3A_197 = tpu.memref_slice %arg12[%dma_wait3A_186] : memref<8x!tpu.dma_semaphore, #tpu.memory_space<semaphore_mem>> -> memref<1x!tpu.dma_semaphore, #tpu.memory_space<semaphore_mem>>
      %dma_wait3A_198 = tpu.memref_squeeze %dma_wait3A_197 : memref<1x!tpu.dma_semaphore, #tpu.memory_space<semaphore_mem>> -> memref<!tpu.dma_semaphore, #tpu.memory_space<semaphore_mem>>
      tpu.wait_indirect_dma semaphore(%dma_wait3A_198 : memref<!tpu.dma_semaphore, #tpu.memory_space<semaphore_mem>>) src(%dma_wait3A_196 : memref<10000x16xf32, #tpu.memory_space<vmem_shared>>) dst(%dma_wait3A_190 : memref<128x16xf32, #tpu.memory_space<vmem>>)
      %add3A_199 = arith.constant 0 : i32
      %add3A_200 = arith.addi %add3A_56, %add3A_199 : i32
      %dma_start3A_201 = arith.constant 0 : i32
      %dma_start3A_202 = arith.constant 0 : i32
      %dma_start3A_203 = arith.constant 0 : i32
      %dma_start3A_204 = arith.constant 0 : i32
      %dma_start3A_205 = tpu.memref_slice %arg9[%dma_start3A_201, %dma_start3A_203, %dma_start3A_204] : memref<16x128x16xf32, #tpu.memory_space<vmem>> -> memref<1x128x16xf32, #tpu.memory_space<vmem>>
      %dma_start3A_206 = tpu.memref_squeeze %dma_start3A_205 : memref<1x128x16xf32, #tpu.memory_space<vmem>> -> memref<128x16xf32, #tpu.memory_space<vmem>>
      %dma_start3A_207 = arith.constant 0 : i32
      %dma_start3A_208 = tpu.memref_slice %arg8[%add3A_200, %dma_start3A_207] : memref<80x128xi32, #tpu.memory_space<vmem>> -> memref<1x128xi32, #tpu.memory_space<vmem>>
      %dma_start3A_209 = tpu.memref_squeeze %dma_start3A_208 : memref<1x128xi32, #tpu.memory_space<vmem>> -> memref<128xi32, #tpu.memory_space<vmem>>
      %dma_start3A_210 = arith.constant 0 : i32
      %dma_start3A_211 = arith.constant 0 : i32
      %dma_start3A_212 = tpu.memref_slice %arg10[%dma_start3A_210, %dma_start3A_211] : memref<10008x16xf32, #tpu.memory_space<vmem_shared>> -> memref<10008x16xf32, #tpu.memory_space<vmem_shared>>
      %dma_start3A_213 = tpu.memref_slice %arg13[%dma_start3A_202] : memref<8x!tpu.dma_semaphore, #tpu.memory_space<semaphore_mem>> -> memref<1x!tpu.dma_semaphore, #tpu.memory_space<semaphore_mem>>
      %dma_start3A_214 = tpu.memref_squeeze %dma_start3A_213 : memref<1x!tpu.dma_semaphore, #tpu.memory_space<semaphore_mem>> -> memref<!tpu.dma_semaphore, #tpu.memory_space<semaphore_mem>>
      tpu.enqueue_indirect_dma source(%dma_start3A_206 : memref<128x16xf32, #tpu.memory_space<vmem>>) target(%dma_start3A_212 : memref<10008x16xf32, #tpu.memory_space<vmem_shared>>) offsets(%dma_start3A_209 : memref<128xi32, #tpu.memory_space<vmem>>) semaphore(%dma_start3A_214 : memref<!tpu.dma_semaphore, #tpu.memory_space<semaphore_mem>>) {add = true}
      %dma_wait3A_215 = arith.constant 1 : i32
      %dma_wait3A_216 = arith.constant 1 : i32
      %dma_wait3A_217 = arith.constant 0 : i32
      %dma_wait3A_218 = arith.constant 0 : i32
      %dma_wait3A_219 = tpu.memref_slice %arg9[%dma_wait3A_215, %dma_wait3A_217, %dma_wait3A_218] : memref<16x128x16xf32, #tpu.memory_space<vmem>> -> memref<1x128x16xf32, #tpu.memory_space<vmem>>
      %dma_wait3A_220 = tpu.memref_squeeze %dma_wait3A_219 : memref<1x128x16xf32, #tpu.memory_space<vmem>> -> memref<128x16xf32, #tpu.memory_space<vmem>>
      %dma_wait3A_221 = arith.constant 0 : i32
      %dma_wait3A_222 = tpu.memref_slice %arg7[%add3A_74, %dma_wait3A_221] : memref<80x128xi32, #tpu.memory_space<vmem>> -> memref<1x128xi32, #tpu.memory_space<vmem>>
      %dma_wait3A_223 = tpu.memref_squeeze %dma_wait3A_222 : memref<1x128xi32, #tpu.memory_space<vmem>> -> memref<128xi32, #tpu.memory_space<vmem>>
      %dma_wait3A_224 = arith.constant 0 : i32
      %dma_wait3A_225 = arith.constant 0 : i32
      %dma_wait3A_226 = tpu.memref_slice %arg11[%dma_wait3A_224, %dma_wait3A_225] : memref<10000x16xf32, #tpu.memory_space<vmem_shared>> -> memref<10000x16xf32, #tpu.memory_space<vmem_shared>>
      %dma_wait3A_227 = tpu.memref_slice %arg12[%dma_wait3A_216] : memref<8x!tpu.dma_semaphore, #tpu.memory_space<semaphore_mem>> -> memref<1x!tpu.dma_semaphore, #tpu.memory_space<semaphore_mem>>
      %dma_wait3A_228 = tpu.memref_squeeze %dma_wait3A_227 : memref<1x!tpu.dma_semaphore, #tpu.memory_space<semaphore_mem>> -> memref<!tpu.dma_semaphore, #tpu.memory_space<semaphore_mem>>
      tpu.wait_indirect_dma semaphore(%dma_wait3A_228 : memref<!tpu.dma_semaphore, #tpu.memory_space<semaphore_mem>>) src(%dma_wait3A_226 : memref<10000x16xf32, #tpu.memory_space<vmem_shared>>) dst(%dma_wait3A_220 : memref<128x16xf32, #tpu.memory_space<vmem>>)
      %add3A_229 = arith.constant 1 : i32
      %add3A_230 = arith.addi %add3A_56, %add3A_229 : i32
      %dma_start3A_231 = arith.constant 1 : i32
      %dma_start3A_232 = arith.constant 1 : i32
      %dma_start3A_233 = arith.constant 0 : i32
      %dma_start3A_234 = arith.constant 0 : i32
      %dma_start3A_235 = tpu.memref_slice %arg9[%dma_start3A_231, %dma_start3A_233, %dma_start3A_234] : memref<16x128x16xf32, #tpu.memory_space<vmem>> -> memref<1x128x16xf32, #tpu.memory_space<vmem>>
      %dma_start3A_236 = tpu.memref_squeeze %dma_start3A_235 : memref<1x128x16xf32, #tpu.memory_space<vmem>> -> memref<128x16xf32, #tpu.memory_space<vmem>>
      %dma_start3A_237 = arith.constant 0 : i32
      %dma_start3A_238 = tpu.memref_slice %arg8[%add3A_230, %dma_start3A_237] : memref<80x128xi32, #tpu.memory_space<vmem>> -> memref<1x128xi32, #tpu.memory_space<vmem>>
      %dma_start3A_239 = tpu.memref_squeeze %dma_start3A_238 : memref<1x128xi32, #tpu.memory_space<vmem>> -> memref<128xi32, #tpu.memory_space<vmem>>
      %dma_start3A_240 = arith.constant 0 : i32
      %dma_start3A_241 = arith.constant 0 : i32
      %dma_start3A_242 = tpu.memref_slice %arg10[%dma_start3A_240, %dma_start3A_241] : memref<10008x16xf32, #tpu.memory_space<vmem_shared>> -> memref<10008x16xf32, #tpu.memory_space<vmem_shared>>
      %dma_start3A_243 = tpu.memref_slice %arg13[%dma_start3A_232] : memref<8x!tpu.dma_semaphore, #tpu.memory_space<semaphore_mem>> -> memref<1x!tpu.dma_semaphore, #tpu.memory_space<semaphore_mem>>
      %dma_start3A_244 = tpu.memref_squeeze %dma_start3A_243 : memref<1x!tpu.dma_semaphore, #tpu.memory_space<semaphore_mem>> -> memref<!tpu.dma_semaphore, #tpu.memory_space<semaphore_mem>>
      tpu.enqueue_indirect_dma source(%dma_start3A_236 : memref<128x16xf32, #tpu.memory_space<vmem>>) target(%dma_start3A_242 : memref<10008x16xf32, #tpu.memory_space<vmem_shared>>) offsets(%dma_start3A_239 : memref<128xi32, #tpu.memory_space<vmem>>) semaphore(%dma_start3A_244 : memref<!tpu.dma_semaphore, #tpu.memory_space<semaphore_mem>>) {add = true}
      %dma_wait3A_245 = arith.constant 2 : i32
      %dma_wait3A_246 = arith.constant 2 : i32
      %dma_wait3A_247 = arith.constant 0 : i32
      %dma_wait3A_248 = arith.constant 0 : i32
      %dma_wait3A_249 = tpu.memref_slice %arg9[%dma_wait3A_245, %dma_wait3A_247, %dma_wait3A_248] : memref<16x128x16xf32, #tpu.memory_space<vmem>> -> memref<1x128x16xf32, #tpu.memory_space<vmem>>
      %dma_wait3A_250 = tpu.memref_squeeze %dma_wait3A_249 : memref<1x128x16xf32, #tpu.memory_space<vmem>> -> memref<128x16xf32, #tpu.memory_space<vmem>>
      %dma_wait3A_251 = arith.constant 0 : i32
      %dma_wait3A_252 = tpu.memref_slice %arg7[%add3A_90, %dma_wait3A_251] : memref<80x128xi32, #tpu.memory_space<vmem>> -> memref<1x128xi32, #tpu.memory_space<vmem>>
      %dma_wait3A_253 = tpu.memref_squeeze %dma_wait3A_252 : memref<1x128xi32, #tpu.memory_space<vmem>> -> memref<128xi32, #tpu.memory_space<vmem>>
      %dma_wait3A_254 = arith.constant 0 : i32
      %dma_wait3A_255 = arith.constant 0 : i32
      %dma_wait3A_256 = tpu.memref_slice %arg11[%dma_wait3A_254, %dma_wait3A_255] : memref<10000x16xf32, #tpu.memory_space<vmem_shared>> -> memref<10000x16xf32, #tpu.memory_space<vmem_shared>>
      %dma_wait3A_257 = tpu.memref_slice %arg12[%dma_wait3A_246] : memref<8x!tpu.dma_semaphore, #tpu.memory_space<semaphore_mem>> -> memref<1x!tpu.dma_semaphore, #tpu.memory_space<semaphore_mem>>
      %dma_wait3A_258 = tpu.memref_squeeze %dma_wait3A_257 : memref<1x!tpu.dma_semaphore, #tpu.memory_space<semaphore_mem>> -> memref<!tpu.dma_semaphore, #tpu.memory_space<semaphore_mem>>
      tpu.wait_indirect_dma semaphore(%dma_wait3A_258 : memref<!tpu.dma_semaphore, #tpu.memory_space<semaphore_mem>>) src(%dma_wait3A_256 : memref<10000x16xf32, #tpu.memory_space<vmem_shared>>) dst(%dma_wait3A_250 : memref<128x16xf32, #tpu.memory_space<vmem>>)
      %add3A_259 = arith.constant 2 : i32
      %add3A_260 = arith.addi %add3A_56, %add3A_259 : i32
      %dma_start3A_261 = arith.constant 2 : i32
      %dma_start3A_262 = arith.constant 2 : i32
      %dma_start3A_263 = arith.constant 0 : i32
      %dma_start3A_264 = arith.constant 0 : i32
      %dma_start3A_265 = tpu.memref_slice %arg9[%dma_start3A_261, %dma_start3A_263, %dma_start3A_264] : memref<16x128x16xf32, #tpu.memory_space<vmem>> -> memref<1x128x16xf32, #tpu.memory_space<vmem>>
      %dma_start3A_266 = tpu.memref_squeeze %dma_start3A_265 : memref<1x128x16xf32, #tpu.memory_space<vmem>> -> memref<128x16xf32, #tpu.memory_space<vmem>>
      %dma_start3A_267 = arith.constant 0 : i32
      %dma_start3A_268 = tpu.memref_slice %arg8[%add3A_260, %dma_start3A_267] : memref<80x128xi32, #tpu.memory_space<vmem>> -> memref<1x128xi32, #tpu.memory_space<vmem>>
      %dma_start3A_269 = tpu.memref_squeeze %dma_start3A_268 : memref<1x128xi32, #tpu.memory_space<vmem>> -> memref<128xi32, #tpu.memory_space<vmem>>
      %dma_start3A_270 = arith.constant 0 : i32
      %dma_start3A_271 = arith.constant 0 : i32
      %dma_start3A_272 = tpu.memref_slice %arg10[%dma_start3A_270, %dma_start3A_271] : memref<10008x16xf32, #tpu.memory_space<vmem_shared>> -> memref<10008x16xf32, #tpu.memory_space<vmem_shared>>
      %dma_start3A_273 = tpu.memref_slice %arg13[%dma_start3A_262] : memref<8x!tpu.dma_semaphore, #tpu.memory_space<semaphore_mem>> -> memref<1x!tpu.dma_semaphore, #tpu.memory_space<semaphore_mem>>
      %dma_start3A_274 = tpu.memref_squeeze %dma_start3A_273 : memref<1x!tpu.dma_semaphore, #tpu.memory_space<semaphore_mem>> -> memref<!tpu.dma_semaphore, #tpu.memory_space<semaphore_mem>>
      tpu.enqueue_indirect_dma source(%dma_start3A_266 : memref<128x16xf32, #tpu.memory_space<vmem>>) target(%dma_start3A_272 : memref<10008x16xf32, #tpu.memory_space<vmem_shared>>) offsets(%dma_start3A_269 : memref<128xi32, #tpu.memory_space<vmem>>) semaphore(%dma_start3A_274 : memref<!tpu.dma_semaphore, #tpu.memory_space<semaphore_mem>>) {add = true}
      %dma_wait3A_275 = arith.constant 3 : i32
      %dma_wait3A_276 = arith.constant 3 : i32
      %dma_wait3A_277 = arith.constant 0 : i32
      %dma_wait3A_278 = arith.constant 0 : i32
      %dma_wait3A_279 = tpu.memref_slice %arg9[%dma_wait3A_275, %dma_wait3A_277, %dma_wait3A_278] : memref<16x128x16xf32, #tpu.memory_space<vmem>> -> memref<1x128x16xf32, #tpu.memory_space<vmem>>
      %dma_wait3A_280 = tpu.memref_squeeze %dma_wait3A_279 : memref<1x128x16xf32, #tpu.memory_space<vmem>> -> memref<128x16xf32, #tpu.memory_space<vmem>>
      %dma_wait3A_281 = arith.constant 0 : i32
      %dma_wait3A_282 = tpu.memref_slice %arg7[%add3A_106, %dma_wait3A_281] : memref<80x128xi32, #tpu.memory_space<vmem>> -> memref<1x128xi32, #tpu.memory_space<vmem>>
      %dma_wait3A_283 = tpu.memref_squeeze %dma_wait3A_282 : memref<1x128xi32, #tpu.memory_space<vmem>> -> memref<128xi32, #tpu.memory_space<vmem>>
      %dma_wait3A_284 = arith.constant 0 : i32
      %dma_wait3A_285 = arith.constant 0 : i32
      %dma_wait3A_286 = tpu.memref_slice %arg11[%dma_wait3A_284, %dma_wait3A_285] : memref<10000x16xf32, #tpu.memory_space<vmem_shared>> -> memref<10000x16xf32, #tpu.memory_space<vmem_shared>>
      %dma_wait3A_287 = tpu.memref_slice %arg12[%dma_wait3A_276] : memref<8x!tpu.dma_semaphore, #tpu.memory_space<semaphore_mem>> -> memref<1x!tpu.dma_semaphore, #tpu.memory_space<semaphore_mem>>
      %dma_wait3A_288 = tpu.memref_squeeze %dma_wait3A_287 : memref<1x!tpu.dma_semaphore, #tpu.memory_space<semaphore_mem>> -> memref<!tpu.dma_semaphore, #tpu.memory_space<semaphore_mem>>
      tpu.wait_indirect_dma semaphore(%dma_wait3A_288 : memref<!tpu.dma_semaphore, #tpu.memory_space<semaphore_mem>>) src(%dma_wait3A_286 : memref<10000x16xf32, #tpu.memory_space<vmem_shared>>) dst(%dma_wait3A_280 : memref<128x16xf32, #tpu.memory_space<vmem>>)
      %add3A_289 = arith.constant 3 : i32
      %add3A_290 = arith.addi %add3A_56, %add3A_289 : i32
      %dma_start3A_291 = arith.constant 3 : i32
      %dma_start3A_292 = arith.constant 3 : i32
      %dma_start3A_293 = arith.constant 0 : i32
      %dma_start3A_294 = arith.constant 0 : i32
      %dma_start3A_295 = tpu.memref_slice %arg9[%dma_start3A_291, %dma_start3A_293, %dma_start3A_294] : memref<16x128x16xf32, #tpu.memory_space<vmem>> -> memref<1x128x16xf32, #tpu.memory_space<vmem>>
      %dma_start3A_296 = tpu.memref_squeeze %dma_start3A_295 : memref<1x128x16xf32, #tpu.memory_space<vmem>> -> memref<128x16xf32, #tpu.memory_space<vmem>>
      %dma_start3A_297 = arith.constant 0 : i32
      %dma_start3A_298 = tpu.memref_slice %arg8[%add3A_290, %dma_start3A_297] : memref<80x128xi32, #tpu.memory_space<vmem>> -> memref<1x128xi32, #tpu.memory_space<vmem>>
      %dma_start3A_299 = tpu.memref_squeeze %dma_start3A_298 : memref<1x128xi32, #tpu.memory_space<vmem>> -> memref<128xi32, #tpu.memory_space<vmem>>
      %dma_start3A_300 = arith.constant 0 : i32
      %dma_start3A_301 = arith.constant 0 : i32
      %dma_start3A_302 = tpu.memref_slice %arg10[%dma_start3A_300, %dma_start3A_301] : memref<10008x16xf32, #tpu.memory_space<vmem_shared>> -> memref<10008x16xf32, #tpu.memory_space<vmem_shared>>
      %dma_start3A_303 = tpu.memref_slice %arg13[%dma_start3A_292] : memref<8x!tpu.dma_semaphore, #tpu.memory_space<semaphore_mem>> -> memref<1x!tpu.dma_semaphore, #tpu.memory_space<semaphore_mem>>
      %dma_start3A_304 = tpu.memref_squeeze %dma_start3A_303 : memref<1x!tpu.dma_semaphore, #tpu.memory_space<semaphore_mem>> -> memref<!tpu.dma_semaphore, #tpu.memory_space<semaphore_mem>>
      tpu.enqueue_indirect_dma source(%dma_start3A_296 : memref<128x16xf32, #tpu.memory_space<vmem>>) target(%dma_start3A_302 : memref<10008x16xf32, #tpu.memory_space<vmem_shared>>) offsets(%dma_start3A_299 : memref<128xi32, #tpu.memory_space<vmem>>) semaphore(%dma_start3A_304 : memref<!tpu.dma_semaphore, #tpu.memory_space<semaphore_mem>>) {add = true}
      %dma_wait3A_305 = arith.constant 4 : i32
      %dma_wait3A_306 = arith.constant 4 : i32
      %dma_wait3A_307 = arith.constant 0 : i32
      %dma_wait3A_308 = arith.constant 0 : i32
      %dma_wait3A_309 = tpu.memref_slice %arg9[%dma_wait3A_305, %dma_wait3A_307, %dma_wait3A_308] : memref<16x128x16xf32, #tpu.memory_space<vmem>> -> memref<1x128x16xf32, #tpu.memory_space<vmem>>
      %dma_wait3A_310 = tpu.memref_squeeze %dma_wait3A_309 : memref<1x128x16xf32, #tpu.memory_space<vmem>> -> memref<128x16xf32, #tpu.memory_space<vmem>>
      %dma_wait3A_311 = arith.constant 0 : i32
      %dma_wait3A_312 = tpu.memref_slice %arg7[%add3A_122, %dma_wait3A_311] : memref<80x128xi32, #tpu.memory_space<vmem>> -> memref<1x128xi32, #tpu.memory_space<vmem>>
      %dma_wait3A_313 = tpu.memref_squeeze %dma_wait3A_312 : memref<1x128xi32, #tpu.memory_space<vmem>> -> memref<128xi32, #tpu.memory_space<vmem>>
      %dma_wait3A_314 = arith.constant 0 : i32
      %dma_wait3A_315 = arith.constant 0 : i32
      %dma_wait3A_316 = tpu.memref_slice %arg11[%dma_wait3A_314, %dma_wait3A_315] : memref<10000x16xf32, #tpu.memory_space<vmem_shared>> -> memref<10000x16xf32, #tpu.memory_space<vmem_shared>>
      %dma_wait3A_317 = tpu.memref_slice %arg12[%dma_wait3A_306] : memref<8x!tpu.dma_semaphore, #tpu.memory_space<semaphore_mem>> -> memref<1x!tpu.dma_semaphore, #tpu.memory_space<semaphore_mem>>
      %dma_wait3A_318 = tpu.memref_squeeze %dma_wait3A_317 : memref<1x!tpu.dma_semaphore, #tpu.memory_space<semaphore_mem>> -> memref<!tpu.dma_semaphore, #tpu.memory_space<semaphore_mem>>
      tpu.wait_indirect_dma semaphore(%dma_wait3A_318 : memref<!tpu.dma_semaphore, #tpu.memory_space<semaphore_mem>>) src(%dma_wait3A_316 : memref<10000x16xf32, #tpu.memory_space<vmem_shared>>) dst(%dma_wait3A_310 : memref<128x16xf32, #tpu.memory_space<vmem>>)
      %add3A_319 = arith.constant 4 : i32
      %add3A_320 = arith.addi %add3A_56, %add3A_319 : i32
      %dma_start3A_321 = arith.constant 4 : i32
      %dma_start3A_322 = arith.constant 4 : i32
      %dma_start3A_323 = arith.constant 0 : i32
      %dma_start3A_324 = arith.constant 0 : i32
      %dma_start3A_325 = tpu.memref_slice %arg9[%dma_start3A_321, %dma_start3A_323, %dma_start3A_324] : memref<16x128x16xf32, #tpu.memory_space<vmem>> -> memref<1x128x16xf32, #tpu.memory_space<vmem>>
      %dma_start3A_326 = tpu.memref_squeeze %dma_start3A_325 : memref<1x128x16xf32, #tpu.memory_space<vmem>> -> memref<128x16xf32, #tpu.memory_space<vmem>>
      %dma_start3A_327 = arith.constant 0 : i32
      %dma_start3A_328 = tpu.memref_slice %arg8[%add3A_320, %dma_start3A_327] : memref<80x128xi32, #tpu.memory_space<vmem>> -> memref<1x128xi32, #tpu.memory_space<vmem>>
      %dma_start3A_329 = tpu.memref_squeeze %dma_start3A_328 : memref<1x128xi32, #tpu.memory_space<vmem>> -> memref<128xi32, #tpu.memory_space<vmem>>
      %dma_start3A_330 = arith.constant 0 : i32
      %dma_start3A_331 = arith.constant 0 : i32
      %dma_start3A_332 = tpu.memref_slice %arg10[%dma_start3A_330, %dma_start3A_331] : memref<10008x16xf32, #tpu.memory_space<vmem_shared>> -> memref<10008x16xf32, #tpu.memory_space<vmem_shared>>
      %dma_start3A_333 = tpu.memref_slice %arg13[%dma_start3A_322] : memref<8x!tpu.dma_semaphore, #tpu.memory_space<semaphore_mem>> -> memref<1x!tpu.dma_semaphore, #tpu.memory_space<semaphore_mem>>
      %dma_start3A_334 = tpu.memref_squeeze %dma_start3A_333 : memref<1x!tpu.dma_semaphore, #tpu.memory_space<semaphore_mem>> -> memref<!tpu.dma_semaphore, #tpu.memory_space<semaphore_mem>>
      tpu.enqueue_indirect_dma source(%dma_start3A_326 : memref<128x16xf32, #tpu.memory_space<vmem>>) target(%dma_start3A_332 : memref<10008x16xf32, #tpu.memory_space<vmem_shared>>) offsets(%dma_start3A_329 : memref<128xi32, #tpu.memory_space<vmem>>) semaphore(%dma_start3A_334 : memref<!tpu.dma_semaphore, #tpu.memory_space<semaphore_mem>>) {add = true}
      %dma_wait3A_335 = arith.constant 5 : i32
      %dma_wait3A_336 = arith.constant 5 : i32
      %dma_wait3A_337 = arith.constant 0 : i32
      %dma_wait3A_338 = arith.constant 0 : i32
      %dma_wait3A_339 = tpu.memref_slice %arg9[%dma_wait3A_335, %dma_wait3A_337, %dma_wait3A_338] : memref<16x128x16xf32, #tpu.memory_space<vmem>> -> memref<1x128x16xf32, #tpu.memory_space<vmem>>
      %dma_wait3A_340 = tpu.memref_squeeze %dma_wait3A_339 : memref<1x128x16xf32, #tpu.memory_space<vmem>> -> memref<128x16xf32, #tpu.memory_space<vmem>>
      %dma_wait3A_341 = arith.constant 0 : i32
      %dma_wait3A_342 = tpu.memref_slice %arg7[%add3A_138, %dma_wait3A_341] : memref<80x128xi32, #tpu.memory_space<vmem>> -> memref<1x128xi32, #tpu.memory_space<vmem>>
      %dma_wait3A_343 = tpu.memref_squeeze %dma_wait3A_342 : memref<1x128xi32, #tpu.memory_space<vmem>> -> memref<128xi32, #tpu.memory_space<vmem>>
      %dma_wait3A_344 = arith.constant 0 : i32
      %dma_wait3A_345 = arith.constant 0 : i32
      %dma_wait3A_346 = tpu.memref_slice %arg11[%dma_wait3A_344, %dma_wait3A_345] : memref<10000x16xf32, #tpu.memory_space<vmem_shared>> -> memref<10000x16xf32, #tpu.memory_space<vmem_shared>>
      %dma_wait3A_347 = tpu.memref_slice %arg12[%dma_wait3A_336] : memref<8x!tpu.dma_semaphore, #tpu.memory_space<semaphore_mem>> -> memref<1x!tpu.dma_semaphore, #tpu.memory_space<semaphore_mem>>
      %dma_wait3A_348 = tpu.memref_squeeze %dma_wait3A_347 : memref<1x!tpu.dma_semaphore, #tpu.memory_space<semaphore_mem>> -> memref<!tpu.dma_semaphore, #tpu.memory_space<semaphore_mem>>
      tpu.wait_indirect_dma semaphore(%dma_wait3A_348 : memref<!tpu.dma_semaphore, #tpu.memory_space<semaphore_mem>>) src(%dma_wait3A_346 : memref<10000x16xf32, #tpu.memory_space<vmem_shared>>) dst(%dma_wait3A_340 : memref<128x16xf32, #tpu.memory_space<vmem>>)
      %add3A_349 = arith.constant 5 : i32
      %add3A_350 = arith.addi %add3A_56, %add3A_349 : i32
      %dma_start3A_351 = arith.constant 5 : i32
      %dma_start3A_352 = arith.constant 5 : i32
      %dma_start3A_353 = arith.constant 0 : i32
      %dma_start3A_354 = arith.constant 0 : i32
      %dma_start3A_355 = tpu.memref_slice %arg9[%dma_start3A_351, %dma_start3A_353, %dma_start3A_354] : memref<16x128x16xf32, #tpu.memory_space<vmem>> -> memref<1x128x16xf32, #tpu.memory_space<vmem>>
      %dma_start3A_356 = tpu.memref_squeeze %dma_start3A_355 : memref<1x128x16xf32, #tpu.memory_space<vmem>> -> memref<128x16xf32, #tpu.memory_space<vmem>>
      %dma_start3A_357 = arith.constant 0 : i32
      %dma_start3A_358 = tpu.memref_slice %arg8[%add3A_350, %dma_start3A_357] : memref<80x128xi32, #tpu.memory_space<vmem>> -> memref<1x128xi32, #tpu.memory_space<vmem>>
      %dma_start3A_359 = tpu.memref_squeeze %dma_start3A_358 : memref<1x128xi32, #tpu.memory_space<vmem>> -> memref<128xi32, #tpu.memory_space<vmem>>
      %dma_start3A_360 = arith.constant 0 : i32
      %dma_start3A_361 = arith.constant 0 : i32
      %dma_start3A_362 = tpu.memref_slice %arg10[%dma_start3A_360, %dma_start3A_361] : memref<10008x16xf32, #tpu.memory_space<vmem_shared>> -> memref<10008x16xf32, #tpu.memory_space<vmem_shared>>
      %dma_start3A_363 = tpu.memref_slice %arg13[%dma_start3A_352] : memref<8x!tpu.dma_semaphore, #tpu.memory_space<semaphore_mem>> -> memref<1x!tpu.dma_semaphore, #tpu.memory_space<semaphore_mem>>
      %dma_start3A_364 = tpu.memref_squeeze %dma_start3A_363 : memref<1x!tpu.dma_semaphore, #tpu.memory_space<semaphore_mem>> -> memref<!tpu.dma_semaphore, #tpu.memory_space<semaphore_mem>>
      tpu.enqueue_indirect_dma source(%dma_start3A_356 : memref<128x16xf32, #tpu.memory_space<vmem>>) target(%dma_start3A_362 : memref<10008x16xf32, #tpu.memory_space<vmem_shared>>) offsets(%dma_start3A_359 : memref<128xi32, #tpu.memory_space<vmem>>) semaphore(%dma_start3A_364 : memref<!tpu.dma_semaphore, #tpu.memory_space<semaphore_mem>>) {add = true}
      %dma_wait3A_365 = arith.constant 6 : i32
      %dma_wait3A_366 = arith.constant 6 : i32
      %dma_wait3A_367 = arith.constant 0 : i32
      %dma_wait3A_368 = arith.constant 0 : i32
      %dma_wait3A_369 = tpu.memref_slice %arg9[%dma_wait3A_365, %dma_wait3A_367, %dma_wait3A_368] : memref<16x128x16xf32, #tpu.memory_space<vmem>> -> memref<1x128x16xf32, #tpu.memory_space<vmem>>
      %dma_wait3A_370 = tpu.memref_squeeze %dma_wait3A_369 : memref<1x128x16xf32, #tpu.memory_space<vmem>> -> memref<128x16xf32, #tpu.memory_space<vmem>>
      %dma_wait3A_371 = arith.constant 0 : i32
      %dma_wait3A_372 = tpu.memref_slice %arg7[%add3A_154, %dma_wait3A_371] : memref<80x128xi32, #tpu.memory_space<vmem>> -> memref<1x128xi32, #tpu.memory_space<vmem>>
      %dma_wait3A_373 = tpu.memref_squeeze %dma_wait3A_372 : memref<1x128xi32, #tpu.memory_space<vmem>> -> memref<128xi32, #tpu.memory_space<vmem>>
      %dma_wait3A_374 = arith.constant 0 : i32
      %dma_wait3A_375 = arith.constant 0 : i32
      %dma_wait3A_376 = tpu.memref_slice %arg11[%dma_wait3A_374, %dma_wait3A_375] : memref<10000x16xf32, #tpu.memory_space<vmem_shared>> -> memref<10000x16xf32, #tpu.memory_space<vmem_shared>>
      %dma_wait3A_377 = tpu.memref_slice %arg12[%dma_wait3A_366] : memref<8x!tpu.dma_semaphore, #tpu.memory_space<semaphore_mem>> -> memref<1x!tpu.dma_semaphore, #tpu.memory_space<semaphore_mem>>
      %dma_wait3A_378 = tpu.memref_squeeze %dma_wait3A_377 : memref<1x!tpu.dma_semaphore, #tpu.memory_space<semaphore_mem>> -> memref<!tpu.dma_semaphore, #tpu.memory_space<semaphore_mem>>
      tpu.wait_indirect_dma semaphore(%dma_wait3A_378 : memref<!tpu.dma_semaphore, #tpu.memory_space<semaphore_mem>>) src(%dma_wait3A_376 : memref<10000x16xf32, #tpu.memory_space<vmem_shared>>) dst(%dma_wait3A_370 : memref<128x16xf32, #tpu.memory_space<vmem>>)
      %add3A_379 = arith.constant 6 : i32
      %add3A_380 = arith.addi %add3A_56, %add3A_379 : i32
      %dma_start3A_381 = arith.constant 6 : i32
      %dma_start3A_382 = arith.constant 6 : i32
      %dma_start3A_383 = arith.constant 0 : i32
      %dma_start3A_384 = arith.constant 0 : i32
      %dma_start3A_385 = tpu.memref_slice %arg9[%dma_start3A_381, %dma_start3A_383, %dma_start3A_384] : memref<16x128x16xf32, #tpu.memory_space<vmem>> -> memref<1x128x16xf32, #tpu.memory_space<vmem>>
      %dma_start3A_386 = tpu.memref_squeeze %dma_start3A_385 : memref<1x128x16xf32, #tpu.memory_space<vmem>> -> memref<128x16xf32, #tpu.memory_space<vmem>>
      %dma_start3A_387 = arith.constant 0 : i32
      %dma_start3A_388 = tpu.memref_slice %arg8[%add3A_380, %dma_start3A_387] : memref<80x128xi32, #tpu.memory_space<vmem>> -> memref<1x128xi32, #tpu.memory_space<vmem>>
      %dma_start3A_389 = tpu.memref_squeeze %dma_start3A_388 : memref<1x128xi32, #tpu.memory_space<vmem>> -> memref<128xi32, #tpu.memory_space<vmem>>
      %dma_start3A_390 = arith.constant 0 : i32
      %dma_start3A_391 = arith.constant 0 : i32
      %dma_start3A_392 = tpu.memref_slice %arg10[%dma_start3A_390, %dma_start3A_391] : memref<10008x16xf32, #tpu.memory_space<vmem_shared>> -> memref<10008x16xf32, #tpu.memory_space<vmem_shared>>
      %dma_start3A_393 = tpu.memref_slice %arg13[%dma_start3A_382] : memref<8x!tpu.dma_semaphore, #tpu.memory_space<semaphore_mem>> -> memref<1x!tpu.dma_semaphore, #tpu.memory_space<semaphore_mem>>
      %dma_start3A_394 = tpu.memref_squeeze %dma_start3A_393 : memref<1x!tpu.dma_semaphore, #tpu.memory_space<semaphore_mem>> -> memref<!tpu.dma_semaphore, #tpu.memory_space<semaphore_mem>>
      tpu.enqueue_indirect_dma source(%dma_start3A_386 : memref<128x16xf32, #tpu.memory_space<vmem>>) target(%dma_start3A_392 : memref<10008x16xf32, #tpu.memory_space<vmem_shared>>) offsets(%dma_start3A_389 : memref<128xi32, #tpu.memory_space<vmem>>) semaphore(%dma_start3A_394 : memref<!tpu.dma_semaphore, #tpu.memory_space<semaphore_mem>>) {add = true}
      %dma_wait3A_395 = arith.constant 7 : i32
      %dma_wait3A_396 = arith.constant 7 : i32
      %dma_wait3A_397 = arith.constant 0 : i32
      %dma_wait3A_398 = arith.constant 0 : i32
      %dma_wait3A_399 = tpu.memref_slice %arg9[%dma_wait3A_395, %dma_wait3A_397, %dma_wait3A_398] : memref<16x128x16xf32, #tpu.memory_space<vmem>> -> memref<1x128x16xf32, #tpu.memory_space<vmem>>
      %dma_wait3A_400 = tpu.memref_squeeze %dma_wait3A_399 : memref<1x128x16xf32, #tpu.memory_space<vmem>> -> memref<128x16xf32, #tpu.memory_space<vmem>>
      %dma_wait3A_401 = arith.constant 0 : i32
      %dma_wait3A_402 = tpu.memref_slice %arg7[%add3A_170, %dma_wait3A_401] : memref<80x128xi32, #tpu.memory_space<vmem>> -> memref<1x128xi32, #tpu.memory_space<vmem>>
      %dma_wait3A_403 = tpu.memref_squeeze %dma_wait3A_402 : memref<1x128xi32, #tpu.memory_space<vmem>> -> memref<128xi32, #tpu.memory_space<vmem>>
      %dma_wait3A_404 = arith.constant 0 : i32
      %dma_wait3A_405 = arith.constant 0 : i32
      %dma_wait3A_406 = tpu.memref_slice %arg11[%dma_wait3A_404, %dma_wait3A_405] : memref<10000x16xf32, #tpu.memory_space<vmem_shared>> -> memref<10000x16xf32, #tpu.memory_space<vmem_shared>>
      %dma_wait3A_407 = tpu.memref_slice %arg12[%dma_wait3A_396] : memref<8x!tpu.dma_semaphore, #tpu.memory_space<semaphore_mem>> -> memref<1x!tpu.dma_semaphore, #tpu.memory_space<semaphore_mem>>
      %dma_wait3A_408 = tpu.memref_squeeze %dma_wait3A_407 : memref<1x!tpu.dma_semaphore, #tpu.memory_space<semaphore_mem>> -> memref<!tpu.dma_semaphore, #tpu.memory_space<semaphore_mem>>
      tpu.wait_indirect_dma semaphore(%dma_wait3A_408 : memref<!tpu.dma_semaphore, #tpu.memory_space<semaphore_mem>>) src(%dma_wait3A_406 : memref<10000x16xf32, #tpu.memory_space<vmem_shared>>) dst(%dma_wait3A_400 : memref<128x16xf32, #tpu.memory_space<vmem>>)
      %add3A_409 = arith.constant 7 : i32
      %add3A_410 = arith.addi %add3A_56, %add3A_409 : i32
      %dma_start3A_411 = arith.constant 7 : i32
      %dma_start3A_412 = arith.constant 7 : i32
      %dma_start3A_413 = arith.constant 0 : i32
      %dma_start3A_414 = arith.constant 0 : i32
      %dma_start3A_415 = tpu.memref_slice %arg9[%dma_start3A_411, %dma_start3A_413, %dma_start3A_414] : memref<16x128x16xf32, #tpu.memory_space<vmem>> -> memref<1x128x16xf32, #tpu.memory_space<vmem>>
      %dma_start3A_416 = tpu.memref_squeeze %dma_start3A_415 : memref<1x128x16xf32, #tpu.memory_space<vmem>> -> memref<128x16xf32, #tpu.memory_space<vmem>>
      %dma_start3A_417 = arith.constant 0 : i32
      %dma_start3A_418 = tpu.memref_slice %arg8[%add3A_410, %dma_start3A_417] : memref<80x128xi32, #tpu.memory_space<vmem>> -> memref<1x128xi32, #tpu.memory_space<vmem>>
      %dma_start3A_419 = tpu.memref_squeeze %dma_start3A_418 : memref<1x128xi32, #tpu.memory_space<vmem>> -> memref<128xi32, #tpu.memory_space<vmem>>
      %dma_start3A_420 = arith.constant 0 : i32
      %dma_start3A_421 = arith.constant 0 : i32
      %dma_start3A_422 = tpu.memref_slice %arg10[%dma_start3A_420, %dma_start3A_421] : memref<10008x16xf32, #tpu.memory_space<vmem_shared>> -> memref<10008x16xf32, #tpu.memory_space<vmem_shared>>
      %dma_start3A_423 = tpu.memref_slice %arg13[%dma_start3A_412] : memref<8x!tpu.dma_semaphore, #tpu.memory_space<semaphore_mem>> -> memref<1x!tpu.dma_semaphore, #tpu.memory_space<semaphore_mem>>
      %dma_start3A_424 = tpu.memref_squeeze %dma_start3A_423 : memref<1x!tpu.dma_semaphore, #tpu.memory_space<semaphore_mem>> -> memref<!tpu.dma_semaphore, #tpu.memory_space<semaphore_mem>>
      tpu.enqueue_indirect_dma source(%dma_start3A_416 : memref<128x16xf32, #tpu.memory_space<vmem>>) target(%dma_start3A_422 : memref<10008x16xf32, #tpu.memory_space<vmem_shared>>) offsets(%dma_start3A_419 : memref<128xi32, #tpu.memory_space<vmem>>) semaphore(%dma_start3A_424 : memref<!tpu.dma_semaphore, #tpu.memory_space<semaphore_mem>>) {add = true}
      %dma_wait3A_425 = arith.constant 0 : i32
      %dma_wait3A_426 = arith.constant 0 : i32
      %dma_wait3A_427 = arith.constant 0 : i32
      %dma_wait3A_428 = arith.constant 0 : i32
      %dma_wait3A_429 = tpu.memref_slice %arg9[%dma_wait3A_425, %dma_wait3A_427, %dma_wait3A_428] : memref<16x128x16xf32, #tpu.memory_space<vmem>> -> memref<1x128x16xf32, #tpu.memory_space<vmem>>
      %dma_wait3A_430 = tpu.memref_squeeze %dma_wait3A_429 : memref<1x128x16xf32, #tpu.memory_space<vmem>> -> memref<128x16xf32, #tpu.memory_space<vmem>>
      %dma_wait3A_431 = arith.constant 0 : i32
      %dma_wait3A_432 = tpu.memref_slice %arg8[%add3A_200, %dma_wait3A_431] : memref<80x128xi32, #tpu.memory_space<vmem>> -> memref<1x128xi32, #tpu.memory_space<vmem>>
      %dma_wait3A_433 = tpu.memref_squeeze %dma_wait3A_432 : memref<1x128xi32, #tpu.memory_space<vmem>> -> memref<128xi32, #tpu.memory_space<vmem>>
      %dma_wait3A_434 = arith.constant 0 : i32
      %dma_wait3A_435 = arith.constant 0 : i32
      %dma_wait3A_436 = tpu.memref_slice %arg10[%dma_wait3A_434, %dma_wait3A_435] : memref<10008x16xf32, #tpu.memory_space<vmem_shared>> -> memref<10008x16xf32, #tpu.memory_space<vmem_shared>>
      %dma_wait3A_437 = tpu.memref_slice %arg13[%dma_wait3A_426] : memref<8x!tpu.dma_semaphore, #tpu.memory_space<semaphore_mem>> -> memref<1x!tpu.dma_semaphore, #tpu.memory_space<semaphore_mem>>
      %dma_wait3A_438 = tpu.memref_squeeze %dma_wait3A_437 : memref<1x!tpu.dma_semaphore, #tpu.memory_space<semaphore_mem>> -> memref<!tpu.dma_semaphore, #tpu.memory_space<semaphore_mem>>
      tpu.wait_indirect_dma semaphore(%dma_wait3A_438 : memref<!tpu.dma_semaphore, #tpu.memory_space<semaphore_mem>>) src(%dma_wait3A_430 : memref<128x16xf32, #tpu.memory_space<vmem>>) dst(%dma_wait3A_436 : memref<10008x16xf32, #tpu.memory_space<vmem_shared>>)
      %dma_wait3A_439 = arith.constant 1 : i32
      %dma_wait3A_440 = arith.constant 1 : i32
      %dma_wait3A_441 = arith.constant 0 : i32
      %dma_wait3A_442 = arith.constant 0 : i32
      %dma_wait3A_443 = tpu.memref_slice %arg9[%dma_wait3A_439, %dma_wait3A_441, %dma_wait3A_442] : memref<16x128x16xf32, #tpu.memory_space<vmem>> -> memref<1x128x16xf32, #tpu.memory_space<vmem>>
      %dma_wait3A_444 = tpu.memref_squeeze %dma_wait3A_443 : memref<1x128x16xf32, #tpu.memory_space<vmem>> -> memref<128x16xf32, #tpu.memory_space<vmem>>
      %dma_wait3A_445 = arith.constant 0 : i32
      %dma_wait3A_446 = tpu.memref_slice %arg8[%add3A_230, %dma_wait3A_445] : memref<80x128xi32, #tpu.memory_space<vmem>> -> memref<1x128xi32, #tpu.memory_space<vmem>>
      %dma_wait3A_447 = tpu.memref_squeeze %dma_wait3A_446 : memref<1x128xi32, #tpu.memory_space<vmem>> -> memref<128xi32, #tpu.memory_space<vmem>>
      %dma_wait3A_448 = arith.constant 0 : i32
      %dma_wait3A_449 = arith.constant 0 : i32
      %dma_wait3A_450 = tpu.memref_slice %arg10[%dma_wait3A_448, %dma_wait3A_449] : memref<10008x16xf32, #tpu.memory_space<vmem_shared>> -> memref<10008x16xf32, #tpu.memory_space<vmem_shared>>
      %dma_wait3A_451 = tpu.memref_slice %arg13[%dma_wait3A_440] : memref<8x!tpu.dma_semaphore, #tpu.memory_space<semaphore_mem>> -> memref<1x!tpu.dma_semaphore, #tpu.memory_space<semaphore_mem>>
      %dma_wait3A_452 = tpu.memref_squeeze %dma_wait3A_451 : memref<1x!tpu.dma_semaphore, #tpu.memory_space<semaphore_mem>> -> memref<!tpu.dma_semaphore, #tpu.memory_space<semaphore_mem>>
      tpu.wait_indirect_dma semaphore(%dma_wait3A_452 : memref<!tpu.dma_semaphore, #tpu.memory_space<semaphore_mem>>) src(%dma_wait3A_444 : memref<128x16xf32, #tpu.memory_space<vmem>>) dst(%dma_wait3A_450 : memref<10008x16xf32, #tpu.memory_space<vmem_shared>>)
      %dma_wait3A_453 = arith.constant 2 : i32
      %dma_wait3A_454 = arith.constant 2 : i32
      %dma_wait3A_455 = arith.constant 0 : i32
      %dma_wait3A_456 = arith.constant 0 : i32
      %dma_wait3A_457 = tpu.memref_slice %arg9[%dma_wait3A_453, %dma_wait3A_455, %dma_wait3A_456] : memref<16x128x16xf32, #tpu.memory_space<vmem>> -> memref<1x128x16xf32, #tpu.memory_space<vmem>>
      %dma_wait3A_458 = tpu.memref_squeeze %dma_wait3A_457 : memref<1x128x16xf32, #tpu.memory_space<vmem>> -> memref<128x16xf32, #tpu.memory_space<vmem>>
      %dma_wait3A_459 = arith.constant 0 : i32
      %dma_wait3A_460 = tpu.memref_slice %arg8[%add3A_260, %dma_wait3A_459] : memref<80x128xi32, #tpu.memory_space<vmem>> -> memref<1x128xi32, #tpu.memory_space<vmem>>
      %dma_wait3A_461 = tpu.memref_squeeze %dma_wait3A_460 : memref<1x128xi32, #tpu.memory_space<vmem>> -> memref<128xi32, #tpu.memory_space<vmem>>
      %dma_wait3A_462 = arith.constant 0 : i32
      %dma_wait3A_463 = arith.constant 0 : i32
      %dma_wait3A_464 = tpu.memref_slice %arg10[%dma_wait3A_462, %dma_wait3A_463] : memref<10008x16xf32, #tpu.memory_space<vmem_shared>> -> memref<10008x16xf32, #tpu.memory_space<vmem_shared>>
      %dma_wait3A_465 = tpu.memref_slice %arg13[%dma_wait3A_454] : memref<8x!tpu.dma_semaphore, #tpu.memory_space<semaphore_mem>> -> memref<1x!tpu.dma_semaphore, #tpu.memory_space<semaphore_mem>>
      %dma_wait3A_466 = tpu.memref_squeeze %dma_wait3A_465 : memref<1x!tpu.dma_semaphore, #tpu.memory_space<semaphore_mem>> -> memref<!tpu.dma_semaphore, #tpu.memory_space<semaphore_mem>>
      tpu.wait_indirect_dma semaphore(%dma_wait3A_466 : memref<!tpu.dma_semaphore, #tpu.memory_space<semaphore_mem>>) src(%dma_wait3A_458 : memref<128x16xf32, #tpu.memory_space<vmem>>) dst(%dma_wait3A_464 : memref<10008x16xf32, #tpu.memory_space<vmem_shared>>)
      %dma_wait3A_467 = arith.constant 3 : i32
      %dma_wait3A_468 = arith.constant 3 : i32
      %dma_wait3A_469 = arith.constant 0 : i32
      %dma_wait3A_470 = arith.constant 0 : i32
      %dma_wait3A_471 = tpu.memref_slice %arg9[%dma_wait3A_467, %dma_wait3A_469, %dma_wait3A_470] : memref<16x128x16xf32, #tpu.memory_space<vmem>> -> memref<1x128x16xf32, #tpu.memory_space<vmem>>
      %dma_wait3A_472 = tpu.memref_squeeze %dma_wait3A_471 : memref<1x128x16xf32, #tpu.memory_space<vmem>> -> memref<128x16xf32, #tpu.memory_space<vmem>>
      %dma_wait3A_473 = arith.constant 0 : i32
      %dma_wait3A_474 = tpu.memref_slice %arg8[%add3A_290, %dma_wait3A_473] : memref<80x128xi32, #tpu.memory_space<vmem>> -> memref<1x128xi32, #tpu.memory_space<vmem>>
      %dma_wait3A_475 = tpu.memref_squeeze %dma_wait3A_474 : memref<1x128xi32, #tpu.memory_space<vmem>> -> memref<128xi32, #tpu.memory_space<vmem>>
      %dma_wait3A_476 = arith.constant 0 : i32
      %dma_wait3A_477 = arith.constant 0 : i32
      %dma_wait3A_478 = tpu.memref_slice %arg10[%dma_wait3A_476, %dma_wait3A_477] : memref<10008x16xf32, #tpu.memory_space<vmem_shared>> -> memref<10008x16xf32, #tpu.memory_space<vmem_shared>>
      %dma_wait3A_479 = tpu.memref_slice %arg13[%dma_wait3A_468] : memref<8x!tpu.dma_semaphore, #tpu.memory_space<semaphore_mem>> -> memref<1x!tpu.dma_semaphore, #tpu.memory_space<semaphore_mem>>
      %dma_wait3A_480 = tpu.memref_squeeze %dma_wait3A_479 : memref<1x!tpu.dma_semaphore, #tpu.memory_space<semaphore_mem>> -> memref<!tpu.dma_semaphore, #tpu.memory_space<semaphore_mem>>
      tpu.wait_indirect_dma semaphore(%dma_wait3A_480 : memref<!tpu.dma_semaphore, #tpu.memory_space<semaphore_mem>>) src(%dma_wait3A_472 : memref<128x16xf32, #tpu.memory_space<vmem>>) dst(%dma_wait3A_478 : memref<10008x16xf32, #tpu.memory_space<vmem_shared>>)
      %dma_wait3A_481 = arith.constant 4 : i32
      %dma_wait3A_482 = arith.constant 4 : i32
      %dma_wait3A_483 = arith.constant 0 : i32
      %dma_wait3A_484 = arith.constant 0 : i32
      %dma_wait3A_485 = tpu.memref_slice %arg9[%dma_wait3A_481, %dma_wait3A_483, %dma_wait3A_484] : memref<16x128x16xf32, #tpu.memory_space<vmem>> -> memref<1x128x16xf32, #tpu.memory_space<vmem>>
      %dma_wait3A_486 = tpu.memref_squeeze %dma_wait3A_485 : memref<1x128x16xf32, #tpu.memory_space<vmem>> -> memref<128x16xf32, #tpu.memory_space<vmem>>
      %dma_wait3A_487 = arith.constant 0 : i32
      %dma_wait3A_488 = tpu.memref_slice %arg8[%add3A_320, %dma_wait3A_487] : memref<80x128xi32, #tpu.memory_space<vmem>> -> memref<1x128xi32, #tpu.memory_space<vmem>>
      %dma_wait3A_489 = tpu.memref_squeeze %dma_wait3A_488 : memref<1x128xi32, #tpu.memory_space<vmem>> -> memref<128xi32, #tpu.memory_space<vmem>>
      %dma_wait3A_490 = arith.constant 0 : i32
      %dma_wait3A_491 = arith.constant 0 : i32
      %dma_wait3A_492 = tpu.memref_slice %arg10[%dma_wait3A_490, %dma_wait3A_491] : memref<10008x16xf32, #tpu.memory_space<vmem_shared>> -> memref<10008x16xf32, #tpu.memory_space<vmem_shared>>
      %dma_wait3A_493 = tpu.memref_slice %arg13[%dma_wait3A_482] : memref<8x!tpu.dma_semaphore, #tpu.memory_space<semaphore_mem>> -> memref<1x!tpu.dma_semaphore, #tpu.memory_space<semaphore_mem>>
      %dma_wait3A_494 = tpu.memref_squeeze %dma_wait3A_493 : memref<1x!tpu.dma_semaphore, #tpu.memory_space<semaphore_mem>> -> memref<!tpu.dma_semaphore, #tpu.memory_space<semaphore_mem>>
      tpu.wait_indirect_dma semaphore(%dma_wait3A_494 : memref<!tpu.dma_semaphore, #tpu.memory_space<semaphore_mem>>) src(%dma_wait3A_486 : memref<128x16xf32, #tpu.memory_space<vmem>>) dst(%dma_wait3A_492 : memref<10008x16xf32, #tpu.memory_space<vmem_shared>>)
      %dma_wait3A_495 = arith.constant 5 : i32
      %dma_wait3A_496 = arith.constant 5 : i32
      %dma_wait3A_497 = arith.constant 0 : i32
      %dma_wait3A_498 = arith.constant 0 : i32
      %dma_wait3A_499 = tpu.memref_slice %arg9[%dma_wait3A_495, %dma_wait3A_497, %dma_wait3A_498] : memref<16x128x16xf32, #tpu.memory_space<vmem>> -> memref<1x128x16xf32, #tpu.memory_space<vmem>>
      %dma_wait3A_500 = tpu.memref_squeeze %dma_wait3A_499 : memref<1x128x16xf32, #tpu.memory_space<vmem>> -> memref<128x16xf32, #tpu.memory_space<vmem>>
      %dma_wait3A_501 = arith.constant 0 : i32
      %dma_wait3A_502 = tpu.memref_slice %arg8[%add3A_350, %dma_wait3A_501] : memref<80x128xi32, #tpu.memory_space<vmem>> -> memref<1x128xi32, #tpu.memory_space<vmem>>
      %dma_wait3A_503 = tpu.memref_squeeze %dma_wait3A_502 : memref<1x128xi32, #tpu.memory_space<vmem>> -> memref<128xi32, #tpu.memory_space<vmem>>
      %dma_wait3A_504 = arith.constant 0 : i32
      %dma_wait3A_505 = arith.constant 0 : i32
      %dma_wait3A_506 = tpu.memref_slice %arg10[%dma_wait3A_504, %dma_wait3A_505] : memref<10008x16xf32, #tpu.memory_space<vmem_shared>> -> memref<10008x16xf32, #tpu.memory_space<vmem_shared>>
      %dma_wait3A_507 = tpu.memref_slice %arg13[%dma_wait3A_496] : memref<8x!tpu.dma_semaphore, #tpu.memory_space<semaphore_mem>> -> memref<1x!tpu.dma_semaphore, #tpu.memory_space<semaphore_mem>>
      %dma_wait3A_508 = tpu.memref_squeeze %dma_wait3A_507 : memref<1x!tpu.dma_semaphore, #tpu.memory_space<semaphore_mem>> -> memref<!tpu.dma_semaphore, #tpu.memory_space<semaphore_mem>>
      tpu.wait_indirect_dma semaphore(%dma_wait3A_508 : memref<!tpu.dma_semaphore, #tpu.memory_space<semaphore_mem>>) src(%dma_wait3A_500 : memref<128x16xf32, #tpu.memory_space<vmem>>) dst(%dma_wait3A_506 : memref<10008x16xf32, #tpu.memory_space<vmem_shared>>)
      %dma_wait3A_509 = arith.constant 6 : i32
      %dma_wait3A_510 = arith.constant 6 : i32
      %dma_wait3A_511 = arith.constant 0 : i32
      %dma_wait3A_512 = arith.constant 0 : i32
      %dma_wait3A_513 = tpu.memref_slice %arg9[%dma_wait3A_509, %dma_wait3A_511, %dma_wait3A_512] : memref<16x128x16xf32, #tpu.memory_space<vmem>> -> memref<1x128x16xf32, #tpu.memory_space<vmem>>
      %dma_wait3A_514 = tpu.memref_squeeze %dma_wait3A_513 : memref<1x128x16xf32, #tpu.memory_space<vmem>> -> memref<128x16xf32, #tpu.memory_space<vmem>>
      %dma_wait3A_515 = arith.constant 0 : i32
      %dma_wait3A_516 = tpu.memref_slice %arg8[%add3A_380, %dma_wait3A_515] : memref<80x128xi32, #tpu.memory_space<vmem>> -> memref<1x128xi32, #tpu.memory_space<vmem>>
      %dma_wait3A_517 = tpu.memref_squeeze %dma_wait3A_516 : memref<1x128xi32, #tpu.memory_space<vmem>> -> memref<128xi32, #tpu.memory_space<vmem>>
      %dma_wait3A_518 = arith.constant 0 : i32
      %dma_wait3A_519 = arith.constant 0 : i32
      %dma_wait3A_520 = tpu.memref_slice %arg10[%dma_wait3A_518, %dma_wait3A_519] : memref<10008x16xf32, #tpu.memory_space<vmem_shared>> -> memref<10008x16xf32, #tpu.memory_space<vmem_shared>>
      %dma_wait3A_521 = tpu.memref_slice %arg13[%dma_wait3A_510] : memref<8x!tpu.dma_semaphore, #tpu.memory_space<semaphore_mem>> -> memref<1x!tpu.dma_semaphore, #tpu.memory_space<semaphore_mem>>
      %dma_wait3A_522 = tpu.memref_squeeze %dma_wait3A_521 : memref<1x!tpu.dma_semaphore, #tpu.memory_space<semaphore_mem>> -> memref<!tpu.dma_semaphore, #tpu.memory_space<semaphore_mem>>
      tpu.wait_indirect_dma semaphore(%dma_wait3A_522 : memref<!tpu.dma_semaphore, #tpu.memory_space<semaphore_mem>>) src(%dma_wait3A_514 : memref<128x16xf32, #tpu.memory_space<vmem>>) dst(%dma_wait3A_520 : memref<10008x16xf32, #tpu.memory_space<vmem_shared>>)
      %dma_wait3A_523 = arith.constant 7 : i32
      %dma_wait3A_524 = arith.constant 7 : i32
      %dma_wait3A_525 = arith.constant 0 : i32
      %dma_wait3A_526 = arith.constant 0 : i32
      %dma_wait3A_527 = tpu.memref_slice %arg9[%dma_wait3A_523, %dma_wait3A_525, %dma_wait3A_526] : memref<16x128x16xf32, #tpu.memory_space<vmem>> -> memref<1x128x16xf32, #tpu.memory_space<vmem>>
      %dma_wait3A_528 = tpu.memref_squeeze %dma_wait3A_527 : memref<1x128x16xf32, #tpu.memory_space<vmem>> -> memref<128x16xf32, #tpu.memory_space<vmem>>
      %dma_wait3A_529 = arith.constant 0 : i32
      %dma_wait3A_530 = tpu.memref_slice %arg8[%add3A_410, %dma_wait3A_529] : memref<80x128xi32, #tpu.memory_space<vmem>> -> memref<1x128xi32, #tpu.memory_space<vmem>>
      %dma_wait3A_531 = tpu.memref_squeeze %dma_wait3A_530 : memref<1x128xi32, #tpu.memory_space<vmem>> -> memref<128xi32, #tpu.memory_space<vmem>>
      %dma_wait3A_532 = arith.constant 0 : i32
      %dma_wait3A_533 = arith.constant 0 : i32
      %dma_wait3A_534 = tpu.memref_slice %arg10[%dma_wait3A_532, %dma_wait3A_533] : memref<10008x16xf32, #tpu.memory_space<vmem_shared>> -> memref<10008x16xf32, #tpu.memory_space<vmem_shared>>
      %dma_wait3A_535 = tpu.memref_slice %arg13[%dma_wait3A_524] : memref<8x!tpu.dma_semaphore, #tpu.memory_space<semaphore_mem>> -> memref<1x!tpu.dma_semaphore, #tpu.memory_space<semaphore_mem>>
      %dma_wait3A_536 = tpu.memref_squeeze %dma_wait3A_535 : memref<1x!tpu.dma_semaphore, #tpu.memory_space<semaphore_mem>> -> memref<!tpu.dma_semaphore, #tpu.memory_space<semaphore_mem>>
      tpu.wait_indirect_dma semaphore(%dma_wait3A_536 : memref<!tpu.dma_semaphore, #tpu.memory_space<semaphore_mem>>) src(%dma_wait3A_528 : memref<128x16xf32, #tpu.memory_space<vmem>>) dst(%dma_wait3A_534 : memref<10008x16xf32, #tpu.memory_space<vmem_shared>>)
    }
    %scan3A_40 = arith.constant 10 : i32
    %barrier3A_41 = arith.constant 0 : index
    tpu.barrier barrier_id(%barrier3A_41)
    %lt3A_42 = arith.constant 15 : i32
    %lt3A_43 = arith.cmpi slt, %arg1, %lt3A_42 : i32
    %convert_element_type3A_44 = arith.extui %lt3A_43 : i1 to i32
    %cond3A_45 = arith.constant 0 : i32
    %cond3A_46 = arith.cmpi ne, %convert_element_type3A_44, %cond3A_45 : i32
    scf.if %cond3A_46 {
      %mul3A_52 = arith.constant 624 : i32
      %mul3A_53 = arith.muli %arg1, %mul3A_52 : i32
      %mul3A_54 = arith.constant 624 : i32
      %mul3A_55 = arith.muli %arg1, %mul3A_54 : i32
      "tpu.region"() ({
        %run_scoped3A = tpu.sem_alloc : memref<!tpu.dma_semaphore, #tpu.memory_space<semaphore_mem>>
        %dma_start3A_56 = arith.constant 0 : i32
        %dma_start3A_57 = tpu.memref_slice %arg6[%arg0, %mul3A_55, %dma_start3A_56] : memref<2x10000x16xf32, #tpu.memory_space<hbm>> -> memref<1x624x16xf32, #tpu.memory_space<hbm>>
        %dma_start3A_58 = tpu.memref_squeeze %dma_start3A_57 : memref<1x624x16xf32, #tpu.memory_space<hbm>> -> memref<624x16xf32, #tpu.memory_space<hbm>>
        %dma_start3A_59 = arith.constant 0 : i32
        %dma_start3A_60 = tpu.memref_slice %arg10[%mul3A_53, %dma_start3A_59] : memref<10008x16xf32, #tpu.memory_space<vmem_shared>> -> memref<624x16xf32, #tpu.memory_space<vmem_shared>>
        tpu.enqueue_dma source(%dma_start3A_60 : memref<624x16xf32, #tpu.memory_space<vmem_shared>>) target(%dma_start3A_58 : memref<624x16xf32, #tpu.memory_space<hbm>>) target_semaphore(%run_scoped3A : memref<!tpu.dma_semaphore, #tpu.memory_space<semaphore_mem>>)
        %dma_wait3A_61 = arith.constant 0 : i32
        %dma_wait3A_62 = tpu.memref_slice %arg6[%arg0, %mul3A_55, %dma_wait3A_61] : memref<2x10000x16xf32, #tpu.memory_space<hbm>> -> memref<1x624x16xf32, #tpu.memory_space<hbm>>
        %dma_wait3A_63 = tpu.memref_squeeze %dma_wait3A_62 : memref<1x624x16xf32, #tpu.memory_space<hbm>> -> memref<624x16xf32, #tpu.memory_space<hbm>>
        %dma_wait3A_64 = arith.constant 0 : i32
        %dma_wait3A_65 = tpu.memref_slice %arg10[%mul3A_53, %dma_wait3A_64] : memref<10008x16xf32, #tpu.memory_space<vmem_shared>> -> memref<624x16xf32, #tpu.memory_space<vmem_shared>>
        tpu.wait_dma2 semaphore(%run_scoped3A : memref<!tpu.dma_semaphore, #tpu.memory_space<semaphore_mem>>) src(%dma_wait3A_65 : memref<624x16xf32, #tpu.memory_space<vmem_shared>>) dst(%dma_wait3A_63 : memref<624x16xf32, #tpu.memory_space<hbm>>)
        tpu.yield
      }) : () -> ()
    } else {
    }
    %eq3A_47 = arith.constant 15 : i32
    %eq3A_48 = arith.cmpi eq, %arg1, %eq3A_47 : i32
    %convert_element_type3A_49 = arith.extui %eq3A_48 : i1 to i32
    %cond3A_50 = arith.constant 0 : i32
    %cond3A_51 = arith.cmpi ne, %convert_element_type3A_49, %cond3A_50 : i32
    scf.if %cond3A_51 {
      "tpu.region"() ({
        %run_scoped3A = tpu.sem_alloc : memref<!tpu.dma_semaphore, #tpu.memory_space<semaphore_mem>>
        %dma_start3A_52 = arith.constant 9360 : i32
        %dma_start3A_53 = arith.constant 0 : i32
        %dma_start3A_54 = tpu.memref_slice %arg6[%arg0, %dma_start3A_52, %dma_start3A_53] : memref<2x10000x16xf32, #tpu.memory_space<hbm>> -> memref<1x640x16xf32, #tpu.memory_space<hbm>>
        %dma_start3A_55 = tpu.memref_squeeze %dma_start3A_54 : memref<1x640x16xf32, #tpu.memory_space<hbm>> -> memref<640x16xf32, #tpu.memory_space<hbm>>
        %dma_start3A_56 = arith.constant 9360 : i32
        %dma_start3A_57 = arith.constant 0 : i32
        %dma_start3A_58 = tpu.memref_slice %arg10[%dma_start3A_56, %dma_start3A_57] : memref<10008x16xf32, #tpu.memory_space<vmem_shared>> -> memref<640x16xf32, #tpu.memory_space<vmem_shared>>
        tpu.enqueue_dma source(%dma_start3A_58 : memref<640x16xf32, #tpu.memory_space<vmem_shared>>) target(%dma_start3A_55 : memref<640x16xf32, #tpu.memory_space<hbm>>) target_semaphore(%run_scoped3A : memref<!tpu.dma_semaphore, #tpu.memory_space<semaphore_mem>>)
        %dma_wait3A_59 = arith.constant 9360 : i32
        %dma_wait3A_60 = arith.constant 0 : i32
        %dma_wait3A_61 = tpu.memref_slice %arg6[%arg0, %dma_wait3A_59, %dma_wait3A_60] : memref<2x10000x16xf32, #tpu.memory_space<hbm>> -> memref<1x640x16xf32, #tpu.memory_space<hbm>>
        %dma_wait3A_62 = tpu.memref_squeeze %dma_wait3A_61 : memref<1x640x16xf32, #tpu.memory_space<hbm>> -> memref<640x16xf32, #tpu.memory_space<hbm>>
        %dma_wait3A_63 = arith.constant 9360 : i32
        %dma_wait3A_64 = arith.constant 0 : i32
        %dma_wait3A_65 = tpu.memref_slice %arg10[%dma_wait3A_63, %dma_wait3A_64] : memref<10008x16xf32, #tpu.memory_space<vmem_shared>> -> memref<640x16xf32, #tpu.memory_space<vmem_shared>>
        tpu.wait_dma2 semaphore(%run_scoped3A : memref<!tpu.dma_semaphore, #tpu.memory_space<semaphore_mem>>) src(%dma_wait3A_65 : memref<640x16xf32, #tpu.memory_space<vmem_shared>>) dst(%dma_wait3A_62 : memref<640x16xf32, #tpu.memory_space<hbm>>)
        tpu.yield
      }) : () -> ()
    } else {
    }
    return
  }
}

#map = affine_map<(d0, d1) -> (0, 0)>
#map1 = affine_map<(d0, d1) -> (0)>
module attributes {stable_mosaic.version = 14 : i64} {
  func.func @k(%arg0: i32, %arg1: i32, %arg2: memref<2560x128xi32, #tpu.memory_space<hbm>>, %arg3: memref<10008xf32, #tpu.memory_space<hbm>>, %arg4: memref<2x10008xf32, #tpu.memory_space<hbm>>, %arg5: memref<80x128xi32, #tpu.memory_space<vmem>>, %arg6: memref<128xf32, #tpu.memory_space<vmem>>, %arg7: memref<10008xf32, #tpu.memory_space<vmem_shared>>, %arg8: memref<!tpu.dma_semaphore, #tpu.memory_space<semaphore_mem>>) attributes {dimension_semantics = [#tpu.dimension_semantics<core_parallel>, #tpu.dimension_semantics<subcore_parallel>], iteration_bounds = array<i64: 2, 16>, scalar_prefetch = 0 : i64, scratch_operands = 4 : i64, tpu.core_type = #tpu.core_type<sc_vector_subcore>, window_params = [{transform_indices = #map}, {transform_indices = #map1}, {transform_indices = #map}]} {
    %mul3A = arith.constant 2 : i32
    %mul3A_0 = arith.muli %arg1, %mul3A : i32
    %add3A = arith.addi %mul3A_0, %arg0 : i32
    %scan3A = arith.constant 0 : i32
    %scan3A_1 = arith.constant 8 : i32
    %scan3A_2 = arith.addi %scan3A, %scan3A_1 : i32
    %scan3A_3 = arith.constant 1 : i32
    scf.for %scan3A_20 = %scan3A to %scan3A_2 step %scan3A_3  : i32 {
      %mul3A_21 = arith.constant 16 : i32
      %mul3A_22 = arith.muli %scan3A_20, %mul3A_21 : i32
      %add3A_23 = arith.constant 0 : i32
      %add3A_24 = arith.addi %add3A_23, %mul3A_22 : i32
      %broadcast_in_dim3A = arith.constant 1.000000e+00 : f32
      %broadcast_in_dim3A_25 = vector.broadcast %broadcast_in_dim3A : f32 to vector<16xf32>
      %swap3A = arith.index_cast %add3A_24 : i32 to index
      %swap3A_26 = tpu.vector_load %arg6[%swap3A] {strides = array<i32>} : memref<128xf32, #tpu.memory_space<vmem>>, vector<16xf32>,
      %swap3A_27 = vector.shape_cast %swap3A_26 : vector<16xf32> to vector<16xf32>
      %swap3A_28 = vector.shape_cast %broadcast_in_dim3A_25 : vector<16xf32> to vector<16xf32>
      tpu.vector_store %arg6[%swap3A], %swap3A_28 {strides = array<i32>} : memref<128xf32, #tpu.memory_space<vmem>>, vector<16xf32>,
    }
    %scan3A_4 = arith.constant 8 : i32
    %mul3A_5 = arith.constant 80 : i32
    %mul3A_6 = arith.muli %add3A, %mul3A_5 : i32
    "tpu.region"() ({
      %run_scoped3A = tpu.sem_alloc : memref<!tpu.dma_semaphore, #tpu.memory_space<semaphore_mem>>
      %dma_start3A = arith.constant 0 : i32
      %dma_start3A_20 = tpu.memref_slice %arg2[%mul3A_6, %dma_start3A] : memref<2560x128xi32, #tpu.memory_space<hbm>> -> memref<80x128xi32, #tpu.memory_space<hbm>>
      %dma_start3A_21 = arith.constant 0 : i32
      %dma_start3A_22 = tpu.memref_slice %arg2[%mul3A_6, %dma_start3A_21] : memref<2560x128xi32, #tpu.memory_space<hbm>> -> memref<80x128xi32, #tpu.memory_space<hbm>>
      tpu.enqueue_dma source(%dma_start3A_22 : memref<80x128xi32, #tpu.memory_space<hbm>>) target(%arg5 : memref<80x128xi32, #tpu.memory_space<vmem>>) target_semaphore(%run_scoped3A : memref<!tpu.dma_semaphore, #tpu.memory_space<semaphore_mem>>)
      %dma_wait3A = arith.constant 0 : i32
      %dma_wait3A_23 = tpu.memref_slice %arg2[%mul3A_6, %dma_wait3A] : memref<2560x128xi32, #tpu.memory_space<hbm>> -> memref<80x128xi32, #tpu.memory_space<hbm>>
      %dma_wait3A_24 = arith.constant 0 : i32
      %dma_wait3A_25 = tpu.memref_slice %arg2[%mul3A_6, %dma_wait3A_24] : memref<2560x128xi32, #tpu.memory_space<hbm>> -> memref<80x128xi32, #tpu.memory_space<hbm>>
      tpu.wait_dma2 semaphore(%run_scoped3A : memref<!tpu.dma_semaphore, #tpu.memory_space<semaphore_mem>>) src(%dma_wait3A_25 : memref<80x128xi32, #tpu.memory_space<hbm>>) dst(%arg5 : memref<80x128xi32, #tpu.memory_space<vmem>>)
      tpu.yield
    }) : () -> ()
    %eq3A = arith.constant 0 : i32
    %eq3A_7 = arith.cmpi eq, %arg1, %eq3A : i32
    %convert_element_type3A = arith.extui %eq3A_7 : i1 to i32
    %cond3A = arith.constant 0 : i32
    %cond3A_8 = arith.cmpi ne, %convert_element_type3A, %cond3A : i32
    scf.if %cond3A_8 {
      "tpu.region"() ({
        %run_scoped3A = tpu.sem_alloc : memref<!tpu.dma_semaphore, #tpu.memory_space<semaphore_mem>>
        tpu.enqueue_dma source(%arg3 : memref<10008xf32, #tpu.memory_space<hbm>>) target(%arg7 : memref<10008xf32, #tpu.memory_space<vmem_shared>>) target_semaphore(%run_scoped3A : memref<!tpu.dma_semaphore, #tpu.memory_space<semaphore_mem>>)
        tpu.wait_dma2 semaphore(%run_scoped3A : memref<!tpu.dma_semaphore, #tpu.memory_space<semaphore_mem>>) src(%arg3 : memref<10008xf32, #tpu.memory_space<hbm>>) dst(%arg7 : memref<10008xf32, #tpu.memory_space<vmem_shared>>)
        tpu.yield
      }) : () -> ()
    } else {
    }
    %barrier3A = arith.constant 0 : index
    tpu.barrier barrier_id(%barrier3A)
    %scan3A_9 = arith.constant 0 : i32
    %scan3A_10 = arith.constant 80 : i32
    %scan3A_11 = arith.addi %scan3A_9, %scan3A_10 : i32
    %scan3A_12 = arith.constant 1 : i32
    scf.for %scan3A_20 = %scan3A_9 to %scan3A_11 step %scan3A_12  : i32 {
      %mul3A_21 = arith.constant 1 : i32
      %mul3A_22 = arith.muli %scan3A_20, %mul3A_21 : i32
      %add3A_23 = arith.constant 0 : i32
      %add3A_24 = arith.addi %add3A_23, %mul3A_22 : i32
      "tpu.region"() ({
        %run_scoped3A = tpu.sem_alloc : memref<!tpu.dma_semaphore, #tpu.memory_space<semaphore_mem>>
        %dma_start3A = arith.constant 0 : i32
        %dma_start3A_25 = tpu.memref_slice %arg5[%add3A_24, %dma_start3A] : memref<80x128xi32, #tpu.memory_space<vmem>> -> memref<1x128xi32, #tpu.memory_space<vmem>>
        %dma_start3A_26 = tpu.memref_squeeze %dma_start3A_25 : memref<1x128xi32, #tpu.memory_space<vmem>> -> memref<128xi32, #tpu.memory_space<vmem>>
        %dma_start3A_27 = arith.constant 0 : i32
        %dma_start3A_28 = tpu.memref_slice %arg7[%dma_start3A_27] : memref<10008xf32, #tpu.memory_space<vmem_shared>> -> memref<10008xf32, #tpu.memory_space<vmem_shared>>
        tpu.enqueue_indirect_dma source(%arg6 : memref<128xf32, #tpu.memory_space<vmem>>) target(%dma_start3A_28 : memref<10008xf32, #tpu.memory_space<vmem_shared>>) offsets(%dma_start3A_26 : memref<128xi32, #tpu.memory_space<vmem>>) semaphore(%run_scoped3A : memref<!tpu.dma_semaphore, #tpu.memory_space<semaphore_mem>>) {add = true}
        %dma_wait3A = arith.constant 0 : i32
        %dma_wait3A_29 = tpu.memref_slice %arg5[%add3A_24, %dma_wait3A] : memref<80x128xi32, #tpu.memory_space<vmem>> -> memref<1x128xi32, #tpu.memory_space<vmem>>
        %dma_wait3A_30 = tpu.memref_squeeze %dma_wait3A_29 : memref<1x128xi32, #tpu.memory_space<vmem>> -> memref<128xi32, #tpu.memory_space<vmem>>
        %dma_wait3A_31 = arith.constant 0 : i32
        %dma_wait3A_32 = tpu.memref_slice %arg7[%dma_wait3A_31] : memref<10008xf32, #tpu.memory_space<vmem_shared>> -> memref<10008xf32, #tpu.memory_space<vmem_shared>>
        tpu.wait_indirect_dma semaphore(%run_scoped3A : memref<!tpu.dma_semaphore, #tpu.memory_space<semaphore_mem>>) src(%arg6 : memref<128xf32, #tpu.memory_space<vmem>>) dst(%dma_wait3A_32 : memref<10008xf32, #tpu.memory_space<vmem_shared>>)
        tpu.yield
      }) : () -> ()
    }
    %scan3A_13 = arith.constant 80 : i32
    %barrier3A_14 = arith.constant 0 : index
    tpu.barrier barrier_id(%barrier3A_14)
    %eq3A_15 = arith.constant 0 : i32
    %eq3A_16 = arith.cmpi eq, %arg1, %eq3A_15 : i32
    %convert_element_type3A_17 = arith.extui %eq3A_16 : i1 to i32
    %cond3A_18 = arith.constant 0 : i32
    %cond3A_19 = arith.cmpi ne, %convert_element_type3A_17, %cond3A_18 : i32
    scf.if %cond3A_19 {
      "tpu.region"() ({
        %run_scoped3A = tpu.sem_alloc : memref<!tpu.dma_semaphore, #tpu.memory_space<semaphore_mem>>
        %dma_start3A = arith.constant 0 : i32
        %dma_start3A_20 = tpu.memref_slice %arg4[%arg0, %dma_start3A] : memref<2x10008xf32, #tpu.memory_space<hbm>> -> memref<1x10008xf32, #tpu.memory_space<hbm>>
        %dma_start3A_21 = tpu.memref_squeeze %dma_start3A_20 : memref<1x10008xf32, #tpu.memory_space<hbm>> -> memref<10008xf32, #tpu.memory_space<hbm>>
        tpu.enqueue_dma source(%arg7 : memref<10008xf32, #tpu.memory_space<vmem_shared>>) target(%dma_start3A_21 : memref<10008xf32, #tpu.memory_space<hbm>>) target_semaphore(%run_scoped3A : memref<!tpu.dma_semaphore, #tpu.memory_space<semaphore_mem>>)
        %dma_wait3A = arith.constant 0 : i32
        %dma_wait3A_22 = tpu.memref_slice %arg4[%arg0, %dma_wait3A] : memref<2x10008xf32, #tpu.memory_space<hbm>> -> memref<1x10008xf32, #tpu.memory_space<hbm>>
        %dma_wait3A_23 = tpu.memref_squeeze %dma_wait3A_22 : memref<1x10008xf32, #tpu.memory_space<hbm>> -> memref<10008xf32, #tpu.memory_space<hbm>>
        tpu.wait_dma2 semaphore(%run_scoped3A : memref<!tpu.dma_semaphore, #tpu.memory_space<semaphore_mem>>) src(%arg7 : memref<10008xf32, #tpu.memory_space<vmem_shared>>) dst(%dma_wait3A_23 : memref<10008xf32, #tpu.memory_space<hbm>>)
        tpu.yield
      }) : () -> ()
    } else {
    }
    return
  }
}

module attributes {stable_mosaic.version = 14 : i64} {
  func.func @body(%arg0: memref<10000x128xf32, #tpu.memory_space<vmem>>, %arg1: memref<128x16xf32, #tpu.memory_space<vmem>>, %arg2: memref<1x16xf32, #tpu.memory_space<vmem>>, %arg3: memref<10000x2xf32, #tpu.memory_space<vmem>>, %arg4: memref<10000x1xf32, #tpu.memory_space<vmem>>, %arg5: memref<10000x16xf32, #tpu.memory_space<vmem>>) attributes {dimension_semantics = [], scalar_prefetch = 0 : i64, scratch_operands = 0 : i64, tpu.core_type = #tpu.core_type<tc>} {
    %get3A = arith.constant 0 : index
    %get3A_0 = arith.constant 0 : index
    %get3A_1 = vector.load %arg0[%get3A, %get3A_0] : memref<10000x128xf32, #tpu.memory_space<vmem>>, vector<10000x128xf32>
    %get3A_2 = arith.constant 0 : index
    %get3A_3 = arith.constant 0 : index
    %get3A_4 = vector.load %arg1[%get3A_2, %get3A_3] : memref<128x16xf32, #tpu.memory_space<vmem>>, vector<128x16xf32>
    %dot_general3A = arith.constant dense<0.000000e+00> : vector<10000x16xf32>
    %dot_general3A_5 = tpu.matmul %get3A_1, %get3A_4, %dot_general3A {dimension_numbers = #tpu.dot_dimension_numbers<[1], [0], [0], [1], [0, 0, 1, 1], [], []>, transpose_lhs_hint = false} : vector<10000x128xf32>, vector<128x16xf32>, vector<10000x16xf32> -> vector<10000x16xf32>
    %get3A_6 = arith.constant 0 : index
    %get3A_7 = arith.constant 0 : index
    %get3A_8 = vector.load %arg2[%get3A_6, %get3A_7] : memref<1x16xf32, #tpu.memory_space<vmem>>, vector<1x16xf32>
    %add3A = vector.broadcast %get3A_8 : vector<1x16xf32> to vector<10000x16xf32>
    %add3A_9 = arith.addf %dot_general3A_5, %add3A : vector<10000x16xf32>
    %get3A_10 = arith.constant 0 : index
    %get3A_11 = arith.constant 0 : index
    %get3A_12 = vector.load %arg3[%get3A_10, %get3A_11] : memref<10000x2xf32, #tpu.memory_space<vmem>>, vector<10000x2xf32>
    %slice3A = vector.extract_strided_slice %get3A_12 {offsets = [0, 0], sizes = [10000, 1], strides = [1, 1]} : vector<10000x2xf32> to vector<10000x1xf32>
    %slice3A_13 = vector.extract_strided_slice %get3A_12 {offsets = [0, 1], sizes = [10000, 1], strides = [1, 1]} : vector<10000x2xf32> to vector<10000x1xf32>
    %add3A_14 = arith.addf %slice3A, %slice3A_13 : vector<10000x1xf32>
    %add3A_15 = arith.constant 1.000000e+00 : f32
    %add3A_16 = vector.broadcast %add3A_15 : f32 to vector<10000x1xf32>
    %add3A_17 = arith.addf %add3A_14, %add3A_16 : vector<10000x1xf32>
    %rsqrt3A = math.rsqrt %add3A_17 : vector<10000x1xf32>
    %swap3A = arith.constant 0 : index
    %swap3A_18 = arith.constant 0 : index
    %swap3A_19 = vector.load %arg4[%swap3A, %swap3A_18] : memref<10000x1xf32, #tpu.memory_space<vmem>>, vector<10000x1xf32>
    tpu.vector_store %arg4[%swap3A, %swap3A_18], %rsqrt3A {strides = array<i32>} : memref<10000x1xf32, #tpu.memory_space<vmem>>, vector<10000x1xf32>,
    %mul3A = vector.broadcast %rsqrt3A : vector<10000x1xf32> to vector<10000x16xf32>
    %mul3A_20 = arith.mulf %mul3A, %add3A_9 : vector<10000x16xf32>
    %swap3A_21 = arith.constant 0 : index
    %swap3A_22 = arith.constant 0 : index
    %swap3A_23 = vector.load %arg5[%swap3A_21, %swap3A_22] : memref<10000x16xf32, #tpu.memory_space<vmem>>, vector<10000x16xf32>
    tpu.vector_store %arg5[%swap3A_21, %swap3A_22], %mul3A_20 {strides = array<i32>} : memref<10000x16xf32, #tpu.memory_space<vmem>>, vector<10000x16xf32>,
    return
  }
}

module attributes {stable_mosaic.version = 14 : i64} {
  func.func @body(%arg0: memref<2x10000x16xf32, #tpu.memory_space<vmem>>, %arg1: memref<10000x1xf32, #tpu.memory_space<vmem>>, %arg2: memref<10000x16xf32, #tpu.memory_space<vmem>>, %arg3: memref<16x16xf32, #tpu.memory_space<vmem>>, %arg4: memref<1x16xf32, #tpu.memory_space<vmem>>, %arg5: memref<10000x16xf32, #tpu.memory_space<vmem>>) attributes {dimension_semantics = [], scalar_prefetch = 0 : i64, scratch_operands = 0 : i64, tpu.core_type = #tpu.core_type<tc>} {
    %get3A = arith.constant 0 : index
    %get3A_0 = arith.constant 0 : index
    %get3A_1 = arith.constant 0 : index
    %get3A_2 = vector.load %arg0[%get3A, %get3A_0, %get3A_1] : memref<2x10000x16xf32, #tpu.memory_space<vmem>>, vector<2x10000x16xf32>
    %get3A_3 = arith.constant 0 : index
    %get3A_4 = arith.constant 0 : index
    %get3A_5 = vector.load %arg1[%get3A_3, %get3A_4] : memref<10000x1xf32, #tpu.memory_space<vmem>>, vector<10000x1xf32>
    %slice3A = vector.extract_strided_slice %get3A_2 {offsets = [0, 0, 0], sizes = [1, 10000, 16], strides = [1, 1, 1]} : vector<2x10000x16xf32> to vector<1x10000x16xf32>
    %squeeze3A = vector.shape_cast %slice3A : vector<1x10000x16xf32> to vector<10000x16xf32>
    %slice3A_6 = vector.extract_strided_slice %get3A_2 {offsets = [1, 0, 0], sizes = [1, 10000, 16], strides = [1, 1, 1]} : vector<2x10000x16xf32> to vector<1x10000x16xf32>
    %squeeze3A_7 = vector.shape_cast %slice3A_6 : vector<1x10000x16xf32> to vector<10000x16xf32>
    %add3A = arith.addf %squeeze3A, %squeeze3A_7 : vector<10000x16xf32>
    %get3A_8 = arith.constant 0 : index
    %get3A_9 = arith.constant 0 : index
    %get3A_10 = vector.load %arg2[%get3A_8, %get3A_9] : memref<10000x16xf32, #tpu.memory_space<vmem>>, vector<10000x16xf32>
    %add3A_11 = arith.addf %add3A, %get3A_10 : vector<10000x16xf32>
    %mul3A = vector.broadcast %get3A_5 : vector<10000x1xf32> to vector<10000x16xf32>
    %mul3A_12 = arith.mulf %mul3A, %add3A_11 : vector<10000x16xf32>
    %max3A = arith.constant 0.000000e+00 : f32
    %max3A_13 = vector.broadcast %max3A : f32 to vector<10000x16xf32>
    %max3A_14 = arith.maximumf %mul3A_12, %max3A_13 : vector<10000x16xf32>
    %get3A_15 = arith.constant 0 : index
    %get3A_16 = arith.constant 0 : index
    %get3A_17 = vector.load %arg3[%get3A_15, %get3A_16] : memref<16x16xf32, #tpu.memory_space<vmem>>, vector<16x16xf32>
    %dot_general3A = arith.constant dense<0.000000e+00> : vector<10000x16xf32>
    %dot_general3A_18 = tpu.matmul %max3A_14, %get3A_17, %dot_general3A {dimension_numbers = #tpu.dot_dimension_numbers<[1], [0], [0], [1], [0, 0, 1, 1], [], []>, transpose_lhs_hint = false} : vector<10000x16xf32>, vector<16x16xf32>, vector<10000x16xf32> -> vector<10000x16xf32>
    %get3A_19 = arith.constant 0 : index
    %get3A_20 = arith.constant 0 : index
    %get3A_21 = vector.load %arg4[%get3A_19, %get3A_20] : memref<1x16xf32, #tpu.memory_space<vmem>>, vector<1x16xf32>
    %add3A_22 = vector.broadcast %get3A_21 : vector<1x16xf32> to vector<10000x16xf32>
    %add3A_23 = arith.addf %dot_general3A_18, %add3A_22 : vector<10000x16xf32>
    %mul3A_24 = vector.broadcast %get3A_5 : vector<10000x1xf32> to vector<10000x16xf32>
    %mul3A_25 = arith.mulf %mul3A_24, %add3A_23 : vector<10000x16xf32>
    %swap3A = arith.constant 0 : index
    %swap3A_26 = arith.constant 0 : index
    %swap3A_27 = vector.load %arg5[%swap3A, %swap3A_26] : memref<10000x16xf32, #tpu.memory_space<vmem>>, vector<10000x16xf32>
    tpu.vector_store %arg5[%swap3A, %swap3A_26], %mul3A_25 {strides = array<i32>} : memref<10000x16xf32, #tpu.memory_space<vmem>>, vector<10000x16xf32>,
    return
  }
}

module attributes {stable_mosaic.version = 14 : i64} {
  func.func @body(%arg0: memref<2x10000x16xf32, #tpu.memory_space<vmem>>, %arg1: memref<10000x1xf32, #tpu.memory_space<vmem>>, %arg2: memref<10000x16xf32, #tpu.memory_space<vmem>>, %arg3: memref<10000x10xf32, #tpu.memory_space<vmem>>) attributes {dimension_semantics = [], scalar_prefetch = 0 : i64, scratch_operands = 0 : i64, tpu.core_type = #tpu.core_type<tc>} {
    %get3A = arith.constant 0 : index
    %get3A_0 = arith.constant 0 : index
    %get3A_1 = arith.constant 0 : index
    %get3A_2 = vector.load %arg0[%get3A, %get3A_0, %get3A_1] : memref<2x10000x16xf32, #tpu.memory_space<vmem>>, vector<2x10000x16xf32>
    %get3A_3 = arith.constant 0 : index
    %get3A_4 = arith.constant 0 : index
    %get3A_5 = vector.load %arg1[%get3A_3, %get3A_4] : memref<10000x1xf32, #tpu.memory_space<vmem>>, vector<10000x1xf32>
    %slice3A = vector.extract_strided_slice %get3A_2 {offsets = [0, 0, 0], sizes = [1, 10000, 16], strides = [1, 1, 1]} : vector<2x10000x16xf32> to vector<1x10000x16xf32>
    %squeeze3A = vector.shape_cast %slice3A : vector<1x10000x16xf32> to vector<10000x16xf32>
    %slice3A_6 = vector.extract_strided_slice %get3A_2 {offsets = [1, 0, 0], sizes = [1, 10000, 16], strides = [1, 1, 1]} : vector<2x10000x16xf32> to vector<1x10000x16xf32>
    %squeeze3A_7 = vector.shape_cast %slice3A_6 : vector<1x10000x16xf32> to vector<10000x16xf32>
    %add3A = arith.addf %squeeze3A, %squeeze3A_7 : vector<10000x16xf32>
    %get3A_8 = arith.constant 0 : index
    %get3A_9 = arith.constant 0 : index
    %get3A_10 = vector.load %arg2[%get3A_8, %get3A_9] : memref<10000x16xf32, #tpu.memory_space<vmem>>, vector<10000x16xf32>
    %add3A_11 = arith.addf %add3A, %get3A_10 : vector<10000x16xf32>
    %mul3A = vector.broadcast %get3A_5 : vector<10000x1xf32> to vector<10000x16xf32>
    %mul3A_12 = arith.mulf %mul3A, %add3A_11 : vector<10000x16xf32>
    %iota3A = tpu.iota {dimensions = array<i32: 1>} : vector<1x16xi32>
    %lt3A = arith.constant 10 : i32
    %lt3A_13 = vector.broadcast %lt3A : i32 to vector<1x16xi32>
    %lt3A_14 = arith.cmpi slt, %iota3A, %lt3A_13 : vector<1x16xi32>
    %jit3A = arith.constant 0xFF800000 : f32
    %broadcast_in_dim3A = vector.shape_cast %lt3A_14 : vector<1x16xi1> to vector<1x16xi1>
    %broadcast_in_dim3A_15 = vector.broadcast %broadcast_in_dim3A : vector<1x16xi1> to vector<10000x16xi1>
    %broadcast_in_dim3A_16 = vector.broadcast %jit3A : f32 to vector<10000x16xf32>
    %select_n3A = arith.select %broadcast_in_dim3A_15, %mul3A_12, %broadcast_in_dim3A_16 : vector<10000x16xi1>, vector<10000x16xf32>
    %reduce_max3A = arith.constant dense<0xFF800000> : vector<10000xf32>
    %reduce_max3A_17 = vector.multi_reduction <maximumf>, %select_n3A, %reduce_max3A [1] : vector<10000x16xf32> to vector<10000xf32>
    %broadcast_in_dim3A_18 = vector.shape_cast %reduce_max3A_17 : vector<10000xf32> to vector<10000x1xf32>
    %sub3A = vector.broadcast %broadcast_in_dim3A_18 : vector<10000x1xf32> to vector<10000x16xf32>
    %sub3A_19 = arith.subf %mul3A_12, %sub3A : vector<10000x16xf32>
    %exp3A = math.exp %sub3A_19 : vector<10000x16xf32>
    %jit3A_20 = arith.constant 0.000000e+00 : f32
    %broadcast_in_dim3A_21 = vector.shape_cast %lt3A_14 : vector<1x16xi1> to vector<1x16xi1>
    %broadcast_in_dim3A_22 = vector.broadcast %broadcast_in_dim3A_21 : vector<1x16xi1> to vector<10000x16xi1>
    %broadcast_in_dim3A_23 = vector.broadcast %jit3A_20 : f32 to vector<10000x16xf32>
    %select_n3A_24 = arith.select %broadcast_in_dim3A_22, %exp3A, %broadcast_in_dim3A_23 : vector<10000x16xi1>, vector<10000x16xf32>
    %reduce_sum3A = arith.constant dense<0.000000e+00> : vector<10000xf32>
    %reduce_sum3A_25 = vector.multi_reduction <add>, %select_n3A_24, %reduce_sum3A [1] : vector<10000x16xf32> to vector<10000xf32>
    %broadcast_in_dim3A_26 = vector.shape_cast %reduce_sum3A_25 : vector<10000xf32> to vector<10000x1xf32>
    %log3A = math.log %broadcast_in_dim3A_26 : vector<10000x1xf32>
    %add3A_27 = arith.addf %broadcast_in_dim3A_18, %log3A : vector<10000x1xf32>
    %sub3A_28 = vector.broadcast %add3A_27 : vector<10000x1xf32> to vector<10000x16xf32>
    %sub3A_29 = arith.subf %mul3A_12, %sub3A_28 : vector<10000x16xf32>
    %slice3A_30 = vector.extract_strided_slice %sub3A_29 {offsets = [0, 0], sizes = [10000, 10], strides = [1, 1]} : vector<10000x16xf32> to vector<10000x10xf32>
    %swap3A = arith.constant 0 : index
    %swap3A_31 = arith.constant 0 : index
    %swap3A_32 = vector.load %arg3[%swap3A, %swap3A_31] : memref<10000x10xf32, #tpu.memory_space<vmem>>, vector<10000x10xf32>
    tpu.vector_store %arg3[%swap3A, %swap3A_31], %slice3A_30 {strides = array<i32>} : memref<10000x10xf32, #tpu.memory_space<vmem>>, vector<10000x10xf32>,
    return
  }
}

</mosaic_0001>

<sc_bundles>
// kernel: kernel.11.cloned.1.call-start
scs
__scs_entry_jumppad:
0x0: {  	(pc) =	sbr.rel $0x88, $3  }
0x1: {  	(tag) =	ssettag $0x0;
	lr =	simm.s32 $0x1  }
0x2: {  	[smem:$0x3F9B] =	sst lr;
	_ =	strace $0xD0000000  }
0x3: {  	_ = 	snop  }
0x4: {  	_ = 	snop  }
0x5: {  	_ = 	snop  }
0x6: {  	_ = 	snop  }
0x7: {  	_ = 	snop  }
__scs_overlays_trampoline_lowered:
0x8: {  	[smem:$0x3FAA] =	sst s0  }
0x9: {  	[smem:$0x3FAB] =	sst s1  }
0xa: {  	[smem:$0x3FAC] =	sst s2  }
0xb: {  	[smem:$0x3FAD] =	sst s3  }
0xc: {  	[smem:$0x3FAE] =	sst s4  }
0xd: {  	[smem:$0x3FAF] =	sst s5  }
0xe: {  	[smem:$0x3FB0] =	sst s6  }
0xf: {  	[smem:$0x3FB1] =	sst s7  }
0x10: {  	[smem:$0x3FB2] =	sst s8  }
0x11: {  	[smem:$0x3FB3] =	sst s9;
	s0 =	simm.s32 @!p0 $0x0  }
0x12: {  	s1 =	sld [smem:$0x3F99];
	s0 =	simm.s32 @p0 $0x1  }
0x13: {  	[smem:$0x3FB4] =	sst s0;
	s0 =	simm.s32 @!p1 $0x0  }
0x14: {  	s2 =	sld [smem:$0x3F98];
	s0 =	simm.s32 @p1 $0x1  }
0x15: {  	[smem:$0x3FB5] =	sst s0;
	s0 =	simm.s32 @!p2 $0x0  }
0x16: {  	s3 =	sld [smem:$0x3FDB];
	s0 =	simm.s32 @p2 $0x1  }
0x17: {  	s4 =	simm.s32 $0x1BF5;
	[smem:$0x3FB7] =	sst s0  }
0x18: {  	s0 =	sld [smem:$0x3F9A];
	_ =	swait.ge [sflag:s4], $0x0  }
0x19: {  	s7 =	sld [smem:$0x3F9B]  }
0x1a: {  	s8 =	sadd.s32 $0xFFFFE003, lr  }
0x1b: {  	s9 =	sadd.s32 $0xFFFFFEF7, lr;
	s5 =	simm.s32 $0xFFFFFFFF;
	p2 =	slt.u32 s8, $0xFFFFF086  }
0x1c: {  	p1 =	slt.u32 s9, $0xF7A;
	s5 =	simm.s32 @!p2 $0x0  }
0x1d: {  	s5 =	simm.s32 @p1 $0x1;
	p0 =	seq.s32 s7, s2  }
0x1e: {  	s7 =	smul.u32 @!p0 $0xF7A, s2;
	p2 =	seq.s32 @!p0 s5, $0x0  }
0x1f: {  	s9 =	smul.u32 $0xF7A, s1;
	s8 =	simm.s32 @!p0 $0x1BF5;
	p2 =	por !p2, p0  }
0x20: {  	[sflag:s8] =	ssyncset.s32 @!p0 $0xFFFFF086;
	s6 =	sadd.s32 @!p0 s3, s7;
	s7 =	simm.s32 @!p0 $0x108  }
0x21: {  	s3 =	sadd.s32 s3, s9;
	s6 =	sadd.s32 @!p0 $0x88, s6;
	s7 =	simm.s32 @p2 $0x1082  }
0x22: {  	[simem:s7], [sflag:s8] =	dma.local @!p0 [hbm:s6], $0xF7A  }
0x23: {  	s9 =	sor.u32 $0xD0000000, s2;
	s6 =	simm.s32 $0x108;
	_ =	swait.ge @!p0 [sflag:s8], $0x0  }
0x24: {  	s3 =	sadd.s32 $0x88, s3;
	s6 =	simm.s32 @!p1 $0x1082;
	[sflag:s4] =	ssyncset.s32 $0xFFFFF086  }
0x25: {  	[simem:s6], [sflag:s4] =	dma.local [hbm:s3], $0xF7A  }
0x26: {  	[smem:$0x3F9B] =	sst s1;
	(tag) =	ssettag s2;
	_ =	strace s9  }
0x27: {  	s1 =	sld [smem:$0x3FAB]  }
0x28: {  	s2 =	sld [smem:$0x3FAC]  }
0x29: {  	s4 =	sld [smem:$0x3FAE]  }
0x2a: {  	p0 =	seq.s32 s5, $0x0;
	s5 =	sld [smem:$0x3FAF]  }
0x2b: {  	s6 =	sld [smem:$0x3FB0]  }
0x2c: {  	s7 =	sld [smem:$0x3FB1]  }
0x2d: {  	s3 =	simm.s32 $0x108;
	s8 =	sld [smem:$0x3FB2]  }
0x2e: {  	s3 =	simm.s32 @!p0 $0x1082;
	s9 =	sld [smem:$0x3FB3]  }
0x2f: {  	lr =	sadd.s32 s0, s3;
	s0 =	sld [smem:$0x3FAA]  }
0x30: {  	s3 =	sld [smem:$0x3FAD]  }
0x31: {  	[smem:$0x3FB6] =	sst s10  }
0x32: {  	s10 =	sld [smem:$0x3FB4];
	_ =	sdelay $0x3  }
0x33: {  	p0 =	seq.s32 s10, $0x1;
	s10 =	sld [smem:$0x3FB6];
	_ =	sdelay $0x3  }
0x34: {  	[smem:$0x3FB6] =	sst s10  }
0x35: {  	s10 =	sld [smem:$0x3FB5];
	_ =	sdelay $0x3  }
0x36: {  	p1 =	seq.s32 s10, $0x1;
	s10 =	sld [smem:$0x3FB6];
	_ =	sdelay $0x3  }
0x37: {  	[smem:$0x3FB6] =	sst s10  }
0x38: {  	s10 =	sld [smem:$0x3FB7]  }
0x39: {  	_ = 	snop;
	(pc) =	sbr.ind lr, $3  }
0x3a: {  	_ = 	snop  }
0x3b: {  	_ = 	snop  }
0x3c: {  	p2 =	seq.s32 s10, $0x1;
	s10 =	sld [smem:$0x3FB6]  }
0x3d: {  	_ =	shalt  }
0x3e: {  	_ =	shalt  }
0x3f: {  	_ =	shalt  }
0x40: {  	_ =	shalt  }
0x41: {  	_ =	shalt  }
0x42: {  	_ =	shalt  }
0x43: {  	_ =	shalt  }
0x44: {  	_ =	shalt  }
0x45: {  	_ =	shalt  }
0x46: {  	_ =	shalt  }
0x47: {  	_ =	shalt  }
0x48: {  	_ =	shalt  }
0x49: {  	_ =	shalt  }
0x4a: {  	_ =	shalt  }
0x4b: {  	_ =	shalt  }
0x4c: {  	_ =	shalt  }
0x4d: {  	_ =	shalt  }
0x4e: {  	_ =	shalt  }
0x4f: {  	_ =	shalt  }
0x50: {  	_ =	shalt  }
0x51: {  	_ =	shalt  }
0x52: {  	_ =	shalt  }
0x53: {  	_ =	shalt  }
0x54: {  	_ =	shalt  }
0x55: {  	_ =	shalt  }
0x56: {  	_ =	shalt  }
0x57: {  	_ =	shalt  }
0x58: {  	_ =	shalt  }
0x59: {  	_ =	shalt  }
0x5a: {  	_ =	shalt  }
0x5b: {  	_ =	shalt  }
0x5c: {  	_ =	shalt  }
0x5d: {  	_ =	shalt  }
0x5e: {  	_ =	shalt  }
0x5f: {  	_ =	shalt  }
0x60: {  	_ =	shalt  }
0x61: {  	_ =	shalt  }
0x62: {  	_ =	shalt  }
0x63: {  	_ =	shalt  }
0x64: {  	_ =	shalt  }
0x65: {  	_ =	shalt  }
0x66: {  	_ =	shalt  }
0x67: {  	_ =	shalt  }
0x68: {  	_ =	shalt  }
0x69: {  	_ =	shalt  }
0x6a: {  	_ =	shalt  }
0x6b: {  	_ =	shalt  }
0x6c: {  	_ =	shalt  }
0x6d: {  	_ =	shalt  }
0x6e: {  	_ =	shalt  }
0x6f: {  	_ =	shalt  }
0x70: {  	_ =	shalt  }
0x71: {  	_ =	shalt  }
0x72: {  	_ =	shalt  }
0x73: {  	_ =	shalt  }
0x74: {  	_ =	shalt  }
0x75: {  	_ =	shalt  }
0x76: {  	_ =	shalt  }
0x77: {  	_ =	shalt  }
0x78: {  	_ =	shalt  }
0x79: {  	_ =	shalt  }
0x7a: {  	_ =	shalt  }
0x7b: {  	_ =	shalt  }
0x7c: {  	_ =	shalt  }
0x7d: {  	_ =	shalt  }
0x7e: {  	_ =	shalt  }
0x7f: {  	_ =	shalt  }
0x80: {  	_ =	shalt  }
0x81: {  	_ =	shalt  }
0x82: {  	_ =	shalt  }
0x83: {  	_ =	shalt  }
0x84: {  	_ =	shalt  }
0x85: {  	_ =	shalt  }
0x86: {  	_ =	shalt  }
0x87: {  	_ =	shalt  }
.Lfunc_end0:
.L_simem_size_0:
called_computation.1_lowered:
.L_overlay_start_0:
0x88: {  	s2 =	sld [smem:$0x3FD9]  }
0x89: {  	s3 =	sld [smem:$0x3FFE];
	_ =	sdelay $0x1  }
0x8a: {  	s1 =	srdreg.scid  }
0x8b: {  	s0 =	sand.u32 $0x1, s1  }
0x8c: {  	s17 =	sshll.u32 s0, $0xA;
	s2 =	sadd.s32 s3, s2  }
0x8d: {  	s2 =	sadd.s32 s2, s17  }
0x8e: {  	[smem:$0x3FC2] =	sst s2  }
0x8f: {  	_ = 	snop  }
0x90: {  	s2 =	sld [smem:$0x3FD0];
	(tm) =	ssettm $0x1  }
0x91: {  	s18 =	sld [smem:$0x3FFB];
	_ =	sdelay $0x3  }
0x92: {  	_ =	strace s18  }
0x93: {  	s3 =	sld [smem:$0x3FFC];
	_ =	sdelay $0x3  }
0x94: {  	_ =	strace s3  }
0x95: {  	s3 =	sld [smem:$0x3FFD];
	_ =	sdelay $0x3  }
0x96: {  	_ =	strace s3  }
0x97: {  	_ =	strace $0x8FFFFFFF  }
0x98: {  	s19 =	sld [smem:$0x3FDB];
	_ =	sdelay $0x1  }
0x99: {  	s4 =	simm.s32 $_scs_section_size  }
0x9a: {  	s5 =	simm.s32 $_size__tile_overlayer_lowered;
	s6 =	simm.s32 $_tile_overlayer_lowered  }
0x9b: {  	s22 =	simm.s32 $0x1BFF;
	s21 =	sshll.u32 s6, $0x1;
	s3 =	sadd.s32 s4, s19  }
0x9c: {  	s7 =	simm.s32 $0x0;
	s20 =	sshll.u32 s5, $0x1;
	s5 =	sadd.s32 s21, s3  }
0x9d: {  	[timem:s7], [sflag:s22] =	dma.local [hbm:s5], s20  }
0x9e: {  	_ =	swait.ge [sflag:s22], s20  }
0x9f: {  	s4 =	ssub.s32 $0x0, s20;
	[sflag:s22] =	ssyncset.done $0x0  }
0xa0: {  	[sflag:s22] =	ssyncadd.s32 s4;
	_ =	sdelay $0x1  }
0xa1: {  	s23 =	simm.s32 $0x1B8B  }
0xa2: {  	_ =	swait.ge [sflag:s23], $0x1  }
0xa3: {  	[sflag:s23] =	ssyncset.done $0x0  }
0xa4: {  	s25 =	simm.s32 $0x1B8E;
	s24 =	sld [smem:$0x3FFE];
	[sflag:s23] =	ssyncadd.s32 $0xFFFFFFFF  }
0xa5: {  	s26 =	simm.s32 $execute0_lowered;
	[smem:$0x3FD2] =	sst s25  }
0xa6: {  	s5 =	sshll.u32 s26, $0x1;
	_ =	strace $0x80000049;
	[dreg:$0x1] =	wrdreg $0xFFFFFFFF  }
0xa7: {  	s28 =	simm.s32 $_size_execute0_lowered;
	s3 =	sadd.s32 s3, s5;
	[dreg:$0x0] =	wrdreg $0x0  }
0xa8: {  	s5 =	sshll.u32 s28, $0x1;
	[dreg:$0x2] =	wrdreg s3  }
0xa9: {  	[dreg:$0x3] =	wrdreg s5  }
0xaa: {  	[dreg:$0x4] =	wrdreg $0xC0  }
0xab: {  	_ =	task [dreg:s7], $0x5FFFF  }
0xac: {  	[dreg:$0x1] =	wrdreg $0xFFFFFFFF  }
0xad: {  	[dreg:$0x0] =	wrdreg $0x60  }
0xae: {  	[dreg:$0x2] =	wrdreg s2  }
0xaf: {  	[dreg:$0x3] =	wrdreg s24  }
0xb0: {  	[dreg:$0x4] =	wrdreg $0xD0000  }
0xb1: {  	[dreg:$0x5] =	wrdreg $0xF7180  }
0xb2: {  	[dreg:$0x6] =	wrdreg $0x9  }
0xb3: {  	_ =	task.clear_ibuf [dreg:s7], $0x7FFFF;
	_ =	strace $0x90000049  }
0xb4: {  	s29 =	simm.s32 $0x9;
	_ =	strace $0x8000004B  }
0xb5: {  	_ =	swait.ge [sflag:s29], $0x1  }
0xb6: {  	[sflag:s29] =	ssyncadd.s32 $0xFFFFFFFF  }
0xb7: {  	_ =	strace $0x9000004B  }
0xb8: {  	_ =	sfence  }
0xb9: {  	s30 =	sld [smem:$0x0];
	_ =	sdelay $0x2  }
0xba: {  	s31 =	sshll.u32 s1, $0xD;
	s1 =	sshrl.u32 s1, $0x2  }
0xbb: {  	s3 =	sand.u32 $0x4000, s31;
	s1 =	sadd.s32 s1, s30  }
0xbc: {  	s0 =	sor.u32 s3, s0;
	s1 =	sshll.u32 s1, $0x11  }
0xbd: {  	s0 =	sor.u32 s1, s0  }
0xbe: {  	s0 =	sadd.s32 $0x8F2B, s0  }
0xbf: {  	[sflag:s0] =	ssyncadd.remote.s32 $0x1  }
0xc0: {  	_ =	sfence.sel $0xFFFF  }
0xc1: {  	[dreg:$0x0] =	wrdreg $0xFFFFFFFF;
	(pc) =	sbr.abs _section_cstart, $3  }
0xc2: {  	[dreg:$0x1] =	wrdreg $0xFFFFFFFF  }
0xc3: {  	_ =	task.clear_ibuf [dreg:s7], $0x2FFFF;
	_ =	strace $0x9FFFFFFF  }
0xc4: {  	(tm) =	ssettm $0x7FFFFFFF  }
0xc5: {  	_ =	shalt  }
tec
execute0_lowered:
.L_overlay_start_1:
0x0: {  	(tag) =	ssettag $0x1  }
0x1: {  	s0 =	rddreg [dreg:$0x0]  }
0x2: {  	s1 =	rddreg [dreg:$0x1];
	s3 =	srdreg.scid  }
0x3: {  	s12 =	stileid.u32;
	s2 =	rddreg [dreg:$0x2]  }
0x4: {  	s6 =	simm.s32 $0x0;
	s28 =	simm.s32 $0x6800;
	s29 =	simm.s32 $0x7000  }
0x5: {  	s30 =	simm.s32 $0x7800;
	s31 =	simm.s32 $0x8000;
	s15 =	simm.s32 $0x4  }
0x6: {  	s13 =	simm.s32 $0xE;
	s14 =	simm.s32 $0xF;
	s18 =	simm.s32 $0x10  }
0x7: {  	s4 =	sand.u32 $0x1, s3;
	s5 =	sshll.u32 s12, $0x1;
	s3 =	rddreg [dreg:$0x3]  }
0x8: {  	[smem:$0x7FF] =	sst s6;
	s20 =	smul.u32 $0x2700, s12;
	s11 =	sadd.s32 $0x1AC00, s1  }
0x9: {  	s5 =	sor.u32 s4, s5;
	s7 =	ssub.s32 $0x2, s4;
	s4 =	smul.u32 $0x27100, s4  }
0xa: {  	p0 =	seq.s32 s12, $0xF;
	_ =	strace $0x8000004A;
	s5 =	smul.u32 $0x500, s5  }
0xb: {  	s8 =	sshrl.u32 s20, $0x3;
	s9 =	sshrl.u32 s7, $0x1;
	s22 =	sadd.s32 s20, s2  }
0xc: {  	s10 =	sadd.s32 s8, s1;
	s7 =	ssub.s32 s7, s9;
	[dreg:$0x7] =	wrdreg s22  }
0xd: {  	s8 =	sadd.s32 s0, s8;
	s6 =	sadd.s32 s20, s4;
	s4 =	sshrl.u32 s4, $0x3  }
0xe: {  	s0 =	sadd.s32 $0x4920, s0;
	s22 =	simm.s32 $0x2;
	s9 =	simm.s32 $0xA  }
0xf: {  	s5 =	sadd.s32 s5, s1;
	s23 =	sadd.s32 $0x15C00, s10;
	[dreg:$0x9] =	wrdreg s8  }
0x10: {  	s8 =	sadd.s32 $0x24900, s2;
	s1 =	sadd.s32 $0x1A520, s1;
	[dreg:$0xb] =	wrdreg s0  }
0x11: {  	s24 =	sshrl.u32 s6, $0x3;
	s4 =	sadd.s32 s11, s4;
	s26 =	smax.u32 s7, $0x1  }
0x12: {  	s6 =	simm.s32 $0x7;
	s7 =	simm.s32 $0x8;
	s10 =	simm.s32 $0xB  }
0x13: {  	s21 =	sadd.s32 $0xBC00, s5;
	s5 =	sadd.s32 $0x1600, s5;
	[dreg:$0x8] =	wrdreg s23  }
0x14: {  	[dreg:$0xa] =	wrdreg s1;
	s1 =	sadd.s32 $0x24900, s3;
	s0 =	sadd.s32 s11, s24  }
0x15: {  	s25 =	sadd.s32 $0x4920, s4;
	[dreg:$0xe] =	wrdreg s26;
	s4 =	sshll.u32 @!p0 s12, $0x6  }
0x16: {  	s19 =	sshrl.u32 @p0 s8, $0x3;
	s23 =	simm.s32 $0x80;
	[dreg:$0x5] =	wrdreg s21  }
0x17: {  	s24 =	simm.s32 $0x5000;
	s26 =	simm.s32 $0x6000;
	[dreg:$0x6] =	wrdreg s5  }
0x18: {  	s8 =	simm.s32 $0x9;
	s11 =	simm.s32 $0xC;
	[dreg:$0xc] =	wrdreg s0  }
0x19: {  	s12 =	simm.s32 $0xD;
	s5 =	sadd.s32 s20, s3;
	[dreg:$0xd] =	wrdreg s25  }
0x1a: {  	s0 =	sshrl.u32 @p0 s1, $0x3;
	[dreg:$0xf] =	wrdreg s4;
	s21 =	simm.s32 $0x1  }
0x1b: {  	s25 =	simm.s32 $0x5800;
	s1 =	simm.s32 $0x8800;
	[dreg:$0x10] =	wrdreg s19  }
0x1c: {  	s20 =	simm.s32 $0x0;
	[dreg:$0x11] =	wrdreg s0;
	s0 =	sor.u32 @!p0 $0x1C03, s4  }
0x1d: {  	s4 =	simm.s32 $0x5;
	[dreg:$0x12] =	wrdreg s0;
	s0 =	sshrl.u32 @!p0 s5, $0x3  }
0x1e: {  	s5 =	simm.s32 $0x6;
	[dreg:$0x13] =	wrdreg s0;
	s0 =	simm.s32 $0x3  }
.LBB2_1:
0x1f: {  	[dreg:$0x14] =	wrdreg s20  }
0x20: {  	s16 =	simm.s32 $0x0;
	s17 =	rddreg [dreg:$0x5]  }
0x21: {  	[tilespmem:s16], [sflag:$0x1] =	stream.linear.gather [hbm4b:s17+s16], $0x2800, $0x38;
	[tilespmem:$0x11E28] =	vst v63  }
0x22: {  	s20 =	smov.u32 s19;
	s19 =	simm.s32 $0x2800;
	s17 =	rddreg [dreg:$0x6]  }
0x23: {  	[tilespmem:s19], [sflag:$0x2] =	stream.linear.gather [hbm4b:s17+s16], $0x2800, $0x38;
	[tilespmem:$0x11E28] =	vst v63  }
0x24: {  	s16 =	simm.s32 @p0 $0x1FC3;
	s17 =	rddreg [dreg:$0xa]  }
0x25: {  	[spmem:s20], [sflag:s16] =	dma.local @p0 [hbm:s17], $0x510  }
0x26: {  	s17 =	rddreg [dreg:$0xb]  }
0x27: {  	s16 =	simm.s32 @p0 $0x1FC4;
	s19 =	rddreg [dreg:$0x11]  }
0x28: {  	[spmem:s19], [sflag:s16] =	dma.local @p0 [hbm:s17], $0x500  }
0x29: {  	s16 =	simm.s32 @p0 $0x3  }
0x2a: {  	_ =	swait.ge @p0 [sflag:s16], $0x510  }
0x2b: {  	[sflag:s16] =	ssyncset.done @p0 $0x0  }
0x2c: {  	[sflag:s16] =	ssyncadd.s32 @p0 $0xFFFFFAF0;
	s16 =	simm.s32 @p0 $0x4  }
0x2d: {  	_ =	swait.ge @p0 [sflag:s16], $0x500  }
0x2e: {  	[sflag:s16] =	ssyncset.done @p0 $0x0;
	s17 =	rddreg [dreg:$0x12]  }
0x2f: {  	[sflag:s16] =	ssyncadd.s32 @p0 $0xFFFFFB00;
	s16 =	rddreg [dreg:$0x7]  }
0x30: {  	s19 =	sshrl.u32 @!p0 s16, $0x3;
	s16 =	rddreg [dreg:$0x8]  }
0x31: {  	[dreg:$0x15] =	wrdreg s19  }
0x32: {  	[spmem:s19], [sflag:s17] =	dma.local @!p0 [hbm:s16], $0x4E0  }
0x33: {  	s16 =	rddreg [dreg:$0xf]  }
0x34: {  	s17 =	rddreg [dreg:$0x9]  }
0x35: {  	s19 =	rddreg [dreg:$0x13];
	s16 =	sor.u32 @!p0 $0x1C04, s16  }
0x36: {  	[spmem:s19], [sflag:s16] =	dma.local @!p0 [hbm:s17], $0x4E0  }
0x37: {  	s16 =	simm.s32 @!p0 $0x3  }
0x38: {  	_ =	swait.ge @!p0 [sflag:s16], $0x4E0  }
0x39: {  	[sflag:s16] =	ssyncset.done @!p0 $0x0  }
0x3a: {  	[sflag:s16] =	ssyncadd.s32 @!p0 $0xFFFFFB20;
	s16 =	simm.s32 @!p0 $0x4  }
0x3b: {  	_ =	swait.ge @!p0 [sflag:s16], $0x4E0  }
0x3c: {  	[sflag:s16] =	ssyncset.done @!p0 $0x0  }
0x3d: {  	[sflag:s16] =	ssyncadd.s32 @!p0 $0xFFFFFB20  }
0x3e: {  	_ =	swait.ge [sflag:s21], $0x2800  }
0x3f: {  	[sflag:s21] =	ssyncset.done $0x0  }
0x40: {  	[sflag:s21] =	ssyncadd.s32 $0xFFFFD800  }
0x41: {  	_ =	swait.ge [sflag:s22], $0x2800  }
0x42: {  	[sflag:s22] =	ssyncset.done $0x0  }
0x43: {  	[sflag:s22] =	ssyncadd.s32 $0xFFFFD800  }
0x44: {  	s20 =	simm.s32 $0x0;
	[bflag:$0x0] =	sbarrier.arrive $0xFFFF  }
0x45: {  	[tilespmem:s24], [sflag:$0x1] =	stream.indirect.gather [spmem:s3], $0x10, s20, s23, $0xb8;
	[tilespmem:$0x11E28] =	vst v63  }
0x46: {  	s17 =	simm.s32 $0x80  }
0x47: {  	[tilespmem:s25], [sflag:$0x2] =	stream.indirect.gather [spmem:s3], $0x10, s17, s23, $0xb8;
	[tilespmem:$0x11E28] =	vst v63  }
0x48: {  	s19 =	simm.s32 $0x100  }
0x49: {  	[tilespmem:s26], [sflag:$0x3] =	stream.indirect.gather [spmem:s3], $0x10, s19, s23, $0xb8;
	[tilespmem:$0x11E28] =	vst v63  }
0x4a: {  	s20 =	simm.s32 $0x180  }
0x4b: {  	[tilespmem:s28], [sflag:$0x4] =	stream.indirect.gather [spmem:s3], $0x10, s20, s23, $0xb8;
	[tilespmem:$0x11E28] =	vst v63  }
0x4c: {  	s17 =	simm.s32 $0x200  }
0x4d: {  	[tilespmem:s29], [sflag:$0x5] =	stream.indirect.gather [spmem:s3], $0x10, s17, s23, $0xb8;
	[tilespmem:$0x11E28] =	vst v63  }
0x4e: {  	s19 =	simm.s32 $0x280  }
0x4f: {  	[tilespmem:s30], [sflag:$0x6] =	stream.indirect.gather [spmem:s3], $0x10, s19, s23, $0xb8;
	[tilespmem:$0x11E28] =	vst v63  }
0x50: {  	s20 =	simm.s32 $0x300  }
0x51: {  	[tilespmem:s31], [sflag:$0x7] =	stream.indirect.gather [spmem:s3], $0x10, s20, s23, $0xb8;
	[tilespmem:$0x11E28] =	vst v63  }
0x52: {  	s17 =	simm.s32 $0x380  }
0x53: {  	[tilespmem:s1], [sflag:$0x8] =	stream.indirect.gather [spmem:s3], $0x10, s17, s23, $0xb8;
	[tilespmem:$0x11E28] =	vst v63  }
0x54: {  	_ =	swait.ge [sflag:s21], $0x800  }
0x55: {  	[sflag:s21] =	ssyncset.done $0x0  }
0x56: {  	s19 =	simm.s32 $0x2800;
	[sflag:s21] =	ssyncadd.s32 $0xFFFFF800  }
0x57: {  	[spmem:s2] =	stream.indirect.scatter.add.f32 [tilespmem:s24], [sflag:$0x9], $0x10, s19, s23, $0xb8;
	[tilespmem:$0x11E28] =	vst v63  }
0x58: {  	_ =	swait.ge [sflag:s22], $0x800  }
0x59: {  	[sflag:s22] =	ssyncset.done $0x0  }
0x5a: {  	s20 =	simm.s32 $0x2880;
	[sflag:s22] =	ssyncadd.s32 $0xFFFFF800  }
0x5b: {  	[spmem:s2] =	stream.indirect.scatter.add.f32 [tilespmem:s25], [sflag:$0xA], $0x10, s20, s23, $0xb8;
	[tilespmem:$0x11E28] =	vst v63  }
0x5c: {  	_ =	swait.ge [sflag:s0], $0x800  }
0x5d: {  	[sflag:s0] =	ssyncset.done $0x0  }
0x5e: {  	s17 =	simm.s32 $0x2900;
	[sflag:s0] =	ssyncadd.s32 $0xFFFFF800  }
0x5f: {  	[spmem:s2] =	stream.indirect.scatter.add.f32 [tilespmem:s26], [sflag:$0xB], $0x10, s17, s23, $0xb8;
	[tilespmem:$0x11E28] =	vst v63  }
0x60: {  	_ =	swait.ge [sflag:s15], $0x800  }
0x61: {  	[sflag:s15] =	ssyncset.done $0x0  }
0x62: {  	s19 =	simm.s32 $0x2980;
	[sflag:s15] =	ssyncadd.s32 $0xFFFFF800  }
0x63: {  	[spmem:s2] =	stream.indirect.scatter.add.f32 [tilespmem:s28], [sflag:$0xC], $0x10, s19, s23, $0xb8;
	[tilespmem:$0x11E28] =	vst v63  }
0x64: {  	_ =	swait.ge [sflag:s4], $0x800  }
0x65: {  	[sflag:s4] =	ssyncset.done $0x0  }
0x66: {  	s20 =	simm.s32 $0x2A00;
	[sflag:s4] =	ssyncadd.s32 $0xFFFFF800  }
0x67: {  	[spmem:s2] =	stream.indirect.scatter.add.f32 [tilespmem:s29], [sflag:$0xD], $0x10, s20, s23, $0xb8;
	[tilespmem:$0x11E28] =	vst v63  }
0x68: {  	_ =	swait.ge [sflag:s5], $0x800  }
0x69: {  	[sflag:s5] =	ssyncset.done $0x0  }
0x6a: {  	s17 =	simm.s32 $0x2A80;
	[sflag:s5] =	ssyncadd.s32 $0xFFFFF800  }
0x6b: {  	[spmem:s2] =	stream.indirect.scatter.add.f32 [tilespmem:s30], [sflag:$0xE], $0x10, s17, s23, $0xb8;
	[tilespmem:$0x11E28] =	vst v63  }
0x6c: {  	_ =	swait.ge [sflag:s6], $0x800  }
0x6d: {  	[sflag:s6] =	ssyncset.done $0x0  }
0x6e: {  	s19 =	simm.s32 $0x2B00;
	[sflag:s6] =	ssyncadd.s32 $0xFFFFF800  }
0x6f: {  	[spmem:s2] =	stream.indirect.scatter.add.f32 [tilespmem:s31], [sflag:$0xF], $0x10, s19, s23, $0xb8;
	[tilespmem:$0x11E28] =	vst v63  }
0x70: {  	_ =	swait.ge [sflag:s7], $0x800  }
0x71: {  	[sflag:s7] =	ssyncset.done $0x0  }
0x72: {  	s20 =	simm.s32 $0x2B80;
	[sflag:s7] =	ssyncadd.s32 $0xFFFFF800  }
0x73: {  	[spmem:s2] =	stream.indirect.scatter.add.f32 [tilespmem:s1], [sflag:$0x10], $0x10, s20, s23, $0xb8;
	[tilespmem:$0x11E28] =	vst v63  }
0x74: {  	_ =	swait.ge [sflag:s8], $0x800  }
0x75: {  	[sflag:s8] =	ssyncset.done $0x0  }
0x76: {  	[sflag:s8] =	ssyncadd.s32 $0xFFFFF800  }
0x77: {  	_ =	swait.ge [sflag:s9], $0x800  }
0x78: {  	[sflag:s9] =	ssyncset.done $0x0  }
0x79: {  	[sflag:s9] =	ssyncadd.s32 $0xFFFFF800  }
0x7a: {  	_ =	swait.ge [sflag:s10], $0x800  }
0x7b: {  	[sflag:s10] =	ssyncset.done $0x0  }
0x7c: {  	[sflag:s10] =	ssyncadd.s32 $0xFFFFF800  }
0x7d: {  	_ =	swait.ge [sflag:s11], $0x800  }
0x7e: {  	[sflag:s11] =	ssyncset.done $0x0  }
0x7f: {  	[sflag:s11] =	ssyncadd.s32 $0xFFFFF800  }
0x80: {  	_ =	swait.ge [sflag:s12], $0x800  }
0x81: {  	[sflag:s12] =	ssyncset.done $0x0  }
0x82: {  	[sflag:s12] =	ssyncadd.s32 $0xFFFFF800  }
0x83: {  	_ =	swait.ge [sflag:s13], $0x800  }
0x84: {  	[sflag:s13] =	ssyncset.done $0x0  }
0x85: {  	[sflag:s13] =	ssyncadd.s32 $0xFFFFF800  }
0x86: {  	_ =	swait.ge [sflag:s14], $0x800  }
0x87: {  	[sflag:s14] =	ssyncset.done $0x0  }
0x88: {  	[sflag:s14] =	ssyncadd.s32 $0xFFFFF800  }
0x89: {  	_ =	swait.ge [sflag:s18], $0x800  }
0x8a: {  	s16 =	simm.s32 $0x2000;
	s17 =	simm.s32 $0x1000;
	[sflag:s18] =	ssyncset.done $0x0  }
.LBB2_2:
0x8b: {  	s20 =	sshra.s32 s17, $0x2  }
0x8c: {  	[sflag:s18] =	ssyncadd.s32 $0xFFFFF800;
	s17 =	smov.u32 s16;
	s19 =	sadd.s32 $0x1000, s16  }
0x8d: {  	[tilespmem:s24], [sflag:$0x1] =	stream.indirect.gather [spmem:s3], $0x10, s20, s23, $0xb8;
	[tilespmem:$0x11E28] =	vst v63  }
0x8e: {  	p1 =	sne.s32 s16, $0x9000;
	s16 =	sadd.s32 $0x80, s20  }
0x8f: {  	[tilespmem:s25], [sflag:$0x2] =	stream.indirect.gather [spmem:s3], $0x10, s16, s23, $0xb8;
	[tilespmem:$0x11E28] =	vst v63  }
0x90: {  	s16 =	sadd.s32 $0x100, s20  }
0x91: {  	[tilespmem:s26], [sflag:$0x3] =	stream.indirect.gather [spmem:s3], $0x10, s16, s23, $0xb8;
	[tilespmem:$0x11E28] =	vst v63  }
0x92: {  	s16 =	sadd.s32 $0x180, s20  }
0x93: {  	[tilespmem:s28], [sflag:$0x4] =	stream.indirect.gather [spmem:s3], $0x10, s16, s23, $0xb8;
	[tilespmem:$0x11E28] =	vst v63  }
0x94: {  	s16 =	sadd.s32 $0x200, s20  }
0x95: {  	[tilespmem:s29], [sflag:$0x5] =	stream.indirect.gather [spmem:s3], $0x10, s16, s23, $0xb8;
	[tilespmem:$0x11E28] =	vst v63  }
0x96: {  	s16 =	sadd.s32 $0x280, s20  }
0x97: {  	[tilespmem:s30], [sflag:$0x6] =	stream.indirect.gather [spmem:s3], $0x10, s16, s23, $0xb8;
	[tilespmem:$0x11E28] =	vst v63  }
0x98: {  	s16 =	sadd.s32 $0x300, s20  }
0x99: {  	[tilespmem:s31], [sflag:$0x7] =	stream.indirect.gather [spmem:s3], $0x10, s16, s23, $0xb8;
	[tilespmem:$0x11E28] =	vst v63  }
0x9a: {  	s16 =	sadd.s32 $0x380, s20  }
0x9b: {  	[tilespmem:s1], [sflag:$0x8] =	stream.indirect.gather [spmem:s3], $0x10, s16, s23, $0xb8;
	[tilespmem:$0x11E28] =	vst v63  }
0x9c: {  	_ =	swait.ge [sflag:s21], $0x800  }
0x9d: {  	[sflag:s21] =	ssyncset.done $0x0  }
0x9e: {  	s16 =	sadd.s32 $0x2800, s20;
	[sflag:s21] =	ssyncadd.s32 $0xFFFFF800  }
0x9f: {  	[spmem:s2] =	stream.indirect.scatter.add.f32 [tilespmem:s24], [sflag:$0x9], $0x10, s16, s23, $0xb8;
	[tilespmem:$0x11E28] =	vst v63  }
0xa0: {  	_ =	swait.ge [sflag:s22], $0x800  }
0xa1: {  	[sflag:s22] =	ssyncset.done $0x0  }
0xa2: {  	s16 =	sadd.s32 $0x2880, s20;
	[sflag:s22] =	ssyncadd.s32 $0xFFFFF800  }
0xa3: {  	[spmem:s2] =	stream.indirect.scatter.add.f32 [tilespmem:s25], [sflag:$0xA], $0x10, s16, s23, $0xb8;
	[tilespmem:$0x11E28] =	vst v63  }
0xa4: {  	_ =	swait.ge [sflag:s0], $0x800  }
0xa5: {  	[sflag:s0] =	ssyncset.done $0x0  }
0xa6: {  	s16 =	sadd.s32 $0x2900, s20;
	[sflag:s0] =	ssyncadd.s32 $0xFFFFF800  }
0xa7: {  	[spmem:s2] =	stream.indirect.scatter.add.f32 [tilespmem:s26], [sflag:$0xB], $0x10, s16, s23, $0xb8;
	[tilespmem:$0x11E28] =	vst v63  }
0xa8: {  	_ =	swait.ge [sflag:s15], $0x800  }
0xa9: {  	[sflag:s15] =	ssyncset.done $0x0  }
0xaa: {  	s16 =	sadd.s32 $0x2980, s20;
	[sflag:s15] =	ssyncadd.s32 $0xFFFFF800  }
0xab: {  	[spmem:s2] =	stream.indirect.scatter.add.f32 [tilespmem:s28], [sflag:$0xC], $0x10, s16, s23, $0xb8;
	[tilespmem:$0x11E28] =	vst v63  }
0xac: {  	_ =	swait.ge [sflag:s4], $0x800  }
0xad: {  	[sflag:s4] =	ssyncset.done $0x0  }
0xae: {  	s16 =	sadd.s32 $0x2A00, s20;
	[sflag:s4] =	ssyncadd.s32 $0xFFFFF800  }
0xaf: {  	[spmem:s2] =	stream.indirect.scatter.add.f32 [tilespmem:s29], [sflag:$0xD], $0x10, s16, s23, $0xb8;
	[tilespmem:$0x11E28] =	vst v63  }
0xb0: {  	_ =	swait.ge [sflag:s5], $0x800  }
0xb1: {  	[sflag:s5] =	ssyncset.done $0x0  }
0xb2: {  	s16 =	sadd.s32 $0x2A80, s20;
	[sflag:s5] =	ssyncadd.s32 $0xFFFFF800  }
0xb3: {  	[spmem:s2] =	stream.indirect.scatter.add.f32 [tilespmem:s30], [sflag:$0xE], $0x10, s16, s23, $0xb8;
	[tilespmem:$0x11E28] =	vst v63  }
0xb4: {  	_ =	swait.ge [sflag:s6], $0x800  }
0xb5: {  	[sflag:s6] =	ssyncset.done $0x0  }
0xb6: {  	s16 =	sadd.s32 $0x2B00, s20;
	[sflag:s6] =	ssyncadd.s32 $0xFFFFF800  }
0xb7: {  	[spmem:s2] =	stream.indirect.scatter.add.f32 [tilespmem:s31], [sflag:$0xF], $0x10, s16, s23, $0xb8;
	[tilespmem:$0x11E28] =	vst v63  }
0xb8: {  	_ =	swait.ge [sflag:s7], $0x800  }
0xb9: {  	[sflag:s7] =	ssyncset.done $0x0  }
0xba: {  	s16 =	sadd.s32 $0x2B80, s20;
	[sflag:s7] =	ssyncadd.s32 $0xFFFFF800  }
0xbb: {  	[spmem:s2] =	stream.indirect.scatter.add.f32 [tilespmem:s1], [sflag:$0x10], $0x10, s16, s23, $0xb8;
	[tilespmem:$0x11E28] =	vst v63  }
0xbc: {  	_ =	swait.ge [sflag:s8], $0x800  }
0xbd: {  	[sflag:s8] =	ssyncset.done $0x0  }
0xbe: {  	[sflag:s8] =	ssyncadd.s32 $0xFFFFF800  }
0xbf: {  	_ =	swait.ge [sflag:s9], $0x800  }
0xc0: {  	[sflag:s9] =	ssyncset.done $0x0  }
0xc1: {  	[sflag:s9] =	ssyncadd.s32 $0xFFFFF800  }
0xc2: {  	_ =	swait.ge [sflag:s10], $0x800  }
0xc3: {  	[sflag:s10] =	ssyncset.done $0x0  }
0xc4: {  	[sflag:s10] =	ssyncadd.s32 $0xFFFFF800  }
0xc5: {  	_ =	swait.ge [sflag:s11], $0x800  }
0xc6: {  	[sflag:s11] =	ssyncset.done $0x0  }
0xc7: {  	[sflag:s11] =	ssyncadd.s32 $0xFFFFF800  }
0xc8: {  	_ =	swait.ge [sflag:s12], $0x800  }
0xc9: {  	[sflag:s12] =	ssyncset.done $0x0  }
0xca: {  	[sflag:s12] =	ssyncadd.s32 $0xFFFFF800  }
0xcb: {  	_ =	swait.ge [sflag:s13], $0x800  }
0xcc: {  	[sflag:s13] =	ssyncset.done $0x0  }
0xcd: {  	[sflag:s13] =	ssyncadd.s32 $0xFFFFF800  }
.Ltmp0:
0xce: {  	_ =	swait.ge [sflag:s14], $0x800;
	(pc) =	sbr.rel @p1 .LBB2_2-.Ltmp0, $4  }
0xcf: {  	[sflag:s14] =	ssyncset.done $0x0  }
0xd0: {  	[sflag:s14] =	ssyncadd.s32 $0xFFFFF800  }
0xd1: {  	_ =	swait.ge [sflag:s18], $0x800  }
0xd2: {  	s16 =	smov.u32 s19;
	[sflag:s18] =	ssyncset.done $0x0  }
0xd3: {  	s16 =	sshra.s32 s17, $0x2;
	[sflag:s18] =	ssyncadd.s32 $0xFFFFF800  }
0xd4: {  	[tilespmem:s24], [sflag:$0x1] =	stream.indirect.gather [spmem:s3], $0x10, s16, s23, $0xb8;
	[tilespmem:$0x11E28] =	vst v63  }
0xd5: {  	s17 =	sadd.s32 $0x80, s16  }
0xd6: {  	[tilespmem:s25], [sflag:$0x2] =	stream.indirect.gather [spmem:s3], $0x10, s17, s23, $0xb8;
	[tilespmem:$0x11E28] =	vst v63  }
0xd7: {  	s20 =	sadd.s32 $0x100, s16  }
0xd8: {  	[tilespmem:s26], [sflag:$0x3] =	stream.indirect.gather [spmem:s3], $0x10, s20, s23, $0xb8;
	[tilespmem:$0x11E28] =	vst v63  }
0xd9: {  	s19 =	sadd.s32 $0x180, s16  }
0xda: {  	[tilespmem:s28], [sflag:$0x4] =	stream.indirect.gather [spmem:s3], $0x10, s19, s23, $0xb8;
	[tilespmem:$0x11E28] =	vst v63  }
0xdb: {  	s20 =	sadd.s32 $0x200, s16  }
0xdc: {  	[tilespmem:s29], [sflag:$0x5] =	stream.indirect.gather [spmem:s3], $0x10, s20, s23, $0xb8;
	[tilespmem:$0x11E28] =	vst v63  }
0xdd: {  	s19 =	sadd.s32 $0x280, s16  }
0xde: {  	[tilespmem:s30], [sflag:$0x6] =	stream.indirect.gather [spmem:s3], $0x10, s19, s23, $0xb8;
	[tilespmem:$0x11E28] =	vst v63  }
0xdf: {  	s20 =	sadd.s32 $0x300, s16  }
0xe0: {  	[tilespmem:s31], [sflag:$0x7] =	stream.indirect.gather [spmem:s3], $0x10, s20, s23, $0xb8;
	[tilespmem:$0x11E28] =	vst v63  }
0xe1: {  	s19 =	sadd.s32 $0x380, s16  }
0xe2: {  	[tilespmem:s1], [sflag:$0x8] =	stream.indirect.gather [spmem:s3], $0x10, s19, s23, $0xb8;
	[tilespmem:$0x11E28] =	vst v63  }
0xe3: {  	_ =	swait.ge [sflag:s21], $0x800  }
0xe4: {  	[sflag:s21] =	ssyncset.done $0x0  }
0xe5: {  	s20 =	sadd.s32 $0x2800, s16;
	[sflag:s21] =	ssyncadd.s32 $0xFFFFF800  }
0xe6: {  	[spmem:s2] =	stream.indirect.scatter.add.f32 [tilespmem:s24], [sflag:$0x9], $0x10, s20, s23, $0xb8;
	[tilespmem:$0x11E28] =	vst v63  }
0xe7: {  	_ =	swait.ge [sflag:s22], $0x800  }
0xe8: {  	[sflag:s22] =	ssyncset.done $0x0  }
0xe9: {  	s19 =	sadd.s32 $0x2880, s16;
	[sflag:s22] =	ssyncadd.s32 $0xFFFFF800  }
0xea: {  	[spmem:s2] =	stream.indirect.scatter.add.f32 [tilespmem:s25], [sflag:$0xA], $0x10, s19, s23, $0xb8;
	[tilespmem:$0x11E28] =	vst v63  }
0xeb: {  	_ =	swait.ge [sflag:s0], $0x800  }
0xec: {  	[sflag:s0] =	ssyncset.done $0x0  }
0xed: {  	s20 =	sadd.s32 $0x2900, s16;
	[sflag:s0] =	ssyncadd.s32 $0xFFFFF800  }
0xee: {  	[spmem:s2] =	stream.indirect.scatter.add.f32 [tilespmem:s26], [sflag:$0xB], $0x10, s20, s23, $0xb8;
	[tilespmem:$0x11E28] =	vst v63  }
0xef: {  	_ =	swait.ge [sflag:s15], $0x800  }
0xf0: {  	[sflag:s15] =	ssyncset.done $0x0  }
0xf1: {  	s19 =	sadd.s32 $0x2980, s16;
	[sflag:s15] =	ssyncadd.s32 $0xFFFFF800  }
0xf2: {  	[spmem:s2] =	stream.indirect.scatter.add.f32 [tilespmem:s28], [sflag:$0xC], $0x10, s19, s23, $0xb8;
	[tilespmem:$0x11E28] =	vst v63  }
0xf3: {  	_ =	swait.ge [sflag:s4], $0x800  }
0xf4: {  	[sflag:s4] =	ssyncset.done $0x0  }
0xf5: {  	s20 =	sadd.s32 $0x2A00, s16;
	[sflag:s4] =	ssyncadd.s32 $0xFFFFF800  }
0xf6: {  	[spmem:s2] =	stream.indirect.scatter.add.f32 [tilespmem:s29], [sflag:$0xD], $0x10, s20, s23, $0xb8;
	[tilespmem:$0x11E28] =	vst v63  }
0xf7: {  	_ =	swait.ge [sflag:s5], $0x800  }
0xf8: {  	[sflag:s5] =	ssyncset.done $0x0  }
0xf9: {  	s19 =	sadd.s32 $0x2A80, s16;
	[sflag:s5] =	ssyncadd.s32 $0xFFFFF800  }
0xfa: {  	[spmem:s2] =	stream.indirect.scatter.add.f32 [tilespmem:s30], [sflag:$0xE], $0x10, s19, s23, $0xb8;
	[tilespmem:$0x11E28] =	vst v63  }
0xfb: {  	_ =	swait.ge [sflag:s6], $0x800  }
0xfc: {  	[sflag:s6] =	ssyncset.done $0x0  }
0xfd: {  	s20 =	sadd.s32 $0x2B00, s16;
	[sflag:s6] =	ssyncadd.s32 $0xFFFFF800  }
0xfe: {  	[spmem:s2] =	stream.indirect.scatter.add.f32 [tilespmem:s31], [sflag:$0xF], $0x10, s20, s23, $0xb8;
	[tilespmem:$0x11E28] =	vst v63  }
0xff: {  	_ =	swait.ge [sflag:s7], $0x800  }
0x100: {  	[sflag:s7] =	ssyncset.done $0x0  }
0x101: {  	s16 =	sadd.s32 $0x2B80, s16;
	[sflag:s7] =	ssyncadd.s32 $0xFFFFF800  }
0x102: {  	[spmem:s2] =	stream.indirect.scatter.add.f32 [tilespmem:s1], [sflag:$0x10], $0x10, s16, s23, $0xb8;
	[tilespmem:$0x11E28] =	vst v63  }
0x103: {  	_ =	swait.ge [sflag:s8], $0x800  }
0x104: {  	[sflag:s8] =	ssyncset.done $0x0  }
0x105: {  	[sflag:s8] =	ssyncadd.s32 $0xFFFFF800  }
0x106: {  	_ =	swait.ge [sflag:s9], $0x800  }
0x107: {  	[sflag:s9] =	ssyncset.done $0x0  }
0x108: {  	[sflag:s9] =	ssyncadd.s32 $0xFFFFF800  }
0x109: {  	_ =	swait.ge [sflag:s10], $0x800  }
0x10a: {  	[sflag:s10] =	ssyncset.done $0x0  }
0x10b: {  	[sflag:s10] =	ssyncadd.s32 $0xFFFFF800  }
0x10c: {  	_ =	swait.ge [sflag:s11], $0x800  }
0x10d: {  	[sflag:s11] =	ssyncset.done $0x0  }
0x10e: {  	[sflag:s11] =	ssyncadd.s32 $0xFFFFF800  }
0x10f: {  	_ =	swait.ge [sflag:s12], $0x800  }
0x110: {  	[sflag:s12] =	ssyncset.done $0x0  }
0x111: {  	[sflag:s12] =	ssyncadd.s32 $0xFFFFF800  }
0x112: {  	_ =	swait.ge [sflag:s13], $0x800  }
0x113: {  	[sflag:s13] =	ssyncset.done $0x0  }
0x114: {  	[sflag:s13] =	ssyncadd.s32 $0xFFFFF800  }
0x115: {  	_ =	swait.ge [sflag:s14], $0x800  }
0x116: {  	[sflag:s14] =	ssyncset.done $0x0  }
0x117: {  	[sflag:s14] =	ssyncadd.s32 $0xFFFFF800  }
0x118: {  	_ =	swait.ge [sflag:s18], $0x800  }
0x119: {  	[sflag:s18] =	ssyncset.done $0x0  }
0x11a: {  	[sflag:s18] =	ssyncadd.s32 $0xFFFFF800  }
0x11b: {  	[bflag:$0x0] =	sbarrier.arrive $0xFFFF  }
0x11c: {  	s17 =	rddreg [dreg:$0xd]  }
0x11d: {  	s16 =	simm.s32 @p0 $0x1FD1;
	s19 =	rddreg [dreg:$0x10]  }
0x11e: {  	[hbm:s17], [sflag:s16] =	dma.local @p0 [spmem:s19], $0x500  }
0x11f: {  	s16 =	simm.s32 @p0 $0x11  }
0x120: {  	_ =	swait.ge @p0 [sflag:s16], $0x500  }
0x121: {  	[sflag:s16] =	ssyncset.done @p0 $0x0;
	s17 =	rddreg [dreg:$0xc]  }
0x122: {  	[sflag:s16] =	ssyncadd.s32 @p0 $0xFFFFFB00;
	s16 =	rddreg [dreg:$0xf]  }
0x123: {  	s20 =	rddreg [dreg:$0x15];
	s16 =	sor.u32 @!p0 $0x1C11, s16  }
0x124: {  	[hbm:s17], [sflag:s16] =	dma.local @!p0 [spmem:s20], $0x4E0  }
0x125: {  	s16 =	simm.s32 @!p0 $0x11  }
0x126: {  	_ =	swait.ge @!p0 [sflag:s16], $0x4E0  }
0x127: {  	s17 =	rddreg [dreg:$0x14]  }
0x128: {  	s20 =	sadd.s32 $0x1, s17;
	s17 =	rddreg [dreg:$0xe]  }
0x129: {  	p1 =	sne.s32 s20, s17  }
.Ltmp1:
0x12a: {  	_ = 	snop;
	(pc) =	sbr.rel @p1 .LBB2_1-.Ltmp1, $3  }
0x12b: {  	_ =	sdelay $0x1  }
0x12c: {  	[sflag:s16] =	ssyncset.done @!p0 $0x0  }
0x12d: {  	[sflag:s16] =	ssyncadd.s32 @!p0 $0xFFFFFB20  }
0x12e: {  	_ =	sfence.sel $0x180000  }
0x12f: {  	[bflag:$0x0] =	sbarrier.arrive $0xFFFF  }
0x130: {  	_ =	strace $0x9000004A  }
0x131: {  	s0 =	stileid.u32;
	[bflag:$0x2] =	sbarrier.arrive $0xFFFF  }
0x132: {  	p0 =	sne.s32 s0, $0x0;
	s0 =	rddreg [dreg:$0x4]  }
0x133: {  	s0 =	sadd.s32 @!p0 $0x100000, s0  }
0x134: {  	[sflag:s0] =	ssyncadd.tile.s32 @!p0 $0x1;
	_ =	shalt  }
.Lfunc_end2:
_tile_overlayer_lowered:
.L_overlay_start_2:
0x135: {  	(tag) =	ssettag $0x2  }
0x136: {  	s0 =	rddreg [dreg:$0x0];
	s2 =	stileid.u32  }
0x137: {  	s1 =	rddreg [dreg:$0x1];
	p0 =	sne.s32 s2, $0x0  }
0x138: {  	s3 =	rddreg [dreg:$0x2];
	[bflag:$0x3] =	sbarrier.arrive $0xFFFF;
	s2 =	simm.s32 @!p0 $0x1C11  }
0x139: {  	[timem:s3], [sflag:s2] =	dma.local @!p0 [hbm:s0], s1  }
0x13a: {  	s0 =	simm.s32 @!p0 $0x11  }
0x13b: {  	_ =	swait.ge @!p0 [sflag:s0], s1  }
0x13c: {  	s1 =	ssub.s32 @!p0 $0x0, s1;
	[sflag:s0] =	ssyncset.done @!p0 $0x0  }
0x13d: {  	[sflag:s0] =	ssyncadd.s32 @!p0 s1  }
0x13e: {  	[bflag:$0x3] =	sbarrier.arrive $0xFFFF  }
0x13f: {  	_ =	shalt  }

// kernel: kernel.14.cloned.1.call-start
scs
__scs_entry_jumppad:
0x0: {  	(pc) =	sbr.rel $0x88, $3  }
0x1: {  	(tag) =	ssettag $0x0;
	lr =	simm.s32 $0x1  }
0x2: {  	[smem:$0x3F9B] =	sst lr;
	_ =	strace $0xD0000000  }
0x3: {  	_ = 	snop  }
0x4: {  	_ = 	snop  }
0x5: {  	_ = 	snop  }
0x6: {  	_ = 	snop  }
0x7: {  	_ = 	snop  }
__scs_overlays_trampoline_lowered:
0x8: {  	[smem:$0x3FAA] =	sst s0  }
0x9: {  	[smem:$0x3FAB] =	sst s1  }
0xa: {  	[smem:$0x3FAC] =	sst s2  }
0xb: {  	[smem:$0x3FAD] =	sst s3  }
0xc: {  	[smem:$0x3FAE] =	sst s4  }
0xd: {  	[smem:$0x3FAF] =	sst s5  }
0xe: {  	[smem:$0x3FB0] =	sst s6  }
0xf: {  	[smem:$0x3FB1] =	sst s7  }
0x10: {  	[smem:$0x3FB2] =	sst s8  }
0x11: {  	[smem:$0x3FB3] =	sst s9;
	s0 =	simm.s32 @!p0 $0x0  }
0x12: {  	s1 =	sld [smem:$0x3F99];
	s0 =	simm.s32 @p0 $0x1  }
0x13: {  	[smem:$0x3FB4] =	sst s0;
	s0 =	simm.s32 @!p1 $0x0  }
0x14: {  	s2 =	sld [smem:$0x3F98];
	s0 =	simm.s32 @p1 $0x1  }
0x15: {  	[smem:$0x3FB5] =	sst s0;
	s0 =	simm.s32 @!p2 $0x0  }
0x16: {  	s3 =	sld [smem:$0x3FDB];
	s0 =	simm.s32 @p2 $0x1  }
0x17: {  	s4 =	simm.s32 $0x1BF5;
	[smem:$0x3FB7] =	sst s0  }
0x18: {  	s0 =	sld [smem:$0x3F9A];
	_ =	swait.ge [sflag:s4], $0x0  }
0x19: {  	s7 =	sld [smem:$0x3F9B]  }
0x1a: {  	s8 =	sadd.s32 $0xFFFFE003, lr  }
0x1b: {  	s9 =	sadd.s32 $0xFFFFFEF7, lr;
	s5 =	simm.s32 $0xFFFFFFFF;
	p2 =	slt.u32 s8, $0xFFFFF086  }
0x1c: {  	p1 =	slt.u32 s9, $0xF7A;
	s5 =	simm.s32 @!p2 $0x0  }
0x1d: {  	s5 =	simm.s32 @p1 $0x1;
	p0 =	seq.s32 s7, s2  }
0x1e: {  	s7 =	smul.u32 @!p0 $0xF7A, s2;
	p2 =	seq.s32 @!p0 s5, $0x0  }
0x1f: {  	s9 =	smul.u32 $0xF7A, s1;
	s8 =	simm.s32 @!p0 $0x1BF5;
	p2 =	por !p2, p0  }
0x20: {  	[sflag:s8] =	ssyncset.s32 @!p0 $0xFFFFF086;
	s6 =	sadd.s32 @!p0 s3, s7;
	s7 =	simm.s32 @!p0 $0x108  }
0x21: {  	s3 =	sadd.s32 s3, s9;
	s6 =	sadd.s32 @!p0 $0x88, s6;
	s7 =	simm.s32 @p2 $0x1082  }
0x22: {  	[simem:s7], [sflag:s8] =	dma.local @!p0 [hbm:s6], $0xF7A  }
0x23: {  	s9 =	sor.u32 $0xD0000000, s2;
	s6 =	simm.s32 $0x108;
	_ =	swait.ge @!p0 [sflag:s8], $0x0  }
0x24: {  	s3 =	sadd.s32 $0x88, s3;
	s6 =	simm.s32 @!p1 $0x1082;
	[sflag:s4] =	ssyncset.s32 $0xFFFFF086  }
0x25: {  	[simem:s6], [sflag:s4] =	dma.local [hbm:s3], $0xF7A  }
0x26: {  	[smem:$0x3F9B] =	sst s1;
	(tag) =	ssettag s2;
	_ =	strace s9  }
0x27: {  	s1 =	sld [smem:$0x3FAB]  }
0x28: {  	s2 =	sld [smem:$0x3FAC]  }
0x29: {  	s4 =	sld [smem:$0x3FAE]  }
0x2a: {  	p0 =	seq.s32 s5, $0x0;
	s5 =	sld [smem:$0x3FAF]  }
0x2b: {  	s6 =	sld [smem:$0x3FB0]  }
0x2c: {  	s7 =	sld [smem:$0x3FB1]  }
0x2d: {  	s3 =	simm.s32 $0x108;
	s8 =	sld [smem:$0x3FB2]  }
0x2e: {  	s3 =	simm.s32 @!p0 $0x1082;
	s9 =	sld [smem:$0x3FB3]  }
0x2f: {  	lr =	sadd.s32 s0, s3;
	s0 =	sld [smem:$0x3FAA]  }
0x30: {  	s3 =	sld [smem:$0x3FAD]  }
0x31: {  	[smem:$0x3FB6] =	sst s10  }
0x32: {  	s10 =	sld [smem:$0x3FB4];
	_ =	sdelay $0x3  }
0x33: {  	p0 =	seq.s32 s10, $0x1;
	s10 =	sld [smem:$0x3FB6];
	_ =	sdelay $0x3  }
0x34: {  	[smem:$0x3FB6] =	sst s10  }
0x35: {  	s10 =	sld [smem:$0x3FB5];
	_ =	sdelay $0x3  }
0x36: {  	p1 =	seq.s32 s10, $0x1;
	s10 =	sld [smem:$0x3FB6];
	_ =	sdelay $0x3  }
0x37: {  	[smem:$0x3FB6] =	sst s10  }
0x38: {  	s10 =	sld [smem:$0x3FB7]  }
0x39: {  	_ = 	snop;
	(pc) =	sbr.ind lr, $3  }
0x3a: {  	_ = 	snop  }
0x3b: {  	_ = 	snop  }
0x3c: {  	p2 =	seq.s32 s10, $0x1;
	s10 =	sld [smem:$0x3FB6]  }
0x3d: {  	_ =	shalt  }
0x3e: {  	_ =	shalt  }
0x3f: {  	_ =	shalt  }
0x40: {  	_ =	shalt  }
0x41: {  	_ =	shalt  }
0x42: {  	_ =	shalt  }
0x43: {  	_ =	shalt  }
0x44: {  	_ =	shalt  }
0x45: {  	_ =	shalt  }
0x46: {  	_ =	shalt  }
0x47: {  	_ =	shalt  }
0x48: {  	_ =	shalt  }
0x49: {  	_ =	shalt  }
0x4a: {  	_ =	shalt  }
0x4b: {  	_ =	shalt  }
0x4c: {  	_ =	shalt  }
0x4d: {  	_ =	shalt  }
0x4e: {  	_ =	shalt  }
0x4f: {  	_ =	shalt  }
0x50: {  	_ =	shalt  }
0x51: {  	_ =	shalt  }
0x52: {  	_ =	shalt  }
0x53: {  	_ =	shalt  }
0x54: {  	_ =	shalt  }
0x55: {  	_ =	shalt  }
0x56: {  	_ =	shalt  }
0x57: {  	_ =	shalt  }
0x58: {  	_ =	shalt  }
0x59: {  	_ =	shalt  }
0x5a: {  	_ =	shalt  }
0x5b: {  	_ =	shalt  }
0x5c: {  	_ =	shalt  }
0x5d: {  	_ =	shalt  }
0x5e: {  	_ =	shalt  }
0x5f: {  	_ =	shalt  }
0x60: {  	_ =	shalt  }
0x61: {  	_ =	shalt  }
0x62: {  	_ =	shalt  }
0x63: {  	_ =	shalt  }
0x64: {  	_ =	shalt  }
0x65: {  	_ =	shalt  }
0x66: {  	_ =	shalt  }
0x67: {  	_ =	shalt  }
0x68: {  	_ =	shalt  }
0x69: {  	_ =	shalt  }
0x6a: {  	_ =	shalt  }
0x6b: {  	_ =	shalt  }
0x6c: {  	_ =	shalt  }
0x6d: {  	_ =	shalt  }
0x6e: {  	_ =	shalt  }
0x6f: {  	_ =	shalt  }
0x70: {  	_ =	shalt  }
0x71: {  	_ =	shalt  }
0x72: {  	_ =	shalt  }
0x73: {  	_ =	shalt  }
0x74: {  	_ =	shalt  }
0x75: {  	_ =	shalt  }
0x76: {  	_ =	shalt  }
0x77: {  	_ =	shalt  }
0x78: {  	_ =	shalt  }
0x79: {  	_ =	shalt  }
0x7a: {  	_ =	shalt  }
0x7b: {  	_ =	shalt  }
0x7c: {  	_ =	shalt  }
0x7d: {  	_ =	shalt  }
0x7e: {  	_ =	shalt  }
0x7f: {  	_ =	shalt  }
0x80: {  	_ =	shalt  }
0x81: {  	_ =	shalt  }
0x82: {  	_ =	shalt  }
0x83: {  	_ =	shalt  }
0x84: {  	_ =	shalt  }
0x85: {  	_ =	shalt  }
0x86: {  	_ =	shalt  }
0x87: {  	_ =	shalt  }
.Lfunc_end0:
.L_simem_size_0:
called_computation.2_lowered:
.L_overlay_start_0:
0x88: {  	s2 =	sld [smem:$0x3FD9]  }
0x89: {  	s3 =	sld [smem:$0x3FFE];
	_ =	sdelay $0x1  }
0x8a: {  	s1 =	srdreg.scid  }
0x8b: {  	s0 =	sand.u32 $0x1, s1  }
0x8c: {  	s17 =	sshll.u32 s0, $0xA;
	s2 =	sadd.s32 s3, s2  }
0x8d: {  	s2 =	sadd.s32 s2, s17  }
0x8e: {  	[smem:$0x3FC2] =	sst s2  }
0x8f: {  	_ = 	snop  }
0x90: {  	s2 =	sld [smem:$0x3FD0];
	(tm) =	ssettm $0x1  }
0x91: {  	s18 =	sld [smem:$0x3FFB];
	_ =	sdelay $0x3  }
0x92: {  	_ =	strace s18  }
0x93: {  	s3 =	sld [smem:$0x3FFC];
	_ =	sdelay $0x3  }
0x94: {  	_ =	strace s3  }
0x95: {  	s3 =	sld [smem:$0x3FFD];
	_ =	sdelay $0x3  }
0x96: {  	_ =	strace s3  }
0x97: {  	_ =	strace $0x8FFFFFFF  }
0x98: {  	s19 =	sld [smem:$0x3FDB];
	_ =	sdelay $0x1  }
0x99: {  	s4 =	simm.s32 $_scs_section_size  }
0x9a: {  	s5 =	simm.s32 $_size__tile_overlayer_lowered;
	s6 =	simm.s32 $_tile_overlayer_lowered  }
0x9b: {  	s22 =	simm.s32 $0x1BFF;
	s21 =	sshll.u32 s6, $0x1;
	s3 =	sadd.s32 s4, s19  }
0x9c: {  	s7 =	simm.s32 $0x0;
	s20 =	sshll.u32 s5, $0x1;
	s5 =	sadd.s32 s21, s3  }
0x9d: {  	[timem:s7], [sflag:s22] =	dma.local [hbm:s5], s20  }
0x9e: {  	_ =	swait.ge [sflag:s22], s20  }
0x9f: {  	s4 =	ssub.s32 $0x0, s20;
	[sflag:s22] =	ssyncset.done $0x0  }
0xa0: {  	[sflag:s22] =	ssyncadd.s32 s4;
	_ =	sdelay $0x1  }
0xa1: {  	s23 =	simm.s32 $0x1B8B  }
0xa2: {  	_ =	swait.ge [sflag:s23], $0x1  }
0xa3: {  	[sflag:s23] =	ssyncset.done $0x0  }
0xa4: {  	s25 =	simm.s32 $0x1B8E;
	s24 =	sld [smem:$0x3FFE];
	[sflag:s23] =	ssyncadd.s32 $0xFFFFFFFF  }
0xa5: {  	s26 =	simm.s32 $execute0_lowered;
	[smem:$0x3FD2] =	sst s25  }
0xa6: {  	s5 =	sshll.u32 s26, $0x1;
	_ =	strace $0x8000004C;
	[dreg:$0x1] =	wrdreg $0xFFFFFFFF  }
0xa7: {  	s28 =	simm.s32 $_size_execute0_lowered;
	s3 =	sadd.s32 s3, s5;
	[dreg:$0x0] =	wrdreg $0x0  }
0xa8: {  	s5 =	sshll.u32 s28, $0x1;
	[dreg:$0x2] =	wrdreg s3  }
0xa9: {  	[dreg:$0x3] =	wrdreg s5  }
0xaa: {  	[dreg:$0x4] =	wrdreg $0xC0  }
0xab: {  	_ =	task [dreg:s7], $0x5FFFF  }
0xac: {  	[dreg:$0x1] =	wrdreg $0xFFFFFFFF  }
0xad: {  	[dreg:$0x0] =	wrdreg $0x60  }
0xae: {  	[dreg:$0x2] =	wrdreg s2  }
0xaf: {  	[dreg:$0x3] =	wrdreg s24  }
0xb0: {  	[dreg:$0x4] =	wrdreg $0xD0000  }
0xb1: {  	[dreg:$0x5] =	wrdreg $0xF7180  }
0xb2: {  	[dreg:$0x6] =	wrdreg $0x9  }
0xb3: {  	_ =	task.clear_ibuf [dreg:s7], $0x7FFFF;
	_ =	strace $0x9000004C  }
0xb4: {  	s29 =	simm.s32 $0x9;
	_ =	strace $0x8000004E  }
0xb5: {  	_ =	swait.ge [sflag:s29], $0x1  }
0xb6: {  	[sflag:s29] =	ssyncadd.s32 $0xFFFFFFFF  }
0xb7: {  	_ =	strace $0x9000004E  }
0xb8: {  	_ =	sfence  }
0xb9: {  	s30 =	sld [smem:$0x0];
	_ =	sdelay $0x2  }
0xba: {  	s31 =	sshll.u32 s1, $0xD;
	s1 =	sshrl.u32 s1, $0x2  }
0xbb: {  	s3 =	sand.u32 $0x4000, s31;
	s1 =	sadd.s32 s1, s30  }
0xbc: {  	s0 =	sor.u32 s3, s0;
	s1 =	sshll.u32 s1, $0x11  }
0xbd: {  	s0 =	sor.u32 s1, s0  }
0xbe: {  	s0 =	sadd.s32 $0x8F2B, s0  }
0xbf: {  	[sflag:s0] =	ssyncadd.remote.s32 $0x1  }
0xc0: {  	_ =	sfence.sel $0xFFFF  }
0xc1: {  	[dreg:$0x0] =	wrdreg $0xFFFFFFFF;
	(pc) =	sbr.abs _section_cstart, $3  }
0xc2: {  	[dreg:$0x1] =	wrdreg $0xFFFFFFFF  }
0xc3: {  	_ =	task.clear_ibuf [dreg:s7], $0x2FFFF;
	_ =	strace $0x9FFFFFFF  }
0xc4: {  	(tm) =	ssettm $0x7FFFFFFF  }
0xc5: {  	_ =	shalt  }
tec
execute0_lowered:
.L_overlay_start_1:
0x0: {  	(tag) =	ssettag $0x1  }
0x1: {  	s0 =	rddreg [dreg:$0x0]  }
0x2: {  	s1 =	rddreg [dreg:$0x1];
	s3 =	srdreg.scid  }
0x3: {  	s12 =	stileid.u32;
	s2 =	rddreg [dreg:$0x2]  }
0x4: {  	s6 =	simm.s32 $0x0;
	s28 =	simm.s32 $0x6800;
	s29 =	simm.s32 $0x7000  }
0x5: {  	s30 =	simm.s32 $0x7800;
	s31 =	simm.s32 $0x8000;
	s15 =	simm.s32 $0x4  }
0x6: {  	s13 =	simm.s32 $0xE;
	s14 =	simm.s32 $0xF;
	s18 =	simm.s32 $0x10  }
0x7: {  	s4 =	sand.u32 $0x1, s3;
	s5 =	sshll.u32 s12, $0x1;
	s3 =	rddreg [dreg:$0x3]  }
0x8: {  	[smem:$0x7FF] =	sst s6;
	s20 =	smul.u32 $0x2700, s12;
	s11 =	sadd.s32 $0x1AC00, s1  }
0x9: {  	s5 =	sor.u32 s4, s5;
	s7 =	ssub.s32 $0x2, s4;
	s4 =	smul.u32 $0x27100, s4  }
0xa: {  	p0 =	seq.s32 s12, $0xF;
	_ =	strace $0x8000004D;
	s5 =	smul.u32 $0x500, s5  }
0xb: {  	s8 =	sshrl.u32 s20, $0x3;
	s9 =	sshrl.u32 s7, $0x1;
	s22 =	sadd.s32 s20, s2  }
0xc: {  	s10 =	sadd.s32 s8, s1;
	s7 =	ssub.s32 s7, s9;
	[dreg:$0x7] =	wrdreg s22  }
0xd: {  	s8 =	sadd.s32 s0, s8;
	s6 =	sadd.s32 s20, s4;
	s4 =	sshrl.u32 s4, $0x3  }
0xe: {  	s0 =	sadd.s32 $0x4920, s0;
	s22 =	simm.s32 $0x2;
	s9 =	simm.s32 $0xA  }
0xf: {  	s5 =	sadd.s32 s5, s1;
	s23 =	sadd.s32 $0x15C00, s10;
	[dreg:$0x9] =	wrdreg s8  }
0x10: {  	s8 =	sadd.s32 $0x24900, s2;
	s1 =	sadd.s32 $0x1A520, s1;
	[dreg:$0xb] =	wrdreg s0  }
0x11: {  	s24 =	sshrl.u32 s6, $0x3;
	s4 =	sadd.s32 s11, s4;
	s26 =	smax.u32 s7, $0x1  }
0x12: {  	s6 =	simm.s32 $0x7;
	s7 =	simm.s32 $0x8;
	s10 =	simm.s32 $0xB  }
0x13: {  	s21 =	sadd.s32 $0xBC00, s5;
	s5 =	sadd.s32 $0x1600, s5;
	[dreg:$0x8] =	wrdreg s23  }
0x14: {  	[dreg:$0xa] =	wrdreg s1;
	s1 =	sadd.s32 $0x24900, s3;
	s0 =	sadd.s32 s11, s24  }
0x15: {  	s25 =	sadd.s32 $0x4920, s4;
	[dreg:$0xe] =	wrdreg s26;
	s4 =	sshll.u32 @!p0 s12, $0x6  }
0x16: {  	s19 =	sshrl.u32 @p0 s8, $0x3;
	s23 =	simm.s32 $0x80;
	[dreg:$0x5] =	wrdreg s21  }
0x17: {  	s24 =	simm.s32 $0x5000;
	s26 =	simm.s32 $0x6000;
	[dreg:$0x6] =	wrdreg s5  }
0x18: {  	s8 =	simm.s32 $0x9;
	s11 =	simm.s32 $0xC;
	[dreg:$0xc] =	wrdreg s0  }
0x19: {  	s12 =	simm.s32 $0xD;
	s5 =	sadd.s32 s20, s3;
	[dreg:$0xd] =	wrdreg s25  }
0x1a: {  	s0 =	sshrl.u32 @p0 s1, $0x3;
	[dreg:$0xf] =	wrdreg s4;
	s21 =	simm.s32 $0x1  }
0x1b: {  	s25 =	simm.s32 $0x5800;
	s1 =	simm.s32 $0x8800;
	[dreg:$0x10] =	wrdreg s19  }
0x1c: {  	s20 =	simm.s32 $0x0;
	[dreg:$0x11] =	wrdreg s0;
	s0 =	sor.u32 @!p0 $0x1C03, s4  }
0x1d: {  	s4 =	simm.s32 $0x5;
	[dreg:$0x12] =	wrdreg s0;
	s0 =	sshrl.u32 @!p0 s5, $0x3  }
0x1e: {  	s5 =	simm.s32 $0x6;
	[dreg:$0x13] =	wrdreg s0;
	s0 =	simm.s32 $0x3  }
.LBB2_1:
0x1f: {  	[dreg:$0x14] =	wrdreg s20  }
0x20: {  	s16 =	simm.s32 $0x0;
	s17 =	rddreg [dreg:$0x5]  }
0x21: {  	[tilespmem:s16], [sflag:$0x1] =	stream.linear.gather [hbm4b:s17+s16], $0x2800, $0x38;
	[tilespmem:$0x11E28] =	vst v63  }
0x22: {  	s20 =	smov.u32 s19;
	s19 =	simm.s32 $0x2800;
	s17 =	rddreg [dreg:$0x6]  }
0x23: {  	[tilespmem:s19], [sflag:$0x2] =	stream.linear.gather [hbm4b:s17+s16], $0x2800, $0x38;
	[tilespmem:$0x11E28] =	vst v63  }
0x24: {  	s16 =	simm.s32 @p0 $0x1FC3;
	s17 =	rddreg [dreg:$0xa]  }
0x25: {  	[spmem:s20], [sflag:s16] =	dma.local @p0 [hbm:s17], $0x510  }
0x26: {  	s17 =	rddreg [dreg:$0xb]  }
0x27: {  	s16 =	simm.s32 @p0 $0x1FC4;
	s19 =	rddreg [dreg:$0x11]  }
0x28: {  	[spmem:s19], [sflag:s16] =	dma.local @p0 [hbm:s17], $0x500  }
0x29: {  	s16 =	simm.s32 @p0 $0x3  }
0x2a: {  	_ =	swait.ge @p0 [sflag:s16], $0x510  }
0x2b: {  	[sflag:s16] =	ssyncset.done @p0 $0x0  }
0x2c: {  	[sflag:s16] =	ssyncadd.s32 @p0 $0xFFFFFAF0;
	s16 =	simm.s32 @p0 $0x4  }
0x2d: {  	_ =	swait.ge @p0 [sflag:s16], $0x500  }
0x2e: {  	[sflag:s16] =	ssyncset.done @p0 $0x0;
	s17 =	rddreg [dreg:$0x12]  }
0x2f: {  	[sflag:s16] =	ssyncadd.s32 @p0 $0xFFFFFB00;
	s16 =	rddreg [dreg:$0x7]  }
0x30: {  	s19 =	sshrl.u32 @!p0 s16, $0x3;
	s16 =	rddreg [dreg:$0x8]  }
0x31: {  	[dreg:$0x15] =	wrdreg s19  }
0x32: {  	[spmem:s19], [sflag:s17] =	dma.local @!p0 [hbm:s16], $0x4E0  }
0x33: {  	s16 =	rddreg [dreg:$0xf]  }
0x34: {  	s17 =	rddreg [dreg:$0x9]  }
0x35: {  	s19 =	rddreg [dreg:$0x13];
	s16 =	sor.u32 @!p0 $0x1C04, s16  }
0x36: {  	[spmem:s19], [sflag:s16] =	dma.local @!p0 [hbm:s17], $0x4E0  }
0x37: {  	s16 =	simm.s32 @!p0 $0x3  }
0x38: {  	_ =	swait.ge @!p0 [sflag:s16], $0x4E0  }
0x39: {  	[sflag:s16] =	ssyncset.done @!p0 $0x0  }
0x3a: {  	[sflag:s16] =	ssyncadd.s32 @!p0 $0xFFFFFB20;
	s16 =	simm.s32 @!p0 $0x4  }
0x3b: {  	_ =	swait.ge @!p0 [sflag:s16], $0x4E0  }
0x3c: {  	[sflag:s16] =	ssyncset.done @!p0 $0x0  }
0x3d: {  	[sflag:s16] =	ssyncadd.s32 @!p0 $0xFFFFFB20  }
0x3e: {  	_ =	swait.ge [sflag:s21], $0x2800  }
0x3f: {  	[sflag:s21] =	ssyncset.done $0x0  }
0x40: {  	[sflag:s21] =	ssyncadd.s32 $0xFFFFD800  }
0x41: {  	_ =	swait.ge [sflag:s22], $0x2800  }
0x42: {  	[sflag:s22] =	ssyncset.done $0x0  }
0x43: {  	[sflag:s22] =	ssyncadd.s32 $0xFFFFD800  }
0x44: {  	s20 =	simm.s32 $0x0;
	[bflag:$0x0] =	sbarrier.arrive $0xFFFF  }
0x45: {  	[tilespmem:s24], [sflag:$0x1] =	stream.indirect.gather [spmem:s3], $0x10, s20, s23, $0xb8;
	[tilespmem:$0x11E28] =	vst v63  }
0x46: {  	s17 =	simm.s32 $0x80  }
0x47: {  	[tilespmem:s25], [sflag:$0x2] =	stream.indirect.gather [spmem:s3], $0x10, s17, s23, $0xb8;
	[tilespmem:$0x11E28] =	vst v63  }
0x48: {  	s19 =	simm.s32 $0x100  }
0x49: {  	[tilespmem:s26], [sflag:$0x3] =	stream.indirect.gather [spmem:s3], $0x10, s19, s23, $0xb8;
	[tilespmem:$0x11E28] =	vst v63  }
0x4a: {  	s20 =	simm.s32 $0x180  }
0x4b: {  	[tilespmem:s28], [sflag:$0x4] =	stream.indirect.gather [spmem:s3], $0x10, s20, s23, $0xb8;
	[tilespmem:$0x11E28] =	vst v63  }
0x4c: {  	s17 =	simm.s32 $0x200  }
0x4d: {  	[tilespmem:s29], [sflag:$0x5] =	stream.indirect.gather [spmem:s3], $0x10, s17, s23, $0xb8;
	[tilespmem:$0x11E28] =	vst v63  }
0x4e: {  	s19 =	simm.s32 $0x280  }
0x4f: {  	[tilespmem:s30], [sflag:$0x6] =	stream.indirect.gather [spmem:s3], $0x10, s19, s23, $0xb8;
	[tilespmem:$0x11E28] =	vst v63  }
0x50: {  	s20 =	simm.s32 $0x300  }
0x51: {  	[tilespmem:s31], [sflag:$0x7] =	stream.indirect.gather [spmem:s3], $0x10, s20, s23, $0xb8;
	[tilespmem:$0x11E28] =	vst v63  }
0x52: {  	s17 =	simm.s32 $0x380  }
0x53: {  	[tilespmem:s1], [sflag:$0x8] =	stream.indirect.gather [spmem:s3], $0x10, s17, s23, $0xb8;
	[tilespmem:$0x11E28] =	vst v63  }
0x54: {  	_ =	swait.ge [sflag:s21], $0x800  }
0x55: {  	[sflag:s21] =	ssyncset.done $0x0  }
0x56: {  	s19 =	simm.s32 $0x2800;
	[sflag:s21] =	ssyncadd.s32 $0xFFFFF800  }
0x57: {  	[spmem:s2] =	stream.indirect.scatter.add.f32 [tilespmem:s24], [sflag:$0x9], $0x10, s19, s23, $0xb8;
	[tilespmem:$0x11E28] =	vst v63  }
0x58: {  	_ =	swait.ge [sflag:s22], $0x800  }
0x59: {  	[sflag:s22] =	ssyncset.done $0x0  }
0x5a: {  	s20 =	simm.s32 $0x2880;
	[sflag:s22] =	ssyncadd.s32 $0xFFFFF800  }
0x5b: {  	[spmem:s2] =	stream.indirect.scatter.add.f32 [tilespmem:s25], [sflag:$0xA], $0x10, s20, s23, $0xb8;
	[tilespmem:$0x11E28] =	vst v63  }
0x5c: {  	_ =	swait.ge [sflag:s0], $0x800  }
0x5d: {  	[sflag:s0] =	ssyncset.done $0x0  }
0x5e: {  	s17 =	simm.s32 $0x2900;
	[sflag:s0] =	ssyncadd.s32 $0xFFFFF800  }
0x5f: {  	[spmem:s2] =	stream.indirect.scatter.add.f32 [tilespmem:s26], [sflag:$0xB], $0x10, s17, s23, $0xb8;
	[tilespmem:$0x11E28] =	vst v63  }
0x60: {  	_ =	swait.ge [sflag:s15], $0x800  }
0x61: {  	[sflag:s15] =	ssyncset.done $0x0  }
0x62: {  	s19 =	simm.s32 $0x2980;
	[sflag:s15] =	ssyncadd.s32 $0xFFFFF800  }
0x63: {  	[spmem:s2] =	stream.indirect.scatter.add.f32 [tilespmem:s28], [sflag:$0xC], $0x10, s19, s23, $0xb8;
	[tilespmem:$0x11E28] =	vst v63  }
0x64: {  	_ =	swait.ge [sflag:s4], $0x800  }
0x65: {  	[sflag:s4] =	ssyncset.done $0x0  }
0x66: {  	s20 =	simm.s32 $0x2A00;
	[sflag:s4] =	ssyncadd.s32 $0xFFFFF800  }
0x67: {  	[spmem:s2] =	stream.indirect.scatter.add.f32 [tilespmem:s29], [sflag:$0xD], $0x10, s20, s23, $0xb8;
	[tilespmem:$0x11E28] =	vst v63  }
0x68: {  	_ =	swait.ge [sflag:s5], $0x800  }
0x69: {  	[sflag:s5] =	ssyncset.done $0x0  }
0x6a: {  	s17 =	simm.s32 $0x2A80;
	[sflag:s5] =	ssyncadd.s32 $0xFFFFF800  }
0x6b: {  	[spmem:s2] =	stream.indirect.scatter.add.f32 [tilespmem:s30], [sflag:$0xE], $0x10, s17, s23, $0xb8;
	[tilespmem:$0x11E28] =	vst v63  }
0x6c: {  	_ =	swait.ge [sflag:s6], $0x800  }
0x6d: {  	[sflag:s6] =	ssyncset.done $0x0  }
0x6e: {  	s19 =	simm.s32 $0x2B00;
	[sflag:s6] =	ssyncadd.s32 $0xFFFFF800  }
0x6f: {  	[spmem:s2] =	stream.indirect.scatter.add.f32 [tilespmem:s31], [sflag:$0xF], $0x10, s19, s23, $0xb8;
	[tilespmem:$0x11E28] =	vst v63  }
0x70: {  	_ =	swait.ge [sflag:s7], $0x800  }
0x71: {  	[sflag:s7] =	ssyncset.done $0x0  }
0x72: {  	s20 =	simm.s32 $0x2B80;
	[sflag:s7] =	ssyncadd.s32 $0xFFFFF800  }
0x73: {  	[spmem:s2] =	stream.indirect.scatter.add.f32 [tilespmem:s1], [sflag:$0x10], $0x10, s20, s23, $0xb8;
	[tilespmem:$0x11E28] =	vst v63  }
0x74: {  	_ =	swait.ge [sflag:s8], $0x800  }
0x75: {  	[sflag:s8] =	ssyncset.done $0x0  }
0x76: {  	[sflag:s8] =	ssyncadd.s32 $0xFFFFF800  }
0x77: {  	_ =	swait.ge [sflag:s9], $0x800  }
0x78: {  	[sflag:s9] =	ssyncset.done $0x0  }
0x79: {  	[sflag:s9] =	ssyncadd.s32 $0xFFFFF800  }
0x7a: {  	_ =	swait.ge [sflag:s10], $0x800  }
0x7b: {  	[sflag:s10] =	ssyncset.done $0x0  }
0x7c: {  	[sflag:s10] =	ssyncadd.s32 $0xFFFFF800  }
0x7d: {  	_ =	swait.ge [sflag:s11], $0x800  }
0x7e: {  	[sflag:s11] =	ssyncset.done $0x0  }
0x7f: {  	[sflag:s11] =	ssyncadd.s32 $0xFFFFF800  }
0x80: {  	_ =	swait.ge [sflag:s12], $0x800  }
0x81: {  	[sflag:s12] =	ssyncset.done $0x0  }
0x82: {  	[sflag:s12] =	ssyncadd.s32 $0xFFFFF800  }
0x83: {  	_ =	swait.ge [sflag:s13], $0x800  }
0x84: {  	[sflag:s13] =	ssyncset.done $0x0  }
0x85: {  	[sflag:s13] =	ssyncadd.s32 $0xFFFFF800  }
0x86: {  	_ =	swait.ge [sflag:s14], $0x800  }
0x87: {  	[sflag:s14] =	ssyncset.done $0x0  }
0x88: {  	[sflag:s14] =	ssyncadd.s32 $0xFFFFF800  }
0x89: {  	_ =	swait.ge [sflag:s18], $0x800  }
0x8a: {  	s16 =	simm.s32 $0x2000;
	s17 =	simm.s32 $0x1000;
	[sflag:s18] =	ssyncset.done $0x0  }
.LBB2_2:
0x8b: {  	s20 =	sshra.s32 s17, $0x2  }
0x8c: {  	[sflag:s18] =	ssyncadd.s32 $0xFFFFF800;
	s17 =	smov.u32 s16;
	s19 =	sadd.s32 $0x1000, s16  }
0x8d: {  	[tilespmem:s24], [sflag:$0x1] =	stream.indirect.gather [spmem:s3], $0x10, s20, s23, $0xb8;
	[tilespmem:$0x11E28] =	vst v63  }
0x8e: {  	p1 =	sne.s32 s16, $0x9000;
	s16 =	sadd.s32 $0x80, s20  }
0x8f: {  	[tilespmem:s25], [sflag:$0x2] =	stream.indirect.gather [spmem:s3], $0x10, s16, s23, $0xb8;
	[tilespmem:$0x11E28] =	vst v63  }
0x90: {  	s16 =	sadd.s32 $0x100, s20  }
0x91: {  	[tilespmem:s26], [sflag:$0x3] =	stream.indirect.gather [spmem:s3], $0x10, s16, s23, $0xb8;
	[tilespmem:$0x11E28] =	vst v63  }
0x92: {  	s16 =	sadd.s32 $0x180, s20  }
0x93: {  	[tilespmem:s28], [sflag:$0x4] =	stream.indirect.gather [spmem:s3], $0x10, s16, s23, $0xb8;
	[tilespmem:$0x11E28] =	vst v63  }
0x94: {  	s16 =	sadd.s32 $0x200, s20  }
0x95: {  	[tilespmem:s29], [sflag:$0x5] =	stream.indirect.gather [spmem:s3], $0x10, s16, s23, $0xb8;
	[tilespmem:$0x11E28] =	vst v63  }
0x96: {  	s16 =	sadd.s32 $0x280, s20  }
0x97: {  	[tilespmem:s30], [sflag:$0x6] =	stream.indirect.gather [spmem:s3], $0x10, s16, s23, $0xb8;
	[tilespmem:$0x11E28] =	vst v63  }
0x98: {  	s16 =	sadd.s32 $0x300, s20  }
0x99: {  	[tilespmem:s31], [sflag:$0x7] =	stream.indirect.gather [spmem:s3], $0x10, s16, s23, $0xb8;
	[tilespmem:$0x11E28] =	vst v63  }
0x9a: {  	s16 =	sadd.s32 $0x380, s20  }
0x9b: {  	[tilespmem:s1], [sflag:$0x8] =	stream.indirect.gather [spmem:s3], $0x10, s16, s23, $0xb8;
	[tilespmem:$0x11E28] =	vst v63  }
0x9c: {  	_ =	swait.ge [sflag:s21], $0x800  }
0x9d: {  	[sflag:s21] =	ssyncset.done $0x0  }
0x9e: {  	s16 =	sadd.s32 $0x2800, s20;
	[sflag:s21] =	ssyncadd.s32 $0xFFFFF800  }
0x9f: {  	[spmem:s2] =	stream.indirect.scatter.add.f32 [tilespmem:s24], [sflag:$0x9], $0x10, s16, s23, $0xb8;
	[tilespmem:$0x11E28] =	vst v63  }
0xa0: {  	_ =	swait.ge [sflag:s22], $0x800  }
0xa1: {  	[sflag:s22] =	ssyncset.done $0x0  }
0xa2: {  	s16 =	sadd.s32 $0x2880, s20;
	[sflag:s22] =	ssyncadd.s32 $0xFFFFF800  }
0xa3: {  	[spmem:s2] =	stream.indirect.scatter.add.f32 [tilespmem:s25], [sflag:$0xA], $0x10, s16, s23, $0xb8;
	[tilespmem:$0x11E28] =	vst v63  }
0xa4: {  	_ =	swait.ge [sflag:s0], $0x800  }
0xa5: {  	[sflag:s0] =	ssyncset.done $0x0  }
0xa6: {  	s16 =	sadd.s32 $0x2900, s20;
	[sflag:s0] =	ssyncadd.s32 $0xFFFFF800  }
0xa7: {  	[spmem:s2] =	stream.indirect.scatter.add.f32 [tilespmem:s26], [sflag:$0xB], $0x10, s16, s23, $0xb8;
	[tilespmem:$0x11E28] =	vst v63  }
0xa8: {  	_ =	swait.ge [sflag:s15], $0x800  }
0xa9: {  	[sflag:s15] =	ssyncset.done $0x0  }
0xaa: {  	s16 =	sadd.s32 $0x2980, s20;
	[sflag:s15] =	ssyncadd.s32 $0xFFFFF800  }
0xab: {  	[spmem:s2] =	stream.indirect.scatter.add.f32 [tilespmem:s28], [sflag:$0xC], $0x10, s16, s23, $0xb8;
	[tilespmem:$0x11E28] =	vst v63  }
0xac: {  	_ =	swait.ge [sflag:s4], $0x800  }
0xad: {  	[sflag:s4] =	ssyncset.done $0x0  }
0xae: {  	s16 =	sadd.s32 $0x2A00, s20;
	[sflag:s4] =	ssyncadd.s32 $0xFFFFF800  }
0xaf: {  	[spmem:s2] =	stream.indirect.scatter.add.f32 [tilespmem:s29], [sflag:$0xD], $0x10, s16, s23, $0xb8;
	[tilespmem:$0x11E28] =	vst v63  }
0xb0: {  	_ =	swait.ge [sflag:s5], $0x800  }
0xb1: {  	[sflag:s5] =	ssyncset.done $0x0  }
0xb2: {  	s16 =	sadd.s32 $0x2A80, s20;
	[sflag:s5] =	ssyncadd.s32 $0xFFFFF800  }
0xb3: {  	[spmem:s2] =	stream.indirect.scatter.add.f32 [tilespmem:s30], [sflag:$0xE], $0x10, s16, s23, $0xb8;
	[tilespmem:$0x11E28] =	vst v63  }
0xb4: {  	_ =	swait.ge [sflag:s6], $0x800  }
0xb5: {  	[sflag:s6] =	ssyncset.done $0x0  }
0xb6: {  	s16 =	sadd.s32 $0x2B00, s20;
	[sflag:s6] =	ssyncadd.s32 $0xFFFFF800  }
0xb7: {  	[spmem:s2] =	stream.indirect.scatter.add.f32 [tilespmem:s31], [sflag:$0xF], $0x10, s16, s23, $0xb8;
	[tilespmem:$0x11E28] =	vst v63  }
0xb8: {  	_ =	swait.ge [sflag:s7], $0x800  }
0xb9: {  	[sflag:s7] =	ssyncset.done $0x0  }
0xba: {  	s16 =	sadd.s32 $0x2B80, s20;
	[sflag:s7] =	ssyncadd.s32 $0xFFFFF800  }
0xbb: {  	[spmem:s2] =	stream.indirect.scatter.add.f32 [tilespmem:s1], [sflag:$0x10], $0x10, s16, s23, $0xb8;
	[tilespmem:$0x11E28] =	vst v63  }
0xbc: {  	_ =	swait.ge [sflag:s8], $0x800  }
0xbd: {  	[sflag:s8] =	ssyncset.done $0x0  }
0xbe: {  	[sflag:s8] =	ssyncadd.s32 $0xFFFFF800  }
0xbf: {  	_ =	swait.ge [sflag:s9], $0x800  }
0xc0: {  	[sflag:s9] =	ssyncset.done $0x0  }
0xc1: {  	[sflag:s9] =	ssyncadd.s32 $0xFFFFF800  }
0xc2: {  	_ =	swait.ge [sflag:s10], $0x800  }
0xc3: {  	[sflag:s10] =	ssyncset.done $0x0  }
0xc4: {  	[sflag:s10] =	ssyncadd.s32 $0xFFFFF800  }
0xc5: {  	_ =	swait.ge [sflag:s11], $0x800  }
0xc6: {  	[sflag:s11] =	ssyncset.done $0x0  }
0xc7: {  	[sflag:s11] =	ssyncadd.s32 $0xFFFFF800  }
0xc8: {  	_ =	swait.ge [sflag:s12], $0x800  }
0xc9: {  	[sflag:s12] =	ssyncset.done $0x0  }
0xca: {  	[sflag:s12] =	ssyncadd.s32 $0xFFFFF800  }
0xcb: {  	_ =	swait.ge [sflag:s13], $0x800  }
0xcc: {  	[sflag:s13] =	ssyncset.done $0x0  }
0xcd: {  	[sflag:s13] =	ssyncadd.s32 $0xFFFFF800  }
.Ltmp0:
0xce: {  	_ =	swait.ge [sflag:s14], $0x800;
	(pc) =	sbr.rel @p1 .LBB2_2-.Ltmp0, $4  }
0xcf: {  	[sflag:s14] =	ssyncset.done $0x0  }
0xd0: {  	[sflag:s14] =	ssyncadd.s32 $0xFFFFF800  }
0xd1: {  	_ =	swait.ge [sflag:s18], $0x800  }
0xd2: {  	s16 =	smov.u32 s19;
	[sflag:s18] =	ssyncset.done $0x0  }
0xd3: {  	s16 =	sshra.s32 s17, $0x2;
	[sflag:s18] =	ssyncadd.s32 $0xFFFFF800  }
0xd4: {  	[tilespmem:s24], [sflag:$0x1] =	stream.indirect.gather [spmem:s3], $0x10, s16, s23, $0xb8;
	[tilespmem:$0x11E28] =	vst v63  }
0xd5: {  	s17 =	sadd.s32 $0x80, s16  }
0xd6: {  	[tilespmem:s25], [sflag:$0x2] =	stream.indirect.gather [spmem:s3], $0x10, s17, s23, $0xb8;
	[tilespmem:$0x11E28] =	vst v63  }
0xd7: {  	s20 =	sadd.s32 $0x100, s16  }
0xd8: {  	[tilespmem:s26], [sflag:$0x3] =	stream.indirect.gather [spmem:s3], $0x10, s20, s23, $0xb8;
	[tilespmem:$0x11E28] =	vst v63  }
0xd9: {  	s19 =	sadd.s32 $0x180, s16  }
0xda: {  	[tilespmem:s28], [sflag:$0x4] =	stream.indirect.gather [spmem:s3], $0x10, s19, s23, $0xb8;
	[tilespmem:$0x11E28] =	vst v63  }
0xdb: {  	s20 =	sadd.s32 $0x200, s16  }
0xdc: {  	[tilespmem:s29], [sflag:$0x5] =	stream.indirect.gather [spmem:s3], $0x10, s20, s23, $0xb8;
	[tilespmem:$0x11E28] =	vst v63  }
0xdd: {  	s19 =	sadd.s32 $0x280, s16  }
0xde: {  	[tilespmem:s30], [sflag:$0x6] =	stream.indirect.gather [spmem:s3], $0x10, s19, s23, $0xb8;
	[tilespmem:$0x11E28] =	vst v63  }
0xdf: {  	s20 =	sadd.s32 $0x300, s16  }
0xe0: {  	[tilespmem:s31], [sflag:$0x7] =	stream.indirect.gather [spmem:s3], $0x10, s20, s23, $0xb8;
	[tilespmem:$0x11E28] =	vst v63  }
0xe1: {  	s19 =	sadd.s32 $0x380, s16  }
0xe2: {  	[tilespmem:s1], [sflag:$0x8] =	stream.indirect.gather [spmem:s3], $0x10, s19, s23, $0xb8;
	[tilespmem:$0x11E28] =	vst v63  }
0xe3: {  	_ =	swait.ge [sflag:s21], $0x800  }
0xe4: {  	[sflag:s21] =	ssyncset.done $0x0  }
0xe5: {  	s20 =	sadd.s32 $0x2800, s16;
	[sflag:s21] =	ssyncadd.s32 $0xFFFFF800  }
0xe6: {  	[spmem:s2] =	stream.indirect.scatter.add.f32 [tilespmem:s24], [sflag:$0x9], $0x10, s20, s23, $0xb8;
	[tilespmem:$0x11E28] =	vst v63  }
0xe7: {  	_ =	swait.ge [sflag:s22], $0x800  }
0xe8: {  	[sflag:s22] =	ssyncset.done $0x0  }
0xe9: {  	s19 =	sadd.s32 $0x2880, s16;
	[sflag:s22] =	ssyncadd.s32 $0xFFFFF800  }
0xea: {  	[spmem:s2] =	stream.indirect.scatter.add.f32 [tilespmem:s25], [sflag:$0xA], $0x10, s19, s23, $0xb8;
	[tilespmem:$0x11E28] =	vst v63  }
0xeb: {  	_ =	swait.ge [sflag:s0], $0x800  }
0xec: {  	[sflag:s0] =	ssyncset.done $0x0  }
0xed: {  	s20 =	sadd.s32 $0x2900, s16;
	[sflag:s0] =	ssyncadd.s32 $0xFFFFF800  }
0xee: {  	[spmem:s2] =	stream.indirect.scatter.add.f32 [tilespmem:s26], [sflag:$0xB], $0x10, s20, s23, $0xb8;
	[tilespmem:$0x11E28] =	vst v63  }
0xef: {  	_ =	swait.ge [sflag:s15], $0x800  }
0xf0: {  	[sflag:s15] =	ssyncset.done $0x0  }
0xf1: {  	s19 =	sadd.s32 $0x2980, s16;
	[sflag:s15] =	ssyncadd.s32 $0xFFFFF800  }
0xf2: {  	[spmem:s2] =	stream.indirect.scatter.add.f32 [tilespmem:s28], [sflag:$0xC], $0x10, s19, s23, $0xb8;
	[tilespmem:$0x11E28] =	vst v63  }
0xf3: {  	_ =	swait.ge [sflag:s4], $0x800  }
0xf4: {  	[sflag:s4] =	ssyncset.done $0x0  }
0xf5: {  	s20 =	sadd.s32 $0x2A00, s16;
	[sflag:s4] =	ssyncadd.s32 $0xFFFFF800  }
0xf6: {  	[spmem:s2] =	stream.indirect.scatter.add.f32 [tilespmem:s29], [sflag:$0xD], $0x10, s20, s23, $0xb8;
	[tilespmem:$0x11E28] =	vst v63  }
0xf7: {  	_ =	swait.ge [sflag:s5], $0x800  }
0xf8: {  	[sflag:s5] =	ssyncset.done $0x0  }
0xf9: {  	s19 =	sadd.s32 $0x2A80, s16;
	[sflag:s5] =	ssyncadd.s32 $0xFFFFF800  }
0xfa: {  	[spmem:s2] =	stream.indirect.scatter.add.f32 [tilespmem:s30], [sflag:$0xE], $0x10, s19, s23, $0xb8;
	[tilespmem:$0x11E28] =	vst v63  }
0xfb: {  	_ =	swait.ge [sflag:s6], $0x800  }
0xfc: {  	[sflag:s6] =	ssyncset.done $0x0  }
0xfd: {  	s20 =	sadd.s32 $0x2B00, s16;
	[sflag:s6] =	ssyncadd.s32 $0xFFFFF800  }
0xfe: {  	[spmem:s2] =	stream.indirect.scatter.add.f32 [tilespmem:s31], [sflag:$0xF], $0x10, s20, s23, $0xb8;
	[tilespmem:$0x11E28] =	vst v63  }
0xff: {  	_ =	swait.ge [sflag:s7], $0x800  }
0x100: {  	[sflag:s7] =	ssyncset.done $0x0  }
0x101: {  	s16 =	sadd.s32 $0x2B80, s16;
	[sflag:s7] =	ssyncadd.s32 $0xFFFFF800  }
0x102: {  	[spmem:s2] =	stream.indirect.scatter.add.f32 [tilespmem:s1], [sflag:$0x10], $0x10, s16, s23, $0xb8;
	[tilespmem:$0x11E28] =	vst v63  }
0x103: {  	_ =	swait.ge [sflag:s8], $0x800  }
0x104: {  	[sflag:s8] =	ssyncset.done $0x0  }
0x105: {  	[sflag:s8] =	ssyncadd.s32 $0xFFFFF800  }
0x106: {  	_ =	swait.ge [sflag:s9], $0x800  }
0x107: {  	[sflag:s9] =	ssyncset.done $0x0  }
0x108: {  	[sflag:s9] =	ssyncadd.s32 $0xFFFFF800  }
0x109: {  	_ =	swait.ge [sflag:s10], $0x800  }
0x10a: {  	[sflag:s10] =	ssyncset.done $0x0  }
0x10b: {  	[sflag:s10] =	ssyncadd.s32 $0xFFFFF800  }
0x10c: {  	_ =	swait.ge [sflag:s11], $0x800  }
0x10d: {  	[sflag:s11] =	ssyncset.done $0x0  }
0x10e: {  	[sflag:s11] =	ssyncadd.s32 $0xFFFFF800  }
0x10f: {  	_ =	swait.ge [sflag:s12], $0x800  }
0x110: {  	[sflag:s12] =	ssyncset.done $0x0  }
0x111: {  	[sflag:s12] =	ssyncadd.s32 $0xFFFFF800  }
0x112: {  	_ =	swait.ge [sflag:s13], $0x800  }
0x113: {  	[sflag:s13] =	ssyncset.done $0x0  }
0x114: {  	[sflag:s13] =	ssyncadd.s32 $0xFFFFF800  }
0x115: {  	_ =	swait.ge [sflag:s14], $0x800  }
0x116: {  	[sflag:s14] =	ssyncset.done $0x0  }
0x117: {  	[sflag:s14] =	ssyncadd.s32 $0xFFFFF800  }
0x118: {  	_ =	swait.ge [sflag:s18], $0x800  }
0x119: {  	[sflag:s18] =	ssyncset.done $0x0  }
0x11a: {  	[sflag:s18] =	ssyncadd.s32 $0xFFFFF800  }
0x11b: {  	[bflag:$0x0] =	sbarrier.arrive $0xFFFF  }
0x11c: {  	s17 =	rddreg [dreg:$0xd]  }
0x11d: {  	s16 =	simm.s32 @p0 $0x1FD1;
	s19 =	rddreg [dreg:$0x10]  }
0x11e: {  	[hbm:s17], [sflag:s16] =	dma.local @p0 [spmem:s19], $0x500  }
0x11f: {  	s16 =	simm.s32 @p0 $0x11  }
0x120: {  	_ =	swait.ge @p0 [sflag:s16], $0x500  }
0x121: {  	[sflag:s16] =	ssyncset.done @p0 $0x0;
	s17 =	rddreg [dreg:$0xc]  }
0x122: {  	[sflag:s16] =	ssyncadd.s32 @p0 $0xFFFFFB00;
	s16 =	rddreg [dreg:$0xf]  }
0x123: {  	s20 =	rddreg [dreg:$0x15];
	s16 =	sor.u32 @!p0 $0x1C11, s16  }
0x124: {  	[hbm:s17], [sflag:s16] =	dma.local @!p0 [spmem:s20], $0x4E0  }
0x125: {  	s16 =	simm.s32 @!p0 $0x11  }
0x126: {  	_ =	swait.ge @!p0 [sflag:s16], $0x4E0  }
0x127: {  	s17 =	rddreg [dreg:$0x14]  }
0x128: {  	s20 =	sadd.s32 $0x1, s17;
	s17 =	rddreg [dreg:$0xe]  }
0x129: {  	p1 =	sne.s32 s20, s17  }
.Ltmp1:
0x12a: {  	_ = 	snop;
	(pc) =	sbr.rel @p1 .LBB2_1-.Ltmp1, $3  }
0x12b: {  	_ =	sdelay $0x1  }
0x12c: {  	[sflag:s16] =	ssyncset.done @!p0 $0x0  }
0x12d: {  	[sflag:s16] =	ssyncadd.s32 @!p0 $0xFFFFFB20  }
0x12e: {  	_ =	sfence.sel $0x180000  }
0x12f: {  	[bflag:$0x0] =	sbarrier.arrive $0xFFFF  }
0x130: {  	_ =	strace $0x9000004D  }
0x131: {  	s0 =	stileid.u32;
	[bflag:$0x2] =	sbarrier.arrive $0xFFFF  }
0x132: {  	p0 =	sne.s32 s0, $0x0;
	s0 =	rddreg [dreg:$0x4]  }
0x133: {  	s0 =	sadd.s32 @!p0 $0x100000, s0  }
0x134: {  	[sflag:s0] =	ssyncadd.tile.s32 @!p0 $0x1;
	_ =	shalt  }
.Lfunc_end2:
_tile_overlayer_lowered:
.L_overlay_start_2:
0x135: {  	(tag) =	ssettag $0x2  }
0x136: {  	s0 =	rddreg [dreg:$0x0];
	s2 =	stileid.u32  }
0x137: {  	s1 =	rddreg [dreg:$0x1];
	p0 =	sne.s32 s2, $0x0  }
0x138: {  	s3 =	rddreg [dreg:$0x2];
	[bflag:$0x3] =	sbarrier.arrive $0xFFFF;
	s2 =	simm.s32 @!p0 $0x1C11  }
0x139: {  	[timem:s3], [sflag:s2] =	dma.local @!p0 [hbm:s0], s1  }
0x13a: {  	s0 =	simm.s32 @!p0 $0x11  }
0x13b: {  	_ =	swait.ge @!p0 [sflag:s0], s1  }
0x13c: {  	s1 =	ssub.s32 @!p0 $0x0, s1;
	[sflag:s0] =	ssyncset.done @!p0 $0x0  }
0x13d: {  	[sflag:s0] =	ssyncadd.s32 @!p0 s1  }
0x13e: {  	[bflag:$0x3] =	sbarrier.arrive $0xFFFF  }
0x13f: {  	_ =	shalt  }

// kernel: kernel.8.cloned.1.call-start
scs
__scs_entry_jumppad:
0x0: {  	(pc) =	sbr.rel $0x88, $3  }
0x1: {  	(tag) =	ssettag $0x0;
	lr =	simm.s32 $0x1  }
0x2: {  	[smem:$0x3F9B] =	sst lr;
	_ =	strace $0xD0000000  }
0x3: {  	_ = 	snop  }
0x4: {  	_ = 	snop  }
0x5: {  	_ = 	snop  }
0x6: {  	_ = 	snop  }
0x7: {  	_ = 	snop  }
__scs_overlays_trampoline_lowered:
0x8: {  	[smem:$0x3FAA] =	sst s0  }
0x9: {  	[smem:$0x3FAB] =	sst s1  }
0xa: {  	[smem:$0x3FAC] =	sst s2  }
0xb: {  	[smem:$0x3FAD] =	sst s3  }
0xc: {  	[smem:$0x3FAE] =	sst s4  }
0xd: {  	[smem:$0x3FAF] =	sst s5  }
0xe: {  	[smem:$0x3FB0] =	sst s6  }
0xf: {  	[smem:$0x3FB1] =	sst s7  }
0x10: {  	[smem:$0x3FB2] =	sst s8  }
0x11: {  	[smem:$0x3FB3] =	sst s9;
	s0 =	simm.s32 @!p0 $0x0  }
0x12: {  	s1 =	sld [smem:$0x3F99];
	s0 =	simm.s32 @p0 $0x1  }
0x13: {  	[smem:$0x3FB4] =	sst s0;
	s0 =	simm.s32 @!p1 $0x0  }
0x14: {  	s2 =	sld [smem:$0x3F98];
	s0 =	simm.s32 @p1 $0x1  }
0x15: {  	[smem:$0x3FB5] =	sst s0;
	s0 =	simm.s32 @!p2 $0x0  }
0x16: {  	s3 =	sld [smem:$0x3FDB];
	s0 =	simm.s32 @p2 $0x1  }
0x17: {  	s4 =	simm.s32 $0x1BF5;
	[smem:$0x3FB7] =	sst s0  }
0x18: {  	s0 =	sld [smem:$0x3F9A];
	_ =	swait.ge [sflag:s4], $0x0  }
0x19: {  	s7 =	sld [smem:$0x3F9B]  }
0x1a: {  	s8 =	sadd.s32 $0xFFFFE003, lr  }
0x1b: {  	s9 =	sadd.s32 $0xFFFFFEF7, lr;
	s5 =	simm.s32 $0xFFFFFFFF;
	p2 =	slt.u32 s8, $0xFFFFF086  }
0x1c: {  	p1 =	slt.u32 s9, $0xF7A;
	s5 =	simm.s32 @!p2 $0x0  }
0x1d: {  	s5 =	simm.s32 @p1 $0x1;
	p0 =	seq.s32 s7, s2  }
0x1e: {  	s7 =	smul.u32 @!p0 $0xF7A, s2;
	p2 =	seq.s32 @!p0 s5, $0x0  }
0x1f: {  	s9 =	smul.u32 $0xF7A, s1;
	s8 =	simm.s32 @!p0 $0x1BF5;
	p2 =	por !p2, p0  }
0x20: {  	[sflag:s8] =	ssyncset.s32 @!p0 $0xFFFFF086;
	s6 =	sadd.s32 @!p0 s3, s7;
	s7 =	simm.s32 @!p0 $0x108  }
0x21: {  	s3 =	sadd.s32 s3, s9;
	s6 =	sadd.s32 @!p0 $0x88, s6;
	s7 =	simm.s32 @p2 $0x1082  }
0x22: {  	[simem:s7], [sflag:s8] =	dma.local @!p0 [hbm:s6], $0xF7A  }
0x23: {  	s9 =	sor.u32 $0xD0000000, s2;
	s6 =	simm.s32 $0x108;
	_ =	swait.ge @!p0 [sflag:s8], $0x0  }
0x24: {  	s3 =	sadd.s32 $0x88, s3;
	s6 =	simm.s32 @!p1 $0x1082;
	[sflag:s4] =	ssyncset.s32 $0xFFFFF086  }
0x25: {  	[simem:s6], [sflag:s4] =	dma.local [hbm:s3], $0xF7A  }
0x26: {  	[smem:$0x3F9B] =	sst s1;
	(tag) =	ssettag s2;
	_ =	strace s9  }
0x27: {  	s1 =	sld [smem:$0x3FAB]  }
0x28: {  	s2 =	sld [smem:$0x3FAC]  }
0x29: {  	s4 =	sld [smem:$0x3FAE]  }
0x2a: {  	p0 =	seq.s32 s5, $0x0;
	s5 =	sld [smem:$0x3FAF]  }
0x2b: {  	s6 =	sld [smem:$0x3FB0]  }
0x2c: {  	s7 =	sld [smem:$0x3FB1]  }
0x2d: {  	s3 =	simm.s32 $0x108;
	s8 =	sld [smem:$0x3FB2]  }
0x2e: {  	s3 =	simm.s32 @!p0 $0x1082;
	s9 =	sld [smem:$0x3FB3]  }
0x2f: {  	lr =	sadd.s32 s0, s3;
	s0 =	sld [smem:$0x3FAA]  }
0x30: {  	s3 =	sld [smem:$0x3FAD]  }
0x31: {  	[smem:$0x3FB6] =	sst s10  }
0x32: {  	s10 =	sld [smem:$0x3FB4];
	_ =	sdelay $0x3  }
0x33: {  	p0 =	seq.s32 s10, $0x1;
	s10 =	sld [smem:$0x3FB6];
	_ =	sdelay $0x3  }
0x34: {  	[smem:$0x3FB6] =	sst s10  }
0x35: {  	s10 =	sld [smem:$0x3FB5];
	_ =	sdelay $0x3  }
0x36: {  	p1 =	seq.s32 s10, $0x1;
	s10 =	sld [smem:$0x3FB6];
	_ =	sdelay $0x3  }
0x37: {  	[smem:$0x3FB6] =	sst s10  }
0x38: {  	s10 =	sld [smem:$0x3FB7]  }
0x39: {  	_ = 	snop;
	(pc) =	sbr.ind lr, $3  }
0x3a: {  	_ = 	snop  }
0x3b: {  	_ = 	snop  }
0x3c: {  	p2 =	seq.s32 s10, $0x1;
	s10 =	sld [smem:$0x3FB6]  }
0x3d: {  	_ =	shalt  }
0x3e: {  	_ =	shalt  }
0x3f: {  	_ =	shalt  }
0x40: {  	_ =	shalt  }
0x41: {  	_ =	shalt  }
0x42: {  	_ =	shalt  }
0x43: {  	_ =	shalt  }
0x44: {  	_ =	shalt  }
0x45: {  	_ =	shalt  }
0x46: {  	_ =	shalt  }
0x47: {  	_ =	shalt  }
0x48: {  	_ =	shalt  }
0x49: {  	_ =	shalt  }
0x4a: {  	_ =	shalt  }
0x4b: {  	_ =	shalt  }
0x4c: {  	_ =	shalt  }
0x4d: {  	_ =	shalt  }
0x4e: {  	_ =	shalt  }
0x4f: {  	_ =	shalt  }
0x50: {  	_ =	shalt  }
0x51: {  	_ =	shalt  }
0x52: {  	_ =	shalt  }
0x53: {  	_ =	shalt  }
0x54: {  	_ =	shalt  }
0x55: {  	_ =	shalt  }
0x56: {  	_ =	shalt  }
0x57: {  	_ =	shalt  }
0x58: {  	_ =	shalt  }
0x59: {  	_ =	shalt  }
0x5a: {  	_ =	shalt  }
0x5b: {  	_ =	shalt  }
0x5c: {  	_ =	shalt  }
0x5d: {  	_ =	shalt  }
0x5e: {  	_ =	shalt  }
0x5f: {  	_ =	shalt  }
0x60: {  	_ =	shalt  }
0x61: {  	_ =	shalt  }
0x62: {  	_ =	shalt  }
0x63: {  	_ =	shalt  }
0x64: {  	_ =	shalt  }
0x65: {  	_ =	shalt  }
0x66: {  	_ =	shalt  }
0x67: {  	_ =	shalt  }
0x68: {  	_ =	shalt  }
0x69: {  	_ =	shalt  }
0x6a: {  	_ =	shalt  }
0x6b: {  	_ =	shalt  }
0x6c: {  	_ =	shalt  }
0x6d: {  	_ =	shalt  }
0x6e: {  	_ =	shalt  }
0x6f: {  	_ =	shalt  }
0x70: {  	_ =	shalt  }
0x71: {  	_ =	shalt  }
0x72: {  	_ =	shalt  }
0x73: {  	_ =	shalt  }
0x74: {  	_ =	shalt  }
0x75: {  	_ =	shalt  }
0x76: {  	_ =	shalt  }
0x77: {  	_ =	shalt  }
0x78: {  	_ =	shalt  }
0x79: {  	_ =	shalt  }
0x7a: {  	_ =	shalt  }
0x7b: {  	_ =	shalt  }
0x7c: {  	_ =	shalt  }
0x7d: {  	_ =	shalt  }
0x7e: {  	_ =	shalt  }
0x7f: {  	_ =	shalt  }
0x80: {  	_ =	shalt  }
0x81: {  	_ =	shalt  }
0x82: {  	_ =	shalt  }
0x83: {  	_ =	shalt  }
0x84: {  	_ =	shalt  }
0x85: {  	_ =	shalt  }
0x86: {  	_ =	shalt  }
0x87: {  	_ =	shalt  }
.Lfunc_end0:
.L_simem_size_0:
called_computation_lowered:
.L_overlay_start_0:
0x88: {  	s2 =	sld [smem:$0x3FD9]  }
0x89: {  	s3 =	sld [smem:$0x3FFE];
	_ =	sdelay $0x1  }
0x8a: {  	s1 =	srdreg.scid  }
0x8b: {  	s0 =	sand.u32 $0x1, s1  }
0x8c: {  	s17 =	sshll.u32 s0, $0xA;
	s2 =	sadd.s32 s3, s2  }
0x8d: {  	s2 =	sadd.s32 s2, s17  }
0x8e: {  	[smem:$0x3FC2] =	sst s2  }
0x8f: {  	_ = 	snop  }
0x90: {  	s2 =	sld [smem:$0x3FD0];
	(tm) =	ssettm $0x1  }
0x91: {  	s18 =	sld [smem:$0x3FFB];
	_ =	sdelay $0x3  }
0x92: {  	_ =	strace s18  }
0x93: {  	s3 =	sld [smem:$0x3FFC];
	_ =	sdelay $0x3  }
0x94: {  	_ =	strace s3  }
0x95: {  	s3 =	sld [smem:$0x3FFD];
	_ =	sdelay $0x3  }
0x96: {  	_ =	strace s3  }
0x97: {  	_ =	strace $0x8FFFFFFF  }
0x98: {  	s19 =	sld [smem:$0x3FDB];
	_ =	sdelay $0x1  }
0x99: {  	s4 =	simm.s32 $_scs_section_size  }
0x9a: {  	s5 =	simm.s32 $_size__tile_overlayer_lowered;
	s6 =	simm.s32 $_tile_overlayer_lowered  }
0x9b: {  	s22 =	simm.s32 $0x1BFF;
	s21 =	sshll.u32 s6, $0x1;
	s3 =	sadd.s32 s4, s19  }
0x9c: {  	s7 =	simm.s32 $0x0;
	s20 =	sshll.u32 s5, $0x1;
	s5 =	sadd.s32 s21, s3  }
0x9d: {  	[timem:s7], [sflag:s22] =	dma.local [hbm:s5], s20  }
0x9e: {  	_ =	swait.ge [sflag:s22], s20  }
0x9f: {  	s4 =	ssub.s32 $0x0, s20;
	[sflag:s22] =	ssyncset.done $0x0  }
0xa0: {  	[sflag:s22] =	ssyncadd.s32 s4;
	_ =	sdelay $0x1  }
0xa1: {  	s23 =	simm.s32 $0x1B8B  }
0xa2: {  	_ =	swait.ge [sflag:s23], $0x1  }
0xa3: {  	[sflag:s23] =	ssyncset.done $0x0  }
0xa4: {  	s25 =	simm.s32 $0x1B8E;
	s24 =	sld [smem:$0x3FFE];
	[sflag:s23] =	ssyncadd.s32 $0xFFFFFFFF  }
0xa5: {  	s26 =	simm.s32 $execute0_lowered;
	[smem:$0x3FD2] =	sst s25  }
0xa6: {  	s5 =	sshll.u32 s26, $0x1;
	_ =	strace $0x80000046;
	[dreg:$0x1] =	wrdreg $0xFFFFFFFF  }
0xa7: {  	s28 =	simm.s32 $_size_execute0_lowered;
	s3 =	sadd.s32 s3, s5;
	[dreg:$0x0] =	wrdreg $0x0  }
0xa8: {  	s5 =	sshll.u32 s28, $0x1;
	[dreg:$0x2] =	wrdreg s3  }
0xa9: {  	[dreg:$0x3] =	wrdreg s5  }
0xaa: {  	[dreg:$0x4] =	wrdreg $0xC0  }
0xab: {  	_ =	task [dreg:s7], $0x5FFFF  }
0xac: {  	[dreg:$0x1] =	wrdreg $0xFFFFFFFF  }
0xad: {  	[dreg:$0x0] =	wrdreg $0x60  }
0xae: {  	[dreg:$0x2] =	wrdreg s24  }
0xaf: {  	[dreg:$0x3] =	wrdreg s2  }
0xb0: {  	[dreg:$0x4] =	wrdreg $0x28800  }
0xb1: {  	[dreg:$0x5] =	wrdreg $0x9  }
0xb2: {  	_ =	task.clear_ibuf [dreg:s7], $0x6FFFF;
	_ =	strace $0x90000046  }
0xb3: {  	s29 =	simm.s32 $0x9;
	_ =	strace $0x80000048  }
0xb4: {  	_ =	swait.ge [sflag:s29], $0x1  }
0xb5: {  	[sflag:s29] =	ssyncadd.s32 $0xFFFFFFFF  }
0xb6: {  	_ =	strace $0x90000048  }
0xb7: {  	_ =	sfence  }
0xb8: {  	s30 =	sld [smem:$0x0];
	_ =	sdelay $0x2  }
0xb9: {  	s31 =	sshll.u32 s1, $0xD;
	s1 =	sshrl.u32 s1, $0x2  }
0xba: {  	s3 =	sand.u32 $0x4000, s31;
	s1 =	sadd.s32 s1, s30  }
0xbb: {  	s0 =	sor.u32 s3, s0;
	s1 =	sshll.u32 s1, $0x11  }
0xbc: {  	s0 =	sor.u32 s1, s0  }
0xbd: {  	s0 =	sadd.s32 $0x8F2B, s0  }
0xbe: {  	[sflag:s0] =	ssyncadd.remote.s32 $0x1  }
0xbf: {  	_ =	sfence.sel $0xFFFF  }
0xc0: {  	[dreg:$0x0] =	wrdreg $0xFFFFFFFF;
	(pc) =	sbr.abs _section_cstart, $3  }
0xc1: {  	[dreg:$0x1] =	wrdreg $0xFFFFFFFF  }
0xc2: {  	_ =	task.clear_ibuf [dreg:s7], $0x2FFFF;
	_ =	strace $0x9FFFFFFF  }
0xc3: {  	(tm) =	ssettm $0x7FFFFFFF  }
tec
execute0_lowered:
.L_overlay_start_1:
0x0: {  	(tag) =	ssettag $0x1  }
0x1: {  	s3 =	rddreg [dreg:$0x0]  }
0x2: {  	s5 =	rddreg [dreg:$0x1]  }
0x3: {  	s0 =	srdreg.scid;
	s6 =	stileid.u32  }
0x4: {  	s1 =	rddreg [dreg:$0x2];
	s2 =	simm.s32 $0x0;
	s11 =	simm.s32 $0x0  }
0x5: {  	s4 =	sand.u32 $0x1, s0;
	s7 =	sshll.u32 s6, $0x1;
	s0 =	rddreg [dreg:$0x3]  }
0x6: {  	[smem:$0x7FF] =	sst s2;
	p0 =	sne.s32 s6, $0x0;
	s8 =	ssub.s32 $0x2, s4  }
0x7: {  	s7 =	sor.u32 s4, s7;
	s10 =	smul.u32 $0x4E3, s4;
	s9 =	sshrl.u32 s8, $0x1  }
0x8: {  	_ =	strace $0x80000047;
	s7 =	smul.u32 $0x500, s7;
	s31 =	ssub.s32 s8, s9  }
0x9: {  	s5 =	sadd.s32 s5, s10;
	s8 =	sshrl.u32 @!p0 s1, $0x3;
	s9 =	simm.s32 $0x80  }
0xa: {  	s10 =	simm.s32 $0x2800;
	s30 =	sadd.s32 s7, s3;
	s3 =	sadd.s32 $0xB600, s3  }
0xb: {  	v0 =	vimm.f32 $1.000000000e+00;
	s6 =	smax.u32 s31, $0x1;
	s7 =	simm.s32 $0x1;
	s4 =	sadd.s32 $0x1600, s30  }
.LBB2_1:
0xc: {  	[tilespmem:$0x2800] =	vst v0  }
0xd: {  	[tilespmem:$0x2810] =	vst v0  }
0xe: {  	[tilespmem:$0x2820] =	vst v0  }
0xf: {  	[tilespmem:$0x2830] =	vst v0  }
0x10: {  	[tilespmem:$0x2840] =	vst v0  }
0x11: {  	[tilespmem:$0x2850] =	vst v0  }
0x12: {  	[tilespmem:$0x2860] =	vst v0  }
0x13: {  	[tilespmem:$0x2870] =	vst v0  }
0x14: {  	[tilespmem:s2], [sflag:$0x1] =	stream.linear.gather [hbm4b:s4+s2], $0x2800, $0x38;
	[tilespmem:$0x2AF8] =	vst v63  }
0x15: {  	_ =	swait.ge [sflag:s7], $0x2800  }
0x16: {  	[sflag:s7] =	ssyncset.done $0x0  }
0x17: {  	s12 =	simm.s32 @!p0 $0x1C01;
	[sflag:s7] =	ssyncadd.s32 $0xFFFFD800  }
0x18: {  	[spmem:s8], [sflag:s12] =	dma.local @!p0 [hbm:s3], $0x4E3  }
0x19: {  	s12 =	simm.s32 @!p0 $0x1  }
0x1a: {  	_ =	swait.ge @!p0 [sflag:s12], $0x4E3  }
0x1b: {  	[sflag:s12] =	ssyncset.done @!p0 $0x0  }
0x1c: {  	[sflag:s12] =	ssyncadd.s32 @!p0 $0xFFFFFB1D  }
0x1d: {  	s31 =	simm.s32 $0x0;
	[bflag:$0x0] =	sbarrier.arrive $0xFFFF  }
0x1e: {  	[spmem:s1] =	stream.indirect.scatter.add.f32 [tilespmem:s10], [sflag:$0x1], $0x1, s31, s9, $0xb8;
	[tilespmem:$0x2AF8] =	vst v63  }
0x1f: {  	_ =	swait.ge [sflag:s7], $0x80  }
0x20: {  	s12 =	simm.s32 $0x200;
	[sflag:s7] =	ssyncset.done $0x0  }
.LBB2_2:
0x21: {  	s13 =	sshra.s32 s12, $0x2;
	[sflag:s7] =	ssyncadd.s32 $0xFFFFFF80;
	p1 =	sne.s32 s12, $0x9E00  }
0x22: {  	[spmem:s1] =	stream.indirect.scatter.add.f32 [tilespmem:s10], [sflag:$0x1], $0x1, s13, s9, $0xb8;
	[tilespmem:$0x2AF8] =	vst v63  }
.Ltmp0:
0x23: {  	_ = 	snop;
	(pc) =	sbr.rel @p1 .LBB2_2-.Ltmp0, $4  }
0x24: {  	_ = 	snop  }
0x25: {  	s12 =	sadd.s32 $0x200, s12  }
0x26: {  	_ =	swait.ge [sflag:s7], $0x80  }
0x27: {  	[sflag:s7] =	ssyncset.done $0x0  }
0x28: {  	[sflag:s7] =	ssyncadd.s32 $0xFFFFFF80;
	s11 =	sadd.s32 $0x1, s11  }
0x29: {  	s12 =	simm.s32 @!p0 $0x1C01;
	[bflag:$0x0] =	sbarrier.arrive $0xFFFF;
	p1 =	sne.s32 s11, s6  }
0x2a: {  	[hbm:s5], [sflag:s12] =	dma.local @!p0 [spmem:s8], $0x4E3  }
.Ltmp1:
0x2b: {  	_ = 	snop;
	(pc) =	sbr.rel @p1 .LBB2_1-.Ltmp1, $4  }
0x2c: {  	s12 =	simm.s32 @!p0 $0x1  }
0x2d: {  	_ =	swait.ge @!p0 [sflag:s12], $0x4E3  }
0x2e: {  	[sflag:s12] =	ssyncset.done @!p0 $0x0  }
0x2f: {  	[sflag:s12] =	ssyncadd.s32 @!p0 $0xFFFFFB1D  }
0x30: {  	_ =	sfence.sel $0x180000  }
0x31: {  	[bflag:$0x0] =	sbarrier.arrive $0xFFFF  }
0x32: {  	_ =	strace $0x90000047  }
0x33: {  	s0 =	sadd.s32 @!p0 $0x100000, s0;
	[bflag:$0x2] =	sbarrier.arrive $0xFFFF  }
0x34: {  	[sflag:s0] =	ssyncadd.tile.s32 @!p0 $0x1;
	_ =	shalt  }
.Lfunc_end2:
_tile_overlayer_lowered:
.L_overlay_start_2:
0x35: {  	(tag) =	ssettag $0x2  }
0x36: {  	s0 =	rddreg [dreg:$0x0];
	s2 =	stileid.u32  }
0x37: {  	s1 =	rddreg [dreg:$0x1];
	p0 =	sne.s32 s2, $0x0  }
0x38: {  	s3 =	rddreg [dreg:$0x2];
	[bflag:$0x3] =	sbarrier.arrive $0xFFFF;
	s2 =	simm.s32 @!p0 $0x1C01  }
0x39: {  	[timem:s3], [sflag:s2] =	dma.local @!p0 [hbm:s0], s1  }
0x3a: {  	s0 =	simm.s32 @!p0 $0x1  }
0x3b: {  	_ =	swait.ge @!p0 [sflag:s0], s1  }
0x3c: {  	s1 =	ssub.s32 @!p0 $0x0, s1;
	[sflag:s0] =	ssyncset.done @!p0 $0x0  }
0x3d: {  	[sflag:s0] =	ssyncadd.s32 @!p0 s1  }
0x3e: {  	[bflag:$0x3] =	sbarrier.arrive $0xFFFF  }
0x3f: {  	_ =	shalt  }

</sc_bundles>
